<compile_context>
chip_gen: v7x
topology: tpu7x:2x2x1
jax: 0.10.2.dev20260603
libtpu: 0.0.44.dev20260713+nightly
codegen_flags: <defaults>
</compile_context>

<pallas_src>
import functools

import jax
import jax.numpy as jnp
from jax import lax
from jax.experimental import pallas as pl
from jax.experimental.pallas import tpu as pltpu
from jax.experimental.pallas import tpu_sc as plsc

N = 10000
NPAD = 10240
D = 128
K = 16
E = N * K
E1 = 640 * K

ROWS = 128
NSLICE = 16
SLOT = NPAD // NSLICE


def _extract16(vals, idxa, idx_ref, big_i, inf):
    m = None
    for t in range(K):
        m = jnp.min(vals, axis=1, keepdims=True)
        eq = vals == m
        cand = jnp.where(eq, idxa, big_i)
        c = jnp.min(cand, axis=1, keepdims=True)
        idx_ref[:, t : t + 1] = c
        vals = jnp.where(idxa == c, inf, vals)
    return m


def _knn_body(xr_ref, xt_ref, w1a_ref, idx_ref, ab_ref):
    xr = xr_ref[:]
    xt = xt_ref[:]

    top = w1a_ref[:D, :]
    bot = w1a_ref[D:, :]
    m1 = jnp.concatenate([bot, top - bot], axis=1)
    ab_ref[:] = jnp.dot(xr, m1, preferred_element_type=jnp.float32)

    sqc = jnp.sum(xt * xt, axis=0, keepdims=True)
    colv = lax.broadcasted_iota(jnp.int32, (1, NPAD), 1)
    sqc = jnp.where(colv >= N, 1e30, sqc)
    sqr = jnp.sum(xr * xr, axis=1, keepdims=True)
    dot = jnp.dot(xr, xt, preferred_element_type=jnp.float32)
    d = (sqr - 2.0 * dot) + sqc

    col = lax.broadcasted_iota(jnp.int32, (ROWS, NPAD), 1)
    big_i = jnp.int32(2**30)
    inf = jnp.float32(jnp.inf)

    def fold(track3):
        v1 = d[:, :SLOT]
        i1 = col[:, :SLOT]
        v2 = jnp.full((ROWS, SLOT), inf, jnp.float32)
        i2 = jnp.full((ROWS, SLOT), big_i, jnp.int32)
        v3 = jnp.full((ROWS, SLOT), inf, jnp.float32)
        i3 = jnp.full((ROWS, SLOT), big_i, jnp.int32)
        v4 = jnp.full((ROWS, SLOT), inf, jnp.float32)
        for s in range(1, NSLICE):
            v = d[:, s * SLOT : (s + 1) * SLOT]
            i = col[:, s * SLOT : (s + 1) * SLOT]
            c1 = v < v1
            c2 = v < v2
            nv1 = jnp.where(c1, v, v1)
            ni1 = jnp.where(c1, i, i1)
            nv2 = jnp.where(c1, v1, jnp.where(c2, v, v2))
            ni2 = jnp.where(c1, i1, jnp.where(c2, i, i2))
            if track3:
                c3 = v < v3
                nv3 = jnp.where(c2, v2, jnp.where(c3, v, v3))
                ni3 = jnp.where(c2, i2, jnp.where(c3, i, i3))
                nv4 = jnp.minimum(v4, jnp.maximum(v3, v))
                i3, v4 = ni3, nv4
            else:
                nv3 = jnp.minimum(v3, jnp.maximum(v2, v))
            v1, i1, v2, i2, v3 = nv1, ni1, nv2, ni2, nv3
        return v1, i1, v2, i2, v3, i3, v4

    v1, i1, v2, i2, v3, _, _ = fold(False)
    m = _extract16(jnp.concatenate([v1, v2], axis=1),
                   jnp.concatenate([i1, i2], axis=1), idx_ref, big_i, inf)

    @pl.when(jnp.any(v3 <= m))
    def _():
        w1, j1, w2, j2, w3, j3, w4 = fold(True)
        mw = _extract16(jnp.concatenate([w1, w2, w3], axis=1),
                        jnp.concatenate([j1, j2, j3], axis=1),
                        idx_ref, big_i, inf)

        @pl.when(jnp.any(w4 <= mw))
        def _():
            dd = d
            for t in range(K):
                mm = jnp.min(dd, axis=1, keepdims=True)
                cc = jnp.min(jnp.where(dd == mm, col, big_i),
                             axis=1, keepdims=True)
                idx_ref[:, t : t + 1] = cc
                dd = jnp.where(col == cc, inf, dd)


def _knn(xpad, w1a):
    xt = xpad.T
    grid = NPAD // ROWS
    return pl.pallas_call(
        _knn_body,
        grid=(grid,),
        in_specs=[
            pl.BlockSpec((ROWS, D), lambda i: (i, 0)),
            pl.BlockSpec((D, NPAD), lambda i: (0, 0)),
            pl.BlockSpec((2 * D, 64), lambda i: (0, 0)),
        ],
        out_specs=(
            pl.BlockSpec((ROWS, K), lambda i: (i, 0)),
            pl.BlockSpec((ROWS, D), lambda i: (i, 0)),
        ),
        out_shape=(
            jax.ShapeDtypeStruct((NPAD, K), jnp.int32),
            jax.ShapeDtypeStruct((NPAD, D), jnp.float32),
        ),
    )(xpad, xt, w1a)


def _sc_gather(table, idx, chunk, nchunks, nbuf):
    b, dt = idx.shape[0], table.shape[1]
    info = plsc.get_sparse_core_info()
    nc, ns = info.num_cores, info.num_subcores
    b_per_w = b // (nc * ns)
    mesh = plsc.VectorSubcoreMesh(core_axis_name="c", subcore_axis_name="s")

    @functools.partial(
        pl.kernel,
        mesh=mesh,
        out_type=jax.ShapeDtypeStruct((b, dt), jnp.float32),
        scratch_types=[
            pltpu.VMEM((b_per_w,), jnp.int32),
            [pltpu.VMEM((chunk, dt), jnp.float32) for _ in range(nbuf)],
            [pltpu.SemaphoreType.DMA for _ in range(nbuf)],
        ],
    )
    def k(table_hbm, idx_hbm, out_hbm, idx_v, rows, sems):
        wid = lax.axis_index("s") * nc + lax.axis_index("c")
        base = wid * b_per_w

        def fire(g, bf):
            off = pl.multiple_of(g * chunk, 8)
            pltpu.async_copy(
                table_hbm.at[idx_v.at[pl.ds(off, chunk)]], rows[bf], sems[bf])

        def wait(bf):
            pltpu.make_async_copy(
                table_hbm.at[pl.ds(0, chunk)], rows[bf], sems[bf]).wait()

        def put(g, bf):
            off = pl.multiple_of(base + g * chunk, 8)
            pltpu.sync_copy(rows[bf], out_hbm.at[pl.ds(off, chunk)])

        pltpu.sync_copy(idx_hbm.at[pl.ds(base, b_per_w)], idx_v)
        for bf in range(nbuf):
            fire(bf, bf)

        def body(it, _):
            for bf in range(nbuf):
                g = it * nbuf + bf
                wait(bf)
                put(g - nbuf, bf)
                fire(g, bf)
            return 0

        lax.fori_loop(1, nchunks // nbuf, body, 0)
        for bf in range(nbuf):
            wait(bf)
            put(nchunks - nbuf + bf, bf)

    return k(table, idx)


def _conv1_body(a1_ref, b1g_ref, b1a_ref, w1b_ref, b1b_ref, w2a_ref,
                a2_ref, b2_ref):
    a1 = a1_ref[:]
    arep = jnp.broadcast_to(a1[:, None, :], (E1 // K, K, 64))
    arep = jnp.reshape(arep, (E1, 64))
    z = jnp.maximum(arep + b1g_ref[:, :64] + b1a_ref[:], 0.0)
    h = jnp.dot(z, w1b_ref[:], preferred_element_type=jnp.float32)
    h = jnp.maximum(h + b1b_ref[:], 0.0)
    top = w2a_ref[:64, :]
    bot = w2a_ref[64:, :]
    a2_ref[:] = jnp.dot(h, top - bot, preferred_element_type=jnp.float32)
    b2_ref[:] = jnp.dot(h, bot, preferred_element_type=jnp.float32)


def _conv1(a1_640, b1g, b1a, w1b, b1b, w2a):
    return pl.pallas_call(
        _conv1_body,
        out_shape=(
            jax.ShapeDtypeStruct((E1, D), jnp.float32),
            jax.ShapeDtypeStruct((E1, D), jnp.float32),
        ),
    )(a1_640, b1g, b1a, w1b, b1b, w2a)


UTILE = 400
ETILE = UTILE * K
NTILES = N // UTILE


def _conv2_body(a2_ref, g2_ref, b2a_ref, w2b_ref, b2b_ref,
                wf1_ref, bf1_ref, wf2_ref, bf2_ref, out_ref, acc_ref):
    t = pl.program_id(0)
    a2 = a2_ref[:]
    arep = jnp.broadcast_to(a2[:, None, :], (UTILE, K, D))
    arep = jnp.reshape(arep, (ETILE, D))
    z = jnp.maximum(arep + g2_ref[:] + b2a_ref[:], 0.0)
    o = jnp.dot(z, w2b_ref[:], preferred_element_type=jnp.float32)
    o = jnp.maximum(o + b2b_ref[:], 0.0)
    m = jnp.max(o, axis=0, keepdims=True)

    @pl.when(t == 0)
    def _():
        acc_ref[0:1, :] = m

    @pl.when(t > 0)
    def _():
        acc_ref[0:1, :] = jnp.maximum(acc_ref[0:1, :], m)

    @pl.when(t == NTILES - 1)
    def _():
        g = acc_ref[0:1, :]
        g = jnp.maximum(
            jnp.dot(g, wf1_ref[:], preferred_element_type=jnp.float32)
            + bf1_ref[:], 0.0)
        out_ref[:] = (
            jnp.dot(g, wf2_ref[:], preferred_element_type=jnp.float32)
            + bf2_ref[:])


def _conv2_pool_head(a2, g2, b2a, w2b, b2b, wf1, bf1, wf2, bf2):
    return pl.pallas_call(
        _conv2_body,
        grid=(NTILES,),
        in_specs=[
            pl.BlockSpec((UTILE, D), lambda i: (i, 0)),
            pl.BlockSpec((ETILE, D), lambda i: (i, 0)),
            pl.BlockSpec((1, D), lambda i: (0, 0)),
            pl.BlockSpec((D, D), lambda i: (0, 0)),
            pl.BlockSpec((1, D), lambda i: (0, 0)),
            pl.BlockSpec((D, D), lambda i: (0, 0)),
            pl.BlockSpec((1, D), lambda i: (0, 0)),
            pl.BlockSpec((D, D), lambda i: (0, 0)),
            pl.BlockSpec((1, D), lambda i: (0, 0)),
        ],
        out_specs=pl.BlockSpec((1, D), lambda i: (0, 0)),
        out_shape=jax.ShapeDtypeStruct((1, D), jnp.float32),
        scratch_shapes=[pltpu.VMEM((8, D), jnp.float32)],
    )(a2, g2, b2a, w2b, b2b, wf1, bf1, wf2, bf2)


def kernel(x, W1a, b1a, W1b, b1b, W2a, b2a, W2b, b2b, Wf1, bf1, Wf2, bf2):
    xpad = jnp.pad(x, ((0, NPAD - N), (0, 0)))

    idx, ab1 = _knn(xpad, W1a)

    flat1 = idx[: E1 // K, :].reshape(E1)
    b1g = _sc_gather(ab1, flat1, chunk=40, nchunks=8, nbuf=8)
    a2, b2 = _conv1(ab1[: E1 // K, 64:], b1g, b1a.reshape(1, 64), W1b,
                    b1b.reshape(1, 64), W2a)

    flat2 = idx[:N, :].reshape(E)
    g2 = _sc_gather(b2, flat2, chunk=40, nchunks=125, nbuf=5)

    out = _conv2_pool_head(
        a2, g2, b2a.reshape(1, D), W2b, b2b.reshape(1, D),
        Wf1, bf1.reshape(1, D), Wf2, bf2.reshape(1, D))
    return out.reshape(D)

# --- scband reference (transcript-rebuilt; emitter-appended) ---
"""Pipeline reference for scband-dgcnn-71579924955362 (READ-ONLY COPY).

The authoritative reference and input builder live on the scoring server;
editing this copy changes nothing except your own understanding.
"""

import jax, jax.numpy as jnp
import numpy as np

N = 10000
D = 128
K = 16


def _lin_init(key, fan_in, fan_out):
    lim = 1.0 / np.sqrt(fan_in)
    kw, kb = jax.random.split(key)
    W = jax.random.uniform(kw, (fan_in, fan_out), minval=-lim, maxval=lim, dtype=jnp.float32)
    b = jax.random.uniform(kb, (fan_out,), minval=-lim, maxval=lim, dtype=jnp.float32)
    return W, b


def setup_inputs(seed: int = 0) -> dict:
    key = jax.random.key(seed)
    ks = jax.random.split(key, 8)
    x = jax.random.normal(ks[0], (N, D), dtype=jnp.float32)
    # conv1: EdgeConv(in=128 -> 64): Linear(2*128, 64), Linear(64, 64)
    W1a, b1a = _lin_init(ks[1], 2 * D, 64)
    W1b, b1b = _lin_init(ks[2], 64, 64)
    # conv2: EdgeConv(in=64 -> 128): Linear(2*64, 128), Linear(128, 128)
    W2a, b2a = _lin_init(ks[3], 2 * 64, 128)
    W2b, b2b = _lin_init(ks[4], 128, 128)
    # fc head: Linear(128, 128), ReLU, Linear(128, out_channels=128)
    Wf1, bf1 = _lin_init(ks[5], 128, 128)
    Wf2, bf2 = _lin_init(ks[6], 128, 128)
    return {
        "x": x,
        "W1a": W1a, "b1a": b1a, "W1b": W1b, "b1b": b1b,
        "W2a": W2a, "b2a": b2a, "W2b": W2b, "b2b": b2b,
        "Wf1": Wf1, "bf1": bf1, "Wf2": Wf2, "bf2": bf2,
    }


def knn_graph(x, k):
    # exact brute-force kNN (sklearn NearestNeighbors includes self as nearest)
    sq = jnp.sum(x * x, axis=1)
    dist = sq[:, None] - 2.0 * (x @ x.T) + sq[None, :]
    _, idx = jax.lax.top_k(-dist, k)  # [N, k], self is among nearest
    row = jnp.repeat(jnp.arange(x.shape[0], dtype=jnp.int32), k)
    col = idx.reshape(-1).astype(jnp.int32)
    return jnp.stack([row, col], axis=0)


def edge_conv(x, edge_index, Wa, ba, Wb, bb):
    row, col = edge_index[0], edge_index[1]
    xr = jnp.take(x, row, axis=0)
    xc = jnp.take(x, col, axis=0)
    out = jnp.concatenate([xr, xc - xr], axis=-1)
    h = jax.nn.relu(out @ Wa + ba)
    return jax.nn.relu(h @ Wb + bb)


def reference(x, W1a, b1a, W1b, b1b, W2a, b2a, W2b, b2b, Wf1, bf1, Wf2, bf2):
    edge_index = knn_graph(x, K)
    h = edge_conv(x, edge_index, W1a, b1a, W1b, b1b)        # [E, 64]
    h = edge_conv(h, edge_index, W2a, b2a, W2b, b2b)        # [E, 128] (reuses node-indexed edges on edge-level feats, as original)
    g = jnp.max(h, axis=0)                                   # global max pool -> [128]
    g = jax.nn.relu(g @ Wf1 + bf1)
    return g @ Wf2 + bf2

if __name__ == "__main__":
    import jax
    _d = setup_inputs()
    print(jax.jit(kernel)(*tuple(_d.values())))

</pallas_src>

<mosaic_0001>
#map = affine_map<(d0, d1) -> (0, 0)>
#map1 = affine_map<(d0, d1) -> (0)>
module attributes {stable_mosaic.version = 14 : i64} {
  func.func @k(%arg0: i32, %arg1: i32, %arg2: memref<10240x128xf32, #tpu.memory_space<hbm>>, %arg3: memref<160000xi32, #tpu.memory_space<hbm>>, %arg4: memref<160000x128xf32, #tpu.memory_space<hbm>>, %arg5: memref<5000xi32, #tpu.memory_space<vmem>>, %arg6: memref<40x128xf32, #tpu.memory_space<vmem>>, %arg7: memref<40x128xf32, #tpu.memory_space<vmem>>, %arg8: memref<40x128xf32, #tpu.memory_space<vmem>>, %arg9: memref<40x128xf32, #tpu.memory_space<vmem>>, %arg10: memref<40x128xf32, #tpu.memory_space<vmem>>, %arg11: memref<!tpu.dma_semaphore, #tpu.memory_space<semaphore_mem>>, %arg12: memref<!tpu.dma_semaphore, #tpu.memory_space<semaphore_mem>>, %arg13: memref<!tpu.dma_semaphore, #tpu.memory_space<semaphore_mem>>, %arg14: memref<!tpu.dma_semaphore, #tpu.memory_space<semaphore_mem>>, %arg15: memref<!tpu.dma_semaphore, #tpu.memory_space<semaphore_mem>>) attributes {dimension_semantics = [#tpu.dimension_semantics<core_parallel>, #tpu.dimension_semantics<subcore_parallel>], iteration_bounds = array<i64: 2, 16>, scalar_prefetch = 0 : i64, scratch_operands = 11 : i64, tpu.core_type = #tpu.core_type<sc_vector_subcore>, window_params = [{transform_indices = #map}, {transform_indices = #map1}, {transform_indices = #map}]} {
    %mul3A = arith.constant 2 : i32
    %mul3A_0 = arith.muli %arg1, %mul3A : i32
    %add3A = arith.addi %mul3A_0, %arg0 : i32
    %mul3A_1 = arith.constant 5000 : i32
    %mul3A_2 = arith.muli %add3A, %mul3A_1 : i32
    "tpu.region"() ({
      %run_scoped3A = tpu.sem_alloc : memref<!tpu.dma_semaphore, #tpu.memory_space<semaphore_mem>>
      %dma_start3A_81 = tpu.memref_slice %arg3[%mul3A_2] : memref<160000xi32, #tpu.memory_space<hbm>> -> memref<5000xi32, #tpu.memory_space<hbm>>
      %dma_start3A_82 = tpu.memref_slice %arg3[%mul3A_2] : memref<160000xi32, #tpu.memory_space<hbm>> -> memref<5000xi32, #tpu.memory_space<hbm>>
      tpu.enqueue_dma source(%dma_start3A_82 : memref<5000xi32, #tpu.memory_space<hbm>>) target(%arg5 : memref<5000xi32, #tpu.memory_space<vmem>>) target_semaphore(%run_scoped3A : memref<!tpu.dma_semaphore, #tpu.memory_space<semaphore_mem>>)
      %dma_wait3A_83 = tpu.memref_slice %arg3[%mul3A_2] : memref<160000xi32, #tpu.memory_space<hbm>> -> memref<5000xi32, #tpu.memory_space<hbm>>
      %dma_wait3A_84 = tpu.memref_slice %arg3[%mul3A_2] : memref<160000xi32, #tpu.memory_space<hbm>> -> memref<5000xi32, #tpu.memory_space<hbm>>
      tpu.wait_dma2 semaphore(%run_scoped3A : memref<!tpu.dma_semaphore, #tpu.memory_space<semaphore_mem>>) src(%dma_wait3A_84 : memref<5000xi32, #tpu.memory_space<hbm>>) dst(%arg5 : memref<5000xi32, #tpu.memory_space<vmem>>)
      tpu.yield
    }) : () -> ()
    %multiple_of3A = arith.constant 0 : i32
    %multiple_of3A_3 = tpu.assume_multiple %multiple_of3A, 8 : i32
    %dma_start3A = tpu.memref_slice %arg5[%multiple_of3A_3] : memref<5000xi32, #tpu.memory_space<vmem>> -> memref<40xi32, #tpu.memory_space<vmem>>
    %dma_start3A_4 = arith.constant 0 : i32
    %dma_start3A_5 = arith.constant 0 : i32
    %dma_start3A_6 = tpu.memref_slice %arg2[%dma_start3A_4, %dma_start3A_5] : memref<10240x128xf32, #tpu.memory_space<hbm>> -> memref<10240x128xf32, #tpu.memory_space<hbm>>
    tpu.enqueue_indirect_dma source(%dma_start3A_6 : memref<10240x128xf32, #tpu.memory_space<hbm>>) target(%arg6 : memref<40x128xf32, #tpu.memory_space<vmem>>) offsets(%dma_start3A : memref<40xi32, #tpu.memory_space<vmem>>) semaphore(%arg11 : memref<!tpu.dma_semaphore, #tpu.memory_space<semaphore_mem>>)
    %multiple_of3A_7 = arith.constant 40 : i32
    %multiple_of3A_8 = tpu.assume_multiple %multiple_of3A_7, 8 : i32
    %dma_start3A_9 = tpu.memref_slice %arg5[%multiple_of3A_8] : memref<5000xi32, #tpu.memory_space<vmem>> -> memref<40xi32, #tpu.memory_space<vmem>>
    %dma_start3A_10 = arith.constant 0 : i32
    %dma_start3A_11 = arith.constant 0 : i32
    %dma_start3A_12 = tpu.memref_slice %arg2[%dma_start3A_10, %dma_start3A_11] : memref<10240x128xf32, #tpu.memory_space<hbm>> -> memref<10240x128xf32, #tpu.memory_space<hbm>>
    tpu.enqueue_indirect_dma source(%dma_start3A_12 : memref<10240x128xf32, #tpu.memory_space<hbm>>) target(%arg7 : memref<40x128xf32, #tpu.memory_space<vmem>>) offsets(%dma_start3A_9 : memref<40xi32, #tpu.memory_space<vmem>>) semaphore(%arg12 : memref<!tpu.dma_semaphore, #tpu.memory_space<semaphore_mem>>)
    %multiple_of3A_13 = arith.constant 80 : i32
    %multiple_of3A_14 = tpu.assume_multiple %multiple_of3A_13, 8 : i32
    %dma_start3A_15 = tpu.memref_slice %arg5[%multiple_of3A_14] : memref<5000xi32, #tpu.memory_space<vmem>> -> memref<40xi32, #tpu.memory_space<vmem>>
    %dma_start3A_16 = arith.constant 0 : i32
    %dma_start3A_17 = arith.constant 0 : i32
    %dma_start3A_18 = tpu.memref_slice %arg2[%dma_start3A_16, %dma_start3A_17] : memref<10240x128xf32, #tpu.memory_space<hbm>> -> memref<10240x128xf32, #tpu.memory_space<hbm>>
    tpu.enqueue_indirect_dma source(%dma_start3A_18 : memref<10240x128xf32, #tpu.memory_space<hbm>>) target(%arg8 : memref<40x128xf32, #tpu.memory_space<vmem>>) offsets(%dma_start3A_15 : memref<40xi32, #tpu.memory_space<vmem>>) semaphore(%arg13 : memref<!tpu.dma_semaphore, #tpu.memory_space<semaphore_mem>>)
    %multiple_of3A_19 = arith.constant 120 : i32
    %multiple_of3A_20 = tpu.assume_multiple %multiple_of3A_19, 8 : i32
    %dma_start3A_21 = tpu.memref_slice %arg5[%multiple_of3A_20] : memref<5000xi32, #tpu.memory_space<vmem>> -> memref<40xi32, #tpu.memory_space<vmem>>
    %dma_start3A_22 = arith.constant 0 : i32
    %dma_start3A_23 = arith.constant 0 : i32
    %dma_start3A_24 = tpu.memref_slice %arg2[%dma_start3A_22, %dma_start3A_23] : memref<10240x128xf32, #tpu.memory_space<hbm>> -> memref<10240x128xf32, #tpu.memory_space<hbm>>
    tpu.enqueue_indirect_dma source(%dma_start3A_24 : memref<10240x128xf32, #tpu.memory_space<hbm>>) target(%arg9 : memref<40x128xf32, #tpu.memory_space<vmem>>) offsets(%dma_start3A_21 : memref<40xi32, #tpu.memory_space<vmem>>) semaphore(%arg14 : memref<!tpu.dma_semaphore, #tpu.memory_space<semaphore_mem>>)
    %multiple_of3A_25 = arith.constant 160 : i32
    %multiple_of3A_26 = tpu.assume_multiple %multiple_of3A_25, 8 : i32
    %dma_start3A_27 = tpu.memref_slice %arg5[%multiple_of3A_26] : memref<5000xi32, #tpu.memory_space<vmem>> -> memref<40xi32, #tpu.memory_space<vmem>>
    %dma_start3A_28 = arith.constant 0 : i32
    %dma_start3A_29 = arith.constant 0 : i32
    %dma_start3A_30 = tpu.memref_slice %arg2[%dma_start3A_28, %dma_start3A_29] : memref<10240x128xf32, #tpu.memory_space<hbm>> -> memref<10240x128xf32, #tpu.memory_space<hbm>>
    tpu.enqueue_indirect_dma source(%dma_start3A_30 : memref<10240x128xf32, #tpu.memory_space<hbm>>) target(%arg10 : memref<40x128xf32, #tpu.memory_space<vmem>>) offsets(%dma_start3A_27 : memref<40xi32, #tpu.memory_space<vmem>>) semaphore(%arg15 : memref<!tpu.dma_semaphore, #tpu.memory_space<semaphore_mem>>)
    %scan3A = arith.constant 0 : i32
    %scan3A_31 = arith.constant 1 : i32
    %scan3A_32 = arith.constant 24 : i32
    %scan3A_33 = arith.addi %scan3A_31, %scan3A_32 : i32
    %scan3A_34 = arith.constant 1 : i32
    %scan3A_35 = scf.for %scan3A_81 = %scan3A_31 to %scan3A_33 step %scan3A_34 iter_args(%scan3A_82 = %scan3A) -> (i32)  : i32 {
      %mul3A_83 = arith.constant 5 : i32
      %mul3A_84 = arith.muli %scan3A_81, %mul3A_83 : i32
      %add3A_85 = arith.constant 0 : i32
      %add3A_86 = arith.addi %mul3A_84, %add3A_85 : i32
      %dma_wait3A_87 = arith.constant 0 : i32
      %dma_wait3A_88 = arith.constant 0 : i32
      %dma_wait3A_89 = tpu.memref_slice %arg2[%dma_wait3A_87, %dma_wait3A_88] : memref<10240x128xf32, #tpu.memory_space<hbm>> -> memref<40x128xf32, #tpu.memory_space<hbm>>
      %dma_wait3A_90 = arith.constant 0 : i32
      %dma_wait3A_91 = arith.constant 0 : i32
      %dma_wait3A_92 = tpu.memref_slice %arg2[%dma_wait3A_90, %dma_wait3A_91] : memref<10240x128xf32, #tpu.memory_space<hbm>> -> memref<40x128xf32, #tpu.memory_space<hbm>>
      tpu.wait_dma2 semaphore(%arg11 : memref<!tpu.dma_semaphore, #tpu.memory_space<semaphore_mem>>) src(%dma_wait3A_92 : memref<40x128xf32, #tpu.memory_space<hbm>>) dst(%arg6 : memref<40x128xf32, #tpu.memory_space<vmem>>)
      %sub3A = arith.constant 5 : i32
      %sub3A_93 = arith.subi %add3A_86, %sub3A : i32
      %mul3A_94 = arith.constant 40 : i32
      %mul3A_95 = arith.muli %sub3A_93, %mul3A_94 : i32
      %add3A_96 = arith.addi %mul3A_2, %mul3A_95 : i32
      %multiple_of3A_97 = tpu.assume_multiple %add3A_96, 8 : i32
      "tpu.region"() ({
        %run_scoped3A = tpu.sem_alloc : memref<!tpu.dma_semaphore, #tpu.memory_space<semaphore_mem>>
        %dma_start3A_198 = arith.constant 0 : i32
        %dma_start3A_199 = tpu.memref_slice %arg4[%multiple_of3A_97, %dma_start3A_198] : memref<160000x128xf32, #tpu.memory_space<hbm>> -> memref<40x128xf32, #tpu.memory_space<hbm>>
        %dma_start3A_200 = arith.constant 0 : i32
        %dma_start3A_201 = tpu.memref_slice %arg4[%multiple_of3A_97, %dma_start3A_200] : memref<160000x128xf32, #tpu.memory_space<hbm>> -> memref<40x128xf32, #tpu.memory_space<hbm>>
        tpu.enqueue_dma source(%arg6 : memref<40x128xf32, #tpu.memory_space<vmem>>) target(%dma_start3A_201 : memref<40x128xf32, #tpu.memory_space<hbm>>) target_semaphore(%run_scoped3A : memref<!tpu.dma_semaphore, #tpu.memory_space<semaphore_mem>>)
        %dma_wait3A_202 = arith.constant 0 : i32
        %dma_wait3A_203 = tpu.memref_slice %arg4[%multiple_of3A_97, %dma_wait3A_202] : memref<160000x128xf32, #tpu.memory_space<hbm>> -> memref<40x128xf32, #tpu.memory_space<hbm>>
        %dma_wait3A_204 = arith.constant 0 : i32
        %dma_wait3A_205 = tpu.memref_slice %arg4[%multiple_of3A_97, %dma_wait3A_204] : memref<160000x128xf32, #tpu.memory_space<hbm>> -> memref<40x128xf32, #tpu.memory_space<hbm>>
        tpu.wait_dma2 semaphore(%run_scoped3A : memref<!tpu.dma_semaphore, #tpu.memory_space<semaphore_mem>>) src(%arg6 : memref<40x128xf32, #tpu.memory_space<vmem>>) dst(%dma_wait3A_205 : memref<40x128xf32, #tpu.memory_space<hbm>>)
        tpu.yield
      }) : () -> ()
      %mul3A_98 = arith.constant 40 : i32
      %mul3A_99 = arith.muli %add3A_86, %mul3A_98 : i32
      %multiple_of3A_100 = tpu.assume_multiple %mul3A_99, 8 : i32
      %dma_start3A_101 = tpu.memref_slice %arg5[%multiple_of3A_100] : memref<5000xi32, #tpu.memory_space<vmem>> -> memref<40xi32, #tpu.memory_space<vmem>>
      %dma_start3A_102 = arith.constant 0 : i32
      %dma_start3A_103 = arith.constant 0 : i32
      %dma_start3A_104 = tpu.memref_slice %arg2[%dma_start3A_102, %dma_start3A_103] : memref<10240x128xf32, #tpu.memory_space<hbm>> -> memref<10240x128xf32, #tpu.memory_space<hbm>>
      tpu.enqueue_indirect_dma source(%dma_start3A_104 : memref<10240x128xf32, #tpu.memory_space<hbm>>) target(%arg6 : memref<40x128xf32, #tpu.memory_space<vmem>>) offsets(%dma_start3A_101 : memref<40xi32, #tpu.memory_space<vmem>>) semaphore(%arg11 : memref<!tpu.dma_semaphore, #tpu.memory_space<semaphore_mem>>)
      %mul3A_105 = arith.constant 5 : i32
      %mul3A_106 = arith.muli %scan3A_81, %mul3A_105 : i32
      %add3A_107 = arith.constant 1 : i32
      %add3A_108 = arith.addi %mul3A_106, %add3A_107 : i32
      %dma_wait3A_109 = arith.constant 0 : i32
      %dma_wait3A_110 = arith.constant 0 : i32
      %dma_wait3A_111 = tpu.memref_slice %arg2[%dma_wait3A_109, %dma_wait3A_110] : memref<10240x128xf32, #tpu.memory_space<hbm>> -> memref<40x128xf32, #tpu.memory_space<hbm>>
      %dma_wait3A_112 = arith.constant 0 : i32
      %dma_wait3A_113 = arith.constant 0 : i32
      %dma_wait3A_114 = tpu.memref_slice %arg2[%dma_wait3A_112, %dma_wait3A_113] : memref<10240x128xf32, #tpu.memory_space<hbm>> -> memref<40x128xf32, #tpu.memory_space<hbm>>
      tpu.wait_dma2 semaphore(%arg12 : memref<!tpu.dma_semaphore, #tpu.memory_space<semaphore_mem>>) src(%dma_wait3A_114 : memref<40x128xf32, #tpu.memory_space<hbm>>) dst(%arg7 : memref<40x128xf32, #tpu.memory_space<vmem>>)
      %sub3A_115 = arith.constant 5 : i32
      %sub3A_116 = arith.subi %add3A_108, %sub3A_115 : i32
      %mul3A_117 = arith.constant 40 : i32
      %mul3A_118 = arith.muli %sub3A_116, %mul3A_117 : i32
      %add3A_119 = arith.addi %mul3A_2, %mul3A_118 : i32
      %multiple_of3A_120 = tpu.assume_multiple %add3A_119, 8 : i32
      "tpu.region"() ({
        %run_scoped3A = tpu.sem_alloc : memref<!tpu.dma_semaphore, #tpu.memory_space<semaphore_mem>>
        %dma_start3A_198 = arith.constant 0 : i32
        %dma_start3A_199 = tpu.memref_slice %arg4[%multiple_of3A_120, %dma_start3A_198] : memref<160000x128xf32, #tpu.memory_space<hbm>> -> memref<40x128xf32, #tpu.memory_space<hbm>>
        %dma_start3A_200 = arith.constant 0 : i32
        %dma_start3A_201 = tpu.memref_slice %arg4[%multiple_of3A_120, %dma_start3A_200] : memref<160000x128xf32, #tpu.memory_space<hbm>> -> memref<40x128xf32, #tpu.memory_space<hbm>>
        tpu.enqueue_dma source(%arg7 : memref<40x128xf32, #tpu.memory_space<vmem>>) target(%dma_start3A_201 : memref<40x128xf32, #tpu.memory_space<hbm>>) target_semaphore(%run_scoped3A : memref<!tpu.dma_semaphore, #tpu.memory_space<semaphore_mem>>)
        %dma_wait3A_202 = arith.constant 0 : i32
        %dma_wait3A_203 = tpu.memref_slice %arg4[%multiple_of3A_120, %dma_wait3A_202] : memref<160000x128xf32, #tpu.memory_space<hbm>> -> memref<40x128xf32, #tpu.memory_space<hbm>>
        %dma_wait3A_204 = arith.constant 0 : i32
        %dma_wait3A_205 = tpu.memref_slice %arg4[%multiple_of3A_120, %dma_wait3A_204] : memref<160000x128xf32, #tpu.memory_space<hbm>> -> memref<40x128xf32, #tpu.memory_space<hbm>>
        tpu.wait_dma2 semaphore(%run_scoped3A : memref<!tpu.dma_semaphore, #tpu.memory_space<semaphore_mem>>) src(%arg7 : memref<40x128xf32, #tpu.memory_space<vmem>>) dst(%dma_wait3A_205 : memref<40x128xf32, #tpu.memory_space<hbm>>)
        tpu.yield
      }) : () -> ()
      %mul3A_121 = arith.constant 40 : i32
      %mul3A_122 = arith.muli %add3A_108, %mul3A_121 : i32
      %multiple_of3A_123 = tpu.assume_multiple %mul3A_122, 8 : i32
      %dma_start3A_124 = tpu.memref_slice %arg5[%multiple_of3A_123] : memref<5000xi32, #tpu.memory_space<vmem>> -> memref<40xi32, #tpu.memory_space<vmem>>
      %dma_start3A_125 = arith.constant 0 : i32
      %dma_start3A_126 = arith.constant 0 : i32
      %dma_start3A_127 = tpu.memref_slice %arg2[%dma_start3A_125, %dma_start3A_126] : memref<10240x128xf32, #tpu.memory_space<hbm>> -> memref<10240x128xf32, #tpu.memory_space<hbm>>
      tpu.enqueue_indirect_dma source(%dma_start3A_127 : memref<10240x128xf32, #tpu.memory_space<hbm>>) target(%arg7 : memref<40x128xf32, #tpu.memory_space<vmem>>) offsets(%dma_start3A_124 : memref<40xi32, #tpu.memory_space<vmem>>) semaphore(%arg12 : memref<!tpu.dma_semaphore, #tpu.memory_space<semaphore_mem>>)
      %mul3A_128 = arith.constant 5 : i32
      %mul3A_129 = arith.muli %scan3A_81, %mul3A_128 : i32
      %add3A_130 = arith.constant 2 : i32
      %add3A_131 = arith.addi %mul3A_129, %add3A_130 : i32
      %dma_wait3A_132 = arith.constant 0 : i32
      %dma_wait3A_133 = arith.constant 0 : i32
      %dma_wait3A_134 = tpu.memref_slice %arg2[%dma_wait3A_132, %dma_wait3A_133] : memref<10240x128xf32, #tpu.memory_space<hbm>> -> memref<40x128xf32, #tpu.memory_space<hbm>>
      %dma_wait3A_135 = arith.constant 0 : i32
      %dma_wait3A_136 = arith.constant 0 : i32
      %dma_wait3A_137 = tpu.memref_slice %arg2[%dma_wait3A_135, %dma_wait3A_136] : memref<10240x128xf32, #tpu.memory_space<hbm>> -> memref<40x128xf32, #tpu.memory_space<hbm>>
      tpu.wait_dma2 semaphore(%arg13 : memref<!tpu.dma_semaphore, #tpu.memory_space<semaphore_mem>>) src(%dma_wait3A_137 : memref<40x128xf32, #tpu.memory_space<hbm>>) dst(%arg8 : memref<40x128xf32, #tpu.memory_space<vmem>>)
      %sub3A_138 = arith.constant 5 : i32
      %sub3A_139 = arith.subi %add3A_131, %sub3A_138 : i32
      %mul3A_140 = arith.constant 40 : i32
      %mul3A_141 = arith.muli %sub3A_139, %mul3A_140 : i32
      %add3A_142 = arith.addi %mul3A_2, %mul3A_141 : i32
      %multiple_of3A_143 = tpu.assume_multiple %add3A_142, 8 : i32
      "tpu.region"() ({
        %run_scoped3A = tpu.sem_alloc : memref<!tpu.dma_semaphore, #tpu.memory_space<semaphore_mem>>
        %dma_start3A_198 = arith.constant 0 : i32
        %dma_start3A_199 = tpu.memref_slice %arg4[%multiple_of3A_143, %dma_start3A_198] : memref<160000x128xf32, #tpu.memory_space<hbm>> -> memref<40x128xf32, #tpu.memory_space<hbm>>
        %dma_start3A_200 = arith.constant 0 : i32
        %dma_start3A_201 = tpu.memref_slice %arg4[%multiple_of3A_143, %dma_start3A_200] : memref<160000x128xf32, #tpu.memory_space<hbm>> -> memref<40x128xf32, #tpu.memory_space<hbm>>
        tpu.enqueue_dma source(%arg8 : memref<40x128xf32, #tpu.memory_space<vmem>>) target(%dma_start3A_201 : memref<40x128xf32, #tpu.memory_space<hbm>>) target_semaphore(%run_scoped3A : memref<!tpu.dma_semaphore, #tpu.memory_space<semaphore_mem>>)
        %dma_wait3A_202 = arith.constant 0 : i32
        %dma_wait3A_203 = tpu.memref_slice %arg4[%multiple_of3A_143, %dma_wait3A_202] : memref<160000x128xf32, #tpu.memory_space<hbm>> -> memref<40x128xf32, #tpu.memory_space<hbm>>
        %dma_wait3A_204 = arith.constant 0 : i32
        %dma_wait3A_205 = tpu.memref_slice %arg4[%multiple_of3A_143, %dma_wait3A_204] : memref<160000x128xf32, #tpu.memory_space<hbm>> -> memref<40x128xf32, #tpu.memory_space<hbm>>
        tpu.wait_dma2 semaphore(%run_scoped3A : memref<!tpu.dma_semaphore, #tpu.memory_space<semaphore_mem>>) src(%arg8 : memref<40x128xf32, #tpu.memory_space<vmem>>) dst(%dma_wait3A_205 : memref<40x128xf32, #tpu.memory_space<hbm>>)
        tpu.yield
      }) : () -> ()
      %mul3A_144 = arith.constant 40 : i32
      %mul3A_145 = arith.muli %add3A_131, %mul3A_144 : i32
      %multiple_of3A_146 = tpu.assume_multiple %mul3A_145, 8 : i32
      %dma_start3A_147 = tpu.memref_slice %arg5[%multiple_of3A_146] : memref<5000xi32, #tpu.memory_space<vmem>> -> memref<40xi32, #tpu.memory_space<vmem>>
      %dma_start3A_148 = arith.constant 0 : i32
      %dma_start3A_149 = arith.constant 0 : i32
      %dma_start3A_150 = tpu.memref_slice %arg2[%dma_start3A_148, %dma_start3A_149] : memref<10240x128xf32, #tpu.memory_space<hbm>> -> memref<10240x128xf32, #tpu.memory_space<hbm>>
      tpu.enqueue_indirect_dma source(%dma_start3A_150 : memref<10240x128xf32, #tpu.memory_space<hbm>>) target(%arg8 : memref<40x128xf32, #tpu.memory_space<vmem>>) offsets(%dma_start3A_147 : memref<40xi32, #tpu.memory_space<vmem>>) semaphore(%arg13 : memref<!tpu.dma_semaphore, #tpu.memory_space<semaphore_mem>>)
      %mul3A_151 = arith.constant 5 : i32
      %mul3A_152 = arith.muli %scan3A_81, %mul3A_151 : i32
      %add3A_153 = arith.constant 3 : i32
      %add3A_154 = arith.addi %mul3A_152, %add3A_153 : i32
      %dma_wait3A_155 = arith.constant 0 : i32
      %dma_wait3A_156 = arith.constant 0 : i32
      %dma_wait3A_157 = tpu.memref_slice %arg2[%dma_wait3A_155, %dma_wait3A_156] : memref<10240x128xf32, #tpu.memory_space<hbm>> -> memref<40x128xf32, #tpu.memory_space<hbm>>
      %dma_wait3A_158 = arith.constant 0 : i32
      %dma_wait3A_159 = arith.constant 0 : i32
      %dma_wait3A_160 = tpu.memref_slice %arg2[%dma_wait3A_158, %dma_wait3A_159] : memref<10240x128xf32, #tpu.memory_space<hbm>> -> memref<40x128xf32, #tpu.memory_space<hbm>>
      tpu.wait_dma2 semaphore(%arg14 : memref<!tpu.dma_semaphore, #tpu.memory_space<semaphore_mem>>) src(%dma_wait3A_160 : memref<40x128xf32, #tpu.memory_space<hbm>>) dst(%arg9 : memref<40x128xf32, #tpu.memory_space<vmem>>)
      %sub3A_161 = arith.constant 5 : i32
      %sub3A_162 = arith.subi %add3A_154, %sub3A_161 : i32
      %mul3A_163 = arith.constant 40 : i32
      %mul3A_164 = arith.muli %sub3A_162, %mul3A_163 : i32
      %add3A_165 = arith.addi %mul3A_2, %mul3A_164 : i32
      %multiple_of3A_166 = tpu.assume_multiple %add3A_165, 8 : i32
      "tpu.region"() ({
        %run_scoped3A = tpu.sem_alloc : memref<!tpu.dma_semaphore, #tpu.memory_space<semaphore_mem>>
        %dma_start3A_198 = arith.constant 0 : i32
        %dma_start3A_199 = tpu.memref_slice %arg4[%multiple_of3A_166, %dma_start3A_198] : memref<160000x128xf32, #tpu.memory_space<hbm>> -> memref<40x128xf32, #tpu.memory_space<hbm>>
        %dma_start3A_200 = arith.constant 0 : i32
        %dma_start3A_201 = tpu.memref_slice %arg4[%multiple_of3A_166, %dma_start3A_200] : memref<160000x128xf32, #tpu.memory_space<hbm>> -> memref<40x128xf32, #tpu.memory_space<hbm>>
        tpu.enqueue_dma source(%arg9 : memref<40x128xf32, #tpu.memory_space<vmem>>) target(%dma_start3A_201 : memref<40x128xf32, #tpu.memory_space<hbm>>) target_semaphore(%run_scoped3A : memref<!tpu.dma_semaphore, #tpu.memory_space<semaphore_mem>>)
        %dma_wait3A_202 = arith.constant 0 : i32
        %dma_wait3A_203 = tpu.memref_slice %arg4[%multiple_of3A_166, %dma_wait3A_202] : memref<160000x128xf32, #tpu.memory_space<hbm>> -> memref<40x128xf32, #tpu.memory_space<hbm>>
        %dma_wait3A_204 = arith.constant 0 : i32
        %dma_wait3A_205 = tpu.memref_slice %arg4[%multiple_of3A_166, %dma_wait3A_204] : memref<160000x128xf32, #tpu.memory_space<hbm>> -> memref<40x128xf32, #tpu.memory_space<hbm>>
        tpu.wait_dma2 semaphore(%run_scoped3A : memref<!tpu.dma_semaphore, #tpu.memory_space<semaphore_mem>>) src(%arg9 : memref<40x128xf32, #tpu.memory_space<vmem>>) dst(%dma_wait3A_205 : memref<40x128xf32, #tpu.memory_space<hbm>>)
        tpu.yield
      }) : () -> ()
      %mul3A_167 = arith.constant 40 : i32
      %mul3A_168 = arith.muli %add3A_154, %mul3A_167 : i32
      %multiple_of3A_169 = tpu.assume_multiple %mul3A_168, 8 : i32
      %dma_start3A_170 = tpu.memref_slice %arg5[%multiple_of3A_169] : memref<5000xi32, #tpu.memory_space<vmem>> -> memref<40xi32, #tpu.memory_space<vmem>>
      %dma_start3A_171 = arith.constant 0 : i32
      %dma_start3A_172 = arith.constant 0 : i32
      %dma_start3A_173 = tpu.memref_slice %arg2[%dma_start3A_171, %dma_start3A_172] : memref<10240x128xf32, #tpu.memory_space<hbm>> -> memref<10240x128xf32, #tpu.memory_space<hbm>>
      tpu.enqueue_indirect_dma source(%dma_start3A_173 : memref<10240x128xf32, #tpu.memory_space<hbm>>) target(%arg9 : memref<40x128xf32, #tpu.memory_space<vmem>>) offsets(%dma_start3A_170 : memref<40xi32, #tpu.memory_space<vmem>>) semaphore(%arg14 : memref<!tpu.dma_semaphore, #tpu.memory_space<semaphore_mem>>)
      %mul3A_174 = arith.constant 5 : i32
      %mul3A_175 = arith.muli %scan3A_81, %mul3A_174 : i32
      %add3A_176 = arith.constant 4 : i32
      %add3A_177 = arith.addi %mul3A_175, %add3A_176 : i32
      %dma_wait3A_178 = arith.constant 0 : i32
      %dma_wait3A_179 = arith.constant 0 : i32
      %dma_wait3A_180 = tpu.memref_slice %arg2[%dma_wait3A_178, %dma_wait3A_179] : memref<10240x128xf32, #tpu.memory_space<hbm>> -> memref<40x128xf32, #tpu.memory_space<hbm>>
      %dma_wait3A_181 = arith.constant 0 : i32
      %dma_wait3A_182 = arith.constant 0 : i32
      %dma_wait3A_183 = tpu.memref_slice %arg2[%dma_wait3A_181, %dma_wait3A_182] : memref<10240x128xf32, #tpu.memory_space<hbm>> -> memref<40x128xf32, #tpu.memory_space<hbm>>
      tpu.wait_dma2 semaphore(%arg15 : memref<!tpu.dma_semaphore, #tpu.memory_space<semaphore_mem>>) src(%dma_wait3A_183 : memref<40x128xf32, #tpu.memory_space<hbm>>) dst(%arg10 : memref<40x128xf32, #tpu.memory_space<vmem>>)
      %sub3A_184 = arith.constant 5 : i32
      %sub3A_185 = arith.subi %add3A_177, %sub3A_184 : i32
      %mul3A_186 = arith.constant 40 : i32
      %mul3A_187 = arith.muli %sub3A_185, %mul3A_186 : i32
      %add3A_188 = arith.addi %mul3A_2, %mul3A_187 : i32
      %multiple_of3A_189 = tpu.assume_multiple %add3A_188, 8 : i32
      "tpu.region"() ({
        %run_scoped3A = tpu.sem_alloc : memref<!tpu.dma_semaphore, #tpu.memory_space<semaphore_mem>>
        %dma_start3A_198 = arith.constant 0 : i32
        %dma_start3A_199 = tpu.memref_slice %arg4[%multiple_of3A_189, %dma_start3A_198] : memref<160000x128xf32, #tpu.memory_space<hbm>> -> memref<40x128xf32, #tpu.memory_space<hbm>>
        %dma_start3A_200 = arith.constant 0 : i32
        %dma_start3A_201 = tpu.memref_slice %arg4[%multiple_of3A_189, %dma_start3A_200] : memref<160000x128xf32, #tpu.memory_space<hbm>> -> memref<40x128xf32, #tpu.memory_space<hbm>>
        tpu.enqueue_dma source(%arg10 : memref<40x128xf32, #tpu.memory_space<vmem>>) target(%dma_start3A_201 : memref<40x128xf32, #tpu.memory_space<hbm>>) target_semaphore(%run_scoped3A : memref<!tpu.dma_semaphore, #tpu.memory_space<semaphore_mem>>)
        %dma_wait3A_202 = arith.constant 0 : i32
        %dma_wait3A_203 = tpu.memref_slice %arg4[%multiple_of3A_189, %dma_wait3A_202] : memref<160000x128xf32, #tpu.memory_space<hbm>> -> memref<40x128xf32, #tpu.memory_space<hbm>>
        %dma_wait3A_204 = arith.constant 0 : i32
        %dma_wait3A_205 = tpu.memref_slice %arg4[%multiple_of3A_189, %dma_wait3A_204] : memref<160000x128xf32, #tpu.memory_space<hbm>> -> memref<40x128xf32, #tpu.memory_space<hbm>>
        tpu.wait_dma2 semaphore(%run_scoped3A : memref<!tpu.dma_semaphore, #tpu.memory_space<semaphore_mem>>) src(%arg10 : memref<40x128xf32, #tpu.memory_space<vmem>>) dst(%dma_wait3A_205 : memref<40x128xf32, #tpu.memory_space<hbm>>)
        tpu.yield
      }) : () -> ()
      %mul3A_190 = arith.constant 40 : i32
      %mul3A_191 = arith.muli %add3A_177, %mul3A_190 : i32
      %multiple_of3A_192 = tpu.assume_multiple %mul3A_191, 8 : i32
      %dma_start3A_193 = tpu.memref_slice %arg5[%multiple_of3A_192] : memref<5000xi32, #tpu.memory_space<vmem>> -> memref<40xi32, #tpu.memory_space<vmem>>
      %dma_start3A_194 = arith.constant 0 : i32
      %dma_start3A_195 = arith.constant 0 : i32
      %dma_start3A_196 = tpu.memref_slice %arg2[%dma_start3A_194, %dma_start3A_195] : memref<10240x128xf32, #tpu.memory_space<hbm>> -> memref<10240x128xf32, #tpu.memory_space<hbm>>
      tpu.enqueue_indirect_dma source(%dma_start3A_196 : memref<10240x128xf32, #tpu.memory_space<hbm>>) target(%arg10 : memref<40x128xf32, #tpu.memory_space<vmem>>) offsets(%dma_start3A_193 : memref<40xi32, #tpu.memory_space<vmem>>) semaphore(%arg15 : memref<!tpu.dma_semaphore, #tpu.memory_space<semaphore_mem>>)
      %scan3A_197 = arith.constant 0 : i32
      scf.yield %scan3A_197 : i32
    }
    %scan3A_36 = arith.constant 24 : i32
    %dma_wait3A = arith.constant 0 : i32
    %dma_wait3A_37 = arith.constant 0 : i32
    %dma_wait3A_38 = tpu.memref_slice %arg2[%dma_wait3A, %dma_wait3A_37] : memref<10240x128xf32, #tpu.memory_space<hbm>> -> memref<40x128xf32, #tpu.memory_space<hbm>>
    %dma_wait3A_39 = arith.constant 0 : i32
    %dma_wait3A_40 = arith.constant 0 : i32
    %dma_wait3A_41 = tpu.memref_slice %arg2[%dma_wait3A_39, %dma_wait3A_40] : memref<10240x128xf32, #tpu.memory_space<hbm>> -> memref<40x128xf32, #tpu.memory_space<hbm>>
    tpu.wait_dma2 semaphore(%arg11 : memref<!tpu.dma_semaphore, #tpu.memory_space<semaphore_mem>>) src(%dma_wait3A_41 : memref<40x128xf32, #tpu.memory_space<hbm>>) dst(%arg6 : memref<40x128xf32, #tpu.memory_space<vmem>>)
    %add3A_42 = arith.constant 4800 : i32
    %add3A_43 = arith.addi %mul3A_2, %add3A_42 : i32
    %multiple_of3A_44 = tpu.assume_multiple %add3A_43, 8 : i32
    "tpu.region"() ({
      %run_scoped3A = tpu.sem_alloc : memref<!tpu.dma_semaphore, #tpu.memory_space<semaphore_mem>>
      %dma_start3A_81 = arith.constant 0 : i32
      %dma_start3A_82 = tpu.memref_slice %arg4[%multiple_of3A_44, %dma_start3A_81] : memref<160000x128xf32, #tpu.memory_space<hbm>> -> memref<40x128xf32, #tpu.memory_space<hbm>>
      %dma_start3A_83 = arith.constant 0 : i32
      %dma_start3A_84 = tpu.memref_slice %arg4[%multiple_of3A_44, %dma_start3A_83] : memref<160000x128xf32, #tpu.memory_space<hbm>> -> memref<40x128xf32, #tpu.memory_space<hbm>>
      tpu.enqueue_dma source(%arg6 : memref<40x128xf32, #tpu.memory_space<vmem>>) target(%dma_start3A_84 : memref<40x128xf32, #tpu.memory_space<hbm>>) target_semaphore(%run_scoped3A : memref<!tpu.dma_semaphore, #tpu.memory_space<semaphore_mem>>)
      %dma_wait3A_85 = arith.constant 0 : i32
      %dma_wait3A_86 = tpu.memref_slice %arg4[%multiple_of3A_44, %dma_wait3A_85] : memref<160000x128xf32, #tpu.memory_space<hbm>> -> memref<40x128xf32, #tpu.memory_space<hbm>>
      %dma_wait3A_87 = arith.constant 0 : i32
      %dma_wait3A_88 = tpu.memref_slice %arg4[%multiple_of3A_44, %dma_wait3A_87] : memref<160000x128xf32, #tpu.memory_space<hbm>> -> memref<40x128xf32, #tpu.memory_space<hbm>>
      tpu.wait_dma2 semaphore(%run_scoped3A : memref<!tpu.dma_semaphore, #tpu.memory_space<semaphore_mem>>) src(%arg6 : memref<40x128xf32, #tpu.memory_space<vmem>>) dst(%dma_wait3A_88 : memref<40x128xf32, #tpu.memory_space<hbm>>)
      tpu.yield
    }) : () -> ()
    %dma_wait3A_45 = arith.constant 0 : i32
    %dma_wait3A_46 = arith.constant 0 : i32
    %dma_wait3A_47 = tpu.memref_slice %arg2[%dma_wait3A_45, %dma_wait3A_46] : memref<10240x128xf32, #tpu.memory_space<hbm>> -> memref<40x128xf32, #tpu.memory_space<hbm>>
    %dma_wait3A_48 = arith.constant 0 : i32
    %dma_wait3A_49 = arith.constant 0 : i32
    %dma_wait3A_50 = tpu.memref_slice %arg2[%dma_wait3A_48, %dma_wait3A_49] : memref<10240x128xf32, #tpu.memory_space<hbm>> -> memref<40x128xf32, #tpu.memory_space<hbm>>
    tpu.wait_dma2 semaphore(%arg12 : memref<!tpu.dma_semaphore, #tpu.memory_space<semaphore_mem>>) src(%dma_wait3A_50 : memref<40x128xf32, #tpu.memory_space<hbm>>) dst(%arg7 : memref<40x128xf32, #tpu.memory_space<vmem>>)
    %add3A_51 = arith.constant 4840 : i32
    %add3A_52 = arith.addi %mul3A_2, %add3A_51 : i32
    %multiple_of3A_53 = tpu.assume_multiple %add3A_52, 8 : i32
    "tpu.region"() ({
      %run_scoped3A = tpu.sem_alloc : memref<!tpu.dma_semaphore, #tpu.memory_space<semaphore_mem>>
      %dma_start3A_81 = arith.constant 0 : i32
      %dma_start3A_82 = tpu.memref_slice %arg4[%multiple_of3A_53, %dma_start3A_81] : memref<160000x128xf32, #tpu.memory_space<hbm>> -> memref<40x128xf32, #tpu.memory_space<hbm>>
      %dma_start3A_83 = arith.constant 0 : i32
      %dma_start3A_84 = tpu.memref_slice %arg4[%multiple_of3A_53, %dma_start3A_83] : memref<160000x128xf32, #tpu.memory_space<hbm>> -> memref<40x128xf32, #tpu.memory_space<hbm>>
      tpu.enqueue_dma source(%arg7 : memref<40x128xf32, #tpu.memory_space<vmem>>) target(%dma_start3A_84 : memref<40x128xf32, #tpu.memory_space<hbm>>) target_semaphore(%run_scoped3A : memref<!tpu.dma_semaphore, #tpu.memory_space<semaphore_mem>>)
      %dma_wait3A_85 = arith.constant 0 : i32
      %dma_wait3A_86 = tpu.memref_slice %arg4[%multiple_of3A_53, %dma_wait3A_85] : memref<160000x128xf32, #tpu.memory_space<hbm>> -> memref<40x128xf32, #tpu.memory_space<hbm>>
      %dma_wait3A_87 = arith.constant 0 : i32
      %dma_wait3A_88 = tpu.memref_slice %arg4[%multiple_of3A_53, %dma_wait3A_87] : memref<160000x128xf32, #tpu.memory_space<hbm>> -> memref<40x128xf32, #tpu.memory_space<hbm>>
      tpu.wait_dma2 semaphore(%run_scoped3A : memref<!tpu.dma_semaphore, #tpu.memory_space<semaphore_mem>>) src(%arg7 : memref<40x128xf32, #tpu.memory_space<vmem>>) dst(%dma_wait3A_88 : memref<40x128xf32, #tpu.memory_space<hbm>>)
      tpu.yield
    }) : () -> ()
    %dma_wait3A_54 = arith.constant 0 : i32
    %dma_wait3A_55 = arith.constant 0 : i32
    %dma_wait3A_56 = tpu.memref_slice %arg2[%dma_wait3A_54, %dma_wait3A_55] : memref<10240x128xf32, #tpu.memory_space<hbm>> -> memref<40x128xf32, #tpu.memory_space<hbm>>
    %dma_wait3A_57 = arith.constant 0 : i32
    %dma_wait3A_58 = arith.constant 0 : i32
    %dma_wait3A_59 = tpu.memref_slice %arg2[%dma_wait3A_57, %dma_wait3A_58] : memref<10240x128xf32, #tpu.memory_space<hbm>> -> memref<40x128xf32, #tpu.memory_space<hbm>>
    tpu.wait_dma2 semaphore(%arg13 : memref<!tpu.dma_semaphore, #tpu.memory_space<semaphore_mem>>) src(%dma_wait3A_59 : memref<40x128xf32, #tpu.memory_space<hbm>>) dst(%arg8 : memref<40x128xf32, #tpu.memory_space<vmem>>)
    %add3A_60 = arith.constant 4880 : i32
    %add3A_61 = arith.addi %mul3A_2, %add3A_60 : i32
    %multiple_of3A_62 = tpu.assume_multiple %add3A_61, 8 : i32
    "tpu.region"() ({
      %run_scoped3A = tpu.sem_alloc : memref<!tpu.dma_semaphore, #tpu.memory_space<semaphore_mem>>
      %dma_start3A_81 = arith.constant 0 : i32
      %dma_start3A_82 = tpu.memref_slice %arg4[%multiple_of3A_62, %dma_start3A_81] : memref<160000x128xf32, #tpu.memory_space<hbm>> -> memref<40x128xf32, #tpu.memory_space<hbm>>
      %dma_start3A_83 = arith.constant 0 : i32
      %dma_start3A_84 = tpu.memref_slice %arg4[%multiple_of3A_62, %dma_start3A_83] : memref<160000x128xf32, #tpu.memory_space<hbm>> -> memref<40x128xf32, #tpu.memory_space<hbm>>
      tpu.enqueue_dma source(%arg8 : memref<40x128xf32, #tpu.memory_space<vmem>>) target(%dma_start3A_84 : memref<40x128xf32, #tpu.memory_space<hbm>>) target_semaphore(%run_scoped3A : memref<!tpu.dma_semaphore, #tpu.memory_space<semaphore_mem>>)
      %dma_wait3A_85 = arith.constant 0 : i32
      %dma_wait3A_86 = tpu.memref_slice %arg4[%multiple_of3A_62, %dma_wait3A_85] : memref<160000x128xf32, #tpu.memory_space<hbm>> -> memref<40x128xf32, #tpu.memory_space<hbm>>
      %dma_wait3A_87 = arith.constant 0 : i32
      %dma_wait3A_88 = tpu.memref_slice %arg4[%multiple_of3A_62, %dma_wait3A_87] : memref<160000x128xf32, #tpu.memory_space<hbm>> -> memref<40x128xf32, #tpu.memory_space<hbm>>
      tpu.wait_dma2 semaphore(%run_scoped3A : memref<!tpu.dma_semaphore, #tpu.memory_space<semaphore_mem>>) src(%arg8 : memref<40x128xf32, #tpu.memory_space<vmem>>) dst(%dma_wait3A_88 : memref<40x128xf32, #tpu.memory_space<hbm>>)
      tpu.yield
    }) : () -> ()
    %dma_wait3A_63 = arith.constant 0 : i32
    %dma_wait3A_64 = arith.constant 0 : i32
    %dma_wait3A_65 = tpu.memref_slice %arg2[%dma_wait3A_63, %dma_wait3A_64] : memref<10240x128xf32, #tpu.memory_space<hbm>> -> memref<40x128xf32, #tpu.memory_space<hbm>>
    %dma_wait3A_66 = arith.constant 0 : i32
    %dma_wait3A_67 = arith.constant 0 : i32
    %dma_wait3A_68 = tpu.memref_slice %arg2[%dma_wait3A_66, %dma_wait3A_67] : memref<10240x128xf32, #tpu.memory_space<hbm>> -> memref<40x128xf32, #tpu.memory_space<hbm>>
    tpu.wait_dma2 semaphore(%arg14 : memref<!tpu.dma_semaphore, #tpu.memory_space<semaphore_mem>>) src(%dma_wait3A_68 : memref<40x128xf32, #tpu.memory_space<hbm>>) dst(%arg9 : memref<40x128xf32, #tpu.memory_space<vmem>>)
    %add3A_69 = arith.constant 4920 : i32
    %add3A_70 = arith.addi %mul3A_2, %add3A_69 : i32
    %multiple_of3A_71 = tpu.assume_multiple %add3A_70, 8 : i32
    "tpu.region"() ({
      %run_scoped3A = tpu.sem_alloc : memref<!tpu.dma_semaphore, #tpu.memory_space<semaphore_mem>>
      %dma_start3A_81 = arith.constant 0 : i32
      %dma_start3A_82 = tpu.memref_slice %arg4[%multiple_of3A_71, %dma_start3A_81] : memref<160000x128xf32, #tpu.memory_space<hbm>> -> memref<40x128xf32, #tpu.memory_space<hbm>>
      %dma_start3A_83 = arith.constant 0 : i32
      %dma_start3A_84 = tpu.memref_slice %arg4[%multiple_of3A_71, %dma_start3A_83] : memref<160000x128xf32, #tpu.memory_space<hbm>> -> memref<40x128xf32, #tpu.memory_space<hbm>>
      tpu.enqueue_dma source(%arg9 : memref<40x128xf32, #tpu.memory_space<vmem>>) target(%dma_start3A_84 : memref<40x128xf32, #tpu.memory_space<hbm>>) target_semaphore(%run_scoped3A : memref<!tpu.dma_semaphore, #tpu.memory_space<semaphore_mem>>)
      %dma_wait3A_85 = arith.constant 0 : i32
      %dma_wait3A_86 = tpu.memref_slice %arg4[%multiple_of3A_71, %dma_wait3A_85] : memref<160000x128xf32, #tpu.memory_space<hbm>> -> memref<40x128xf32, #tpu.memory_space<hbm>>
      %dma_wait3A_87 = arith.constant 0 : i32
      %dma_wait3A_88 = tpu.memref_slice %arg4[%multiple_of3A_71, %dma_wait3A_87] : memref<160000x128xf32, #tpu.memory_space<hbm>> -> memref<40x128xf32, #tpu.memory_space<hbm>>
      tpu.wait_dma2 semaphore(%run_scoped3A : memref<!tpu.dma_semaphore, #tpu.memory_space<semaphore_mem>>) src(%arg9 : memref<40x128xf32, #tpu.memory_space<vmem>>) dst(%dma_wait3A_88 : memref<40x128xf32, #tpu.memory_space<hbm>>)
      tpu.yield
    }) : () -> ()
    %dma_wait3A_72 = arith.constant 0 : i32
    %dma_wait3A_73 = arith.constant 0 : i32
    %dma_wait3A_74 = tpu.memref_slice %arg2[%dma_wait3A_72, %dma_wait3A_73] : memref<10240x128xf32, #tpu.memory_space<hbm>> -> memref<40x128xf32, #tpu.memory_space<hbm>>
    %dma_wait3A_75 = arith.constant 0 : i32
    %dma_wait3A_76 = arith.constant 0 : i32
    %dma_wait3A_77 = tpu.memref_slice %arg2[%dma_wait3A_75, %dma_wait3A_76] : memref<10240x128xf32, #tpu.memory_space<hbm>> -> memref<40x128xf32, #tpu.memory_space<hbm>>
    tpu.wait_dma2 semaphore(%arg15 : memref<!tpu.dma_semaphore, #tpu.memory_space<semaphore_mem>>) src(%dma_wait3A_77 : memref<40x128xf32, #tpu.memory_space<hbm>>) dst(%arg10 : memref<40x128xf32, #tpu.memory_space<vmem>>)
    %add3A_78 = arith.constant 4960 : i32
    %add3A_79 = arith.addi %mul3A_2, %add3A_78 : i32
    %multiple_of3A_80 = tpu.assume_multiple %add3A_79, 8 : i32
    "tpu.region"() ({
      %run_scoped3A = tpu.sem_alloc : memref<!tpu.dma_semaphore, #tpu.memory_space<semaphore_mem>>
      %dma_start3A_81 = arith.constant 0 : i32
      %dma_start3A_82 = tpu.memref_slice %arg4[%multiple_of3A_80, %dma_start3A_81] : memref<160000x128xf32, #tpu.memory_space<hbm>> -> memref<40x128xf32, #tpu.memory_space<hbm>>
      %dma_start3A_83 = arith.constant 0 : i32
      %dma_start3A_84 = tpu.memref_slice %arg4[%multiple_of3A_80, %dma_start3A_83] : memref<160000x128xf32, #tpu.memory_space<hbm>> -> memref<40x128xf32, #tpu.memory_space<hbm>>
      tpu.enqueue_dma source(%arg10 : memref<40x128xf32, #tpu.memory_space<vmem>>) target(%dma_start3A_84 : memref<40x128xf32, #tpu.memory_space<hbm>>) target_semaphore(%run_scoped3A : memref<!tpu.dma_semaphore, #tpu.memory_space<semaphore_mem>>)
      %dma_wait3A_85 = arith.constant 0 : i32
      %dma_wait3A_86 = tpu.memref_slice %arg4[%multiple_of3A_80, %dma_wait3A_85] : memref<160000x128xf32, #tpu.memory_space<hbm>> -> memref<40x128xf32, #tpu.memory_space<hbm>>
      %dma_wait3A_87 = arith.constant 0 : i32
      %dma_wait3A_88 = tpu.memref_slice %arg4[%multiple_of3A_80, %dma_wait3A_87] : memref<160000x128xf32, #tpu.memory_space<hbm>> -> memref<40x128xf32, #tpu.memory_space<hbm>>
      tpu.wait_dma2 semaphore(%run_scoped3A : memref<!tpu.dma_semaphore, #tpu.memory_space<semaphore_mem>>) src(%arg10 : memref<40x128xf32, #tpu.memory_space<vmem>>) dst(%dma_wait3A_88 : memref<40x128xf32, #tpu.memory_space<hbm>>)
      tpu.yield
    }) : () -> ()
    return
  }
}

#map = affine_map<(d0, d1) -> (0, 0)>
#map1 = affine_map<(d0, d1) -> (0)>
module attributes {stable_mosaic.version = 14 : i64} {
  func.func @k(%arg0: i32, %arg1: i32, %arg2: memref<10240x128xf32, #tpu.memory_space<hbm>>, %arg3: memref<10240xi32, #tpu.memory_space<hbm>>, %arg4: memref<10240x128xf32, #tpu.memory_space<hbm>>, %arg5: memref<320xi32, #tpu.memory_space<vmem>>, %arg6: memref<40x128xf32, #tpu.memory_space<vmem>>, %arg7: memref<40x128xf32, #tpu.memory_space<vmem>>, %arg8: memref<40x128xf32, #tpu.memory_space<vmem>>, %arg9: memref<40x128xf32, #tpu.memory_space<vmem>>, %arg10: memref<40x128xf32, #tpu.memory_space<vmem>>, %arg11: memref<40x128xf32, #tpu.memory_space<vmem>>, %arg12: memref<40x128xf32, #tpu.memory_space<vmem>>, %arg13: memref<40x128xf32, #tpu.memory_space<vmem>>, %arg14: memref<!tpu.dma_semaphore, #tpu.memory_space<semaphore_mem>>, %arg15: memref<!tpu.dma_semaphore, #tpu.memory_space<semaphore_mem>>, %arg16: memref<!tpu.dma_semaphore, #tpu.memory_space<semaphore_mem>>, %arg17: memref<!tpu.dma_semaphore, #tpu.memory_space<semaphore_mem>>, %arg18: memref<!tpu.dma_semaphore, #tpu.memory_space<semaphore_mem>>, %arg19: memref<!tpu.dma_semaphore, #tpu.memory_space<semaphore_mem>>, %arg20: memref<!tpu.dma_semaphore, #tpu.memory_space<semaphore_mem>>, %arg21: memref<!tpu.dma_semaphore, #tpu.memory_space<semaphore_mem>>) attributes {dimension_semantics = [#tpu.dimension_semantics<core_parallel>, #tpu.dimension_semantics<subcore_parallel>], iteration_bounds = array<i64: 2, 16>, scalar_prefetch = 0 : i64, scratch_operands = 17 : i64, tpu.core_type = #tpu.core_type<sc_vector_subcore>, window_params = [{transform_indices = #map}, {transform_indices = #map1}, {transform_indices = #map}]} {
    %mul3A = arith.constant 2 : i32
    %mul3A_0 = arith.muli %arg1, %mul3A : i32
    %add3A = arith.addi %mul3A_0, %arg0 : i32
    %mul3A_1 = arith.constant 320 : i32
    %mul3A_2 = arith.muli %add3A, %mul3A_1 : i32
    "tpu.region"() ({
      %run_scoped3A = tpu.sem_alloc : memref<!tpu.dma_semaphore, #tpu.memory_space<semaphore_mem>>
      %dma_start3A_124 = tpu.memref_slice %arg3[%mul3A_2] : memref<10240xi32, #tpu.memory_space<hbm>> -> memref<320xi32, #tpu.memory_space<hbm>>
      %dma_start3A_125 = tpu.memref_slice %arg3[%mul3A_2] : memref<10240xi32, #tpu.memory_space<hbm>> -> memref<320xi32, #tpu.memory_space<hbm>>
      tpu.enqueue_dma source(%dma_start3A_125 : memref<320xi32, #tpu.memory_space<hbm>>) target(%arg5 : memref<320xi32, #tpu.memory_space<vmem>>) target_semaphore(%run_scoped3A : memref<!tpu.dma_semaphore, #tpu.memory_space<semaphore_mem>>)
      %dma_wait3A_126 = tpu.memref_slice %arg3[%mul3A_2] : memref<10240xi32, #tpu.memory_space<hbm>> -> memref<320xi32, #tpu.memory_space<hbm>>
      %dma_wait3A_127 = tpu.memref_slice %arg3[%mul3A_2] : memref<10240xi32, #tpu.memory_space<hbm>> -> memref<320xi32, #tpu.memory_space<hbm>>
      tpu.wait_dma2 semaphore(%run_scoped3A : memref<!tpu.dma_semaphore, #tpu.memory_space<semaphore_mem>>) src(%dma_wait3A_127 : memref<320xi32, #tpu.memory_space<hbm>>) dst(%arg5 : memref<320xi32, #tpu.memory_space<vmem>>)
      tpu.yield
    }) : () -> ()
    %multiple_of3A = arith.constant 0 : i32
    %multiple_of3A_3 = tpu.assume_multiple %multiple_of3A, 8 : i32
    %dma_start3A = tpu.memref_slice %arg5[%multiple_of3A_3] : memref<320xi32, #tpu.memory_space<vmem>> -> memref<40xi32, #tpu.memory_space<vmem>>
    %dma_start3A_4 = arith.constant 0 : i32
    %dma_start3A_5 = arith.constant 0 : i32
    %dma_start3A_6 = tpu.memref_slice %arg2[%dma_start3A_4, %dma_start3A_5] : memref<10240x128xf32, #tpu.memory_space<hbm>> -> memref<10240x128xf32, #tpu.memory_space<hbm>>
    tpu.enqueue_indirect_dma source(%dma_start3A_6 : memref<10240x128xf32, #tpu.memory_space<hbm>>) target(%arg6 : memref<40x128xf32, #tpu.memory_space<vmem>>) offsets(%dma_start3A : memref<40xi32, #tpu.memory_space<vmem>>) semaphore(%arg14 : memref<!tpu.dma_semaphore, #tpu.memory_space<semaphore_mem>>)
    %multiple_of3A_7 = arith.constant 40 : i32
    %multiple_of3A_8 = tpu.assume_multiple %multiple_of3A_7, 8 : i32
    %dma_start3A_9 = tpu.memref_slice %arg5[%multiple_of3A_8] : memref<320xi32, #tpu.memory_space<vmem>> -> memref<40xi32, #tpu.memory_space<vmem>>
    %dma_start3A_10 = arith.constant 0 : i32
    %dma_start3A_11 = arith.constant 0 : i32
    %dma_start3A_12 = tpu.memref_slice %arg2[%dma_start3A_10, %dma_start3A_11] : memref<10240x128xf32, #tpu.memory_space<hbm>> -> memref<10240x128xf32, #tpu.memory_space<hbm>>
    tpu.enqueue_indirect_dma source(%dma_start3A_12 : memref<10240x128xf32, #tpu.memory_space<hbm>>) target(%arg7 : memref<40x128xf32, #tpu.memory_space<vmem>>) offsets(%dma_start3A_9 : memref<40xi32, #tpu.memory_space<vmem>>) semaphore(%arg15 : memref<!tpu.dma_semaphore, #tpu.memory_space<semaphore_mem>>)
    %multiple_of3A_13 = arith.constant 80 : i32
    %multiple_of3A_14 = tpu.assume_multiple %multiple_of3A_13, 8 : i32
    %dma_start3A_15 = tpu.memref_slice %arg5[%multiple_of3A_14] : memref<320xi32, #tpu.memory_space<vmem>> -> memref<40xi32, #tpu.memory_space<vmem>>
    %dma_start3A_16 = arith.constant 0 : i32
    %dma_start3A_17 = arith.constant 0 : i32
    %dma_start3A_18 = tpu.memref_slice %arg2[%dma_start3A_16, %dma_start3A_17] : memref<10240x128xf32, #tpu.memory_space<hbm>> -> memref<10240x128xf32, #tpu.memory_space<hbm>>
    tpu.enqueue_indirect_dma source(%dma_start3A_18 : memref<10240x128xf32, #tpu.memory_space<hbm>>) target(%arg8 : memref<40x128xf32, #tpu.memory_space<vmem>>) offsets(%dma_start3A_15 : memref<40xi32, #tpu.memory_space<vmem>>) semaphore(%arg16 : memref<!tpu.dma_semaphore, #tpu.memory_space<semaphore_mem>>)
    %multiple_of3A_19 = arith.constant 120 : i32
    %multiple_of3A_20 = tpu.assume_multiple %multiple_of3A_19, 8 : i32
    %dma_start3A_21 = tpu.memref_slice %arg5[%multiple_of3A_20] : memref<320xi32, #tpu.memory_space<vmem>> -> memref<40xi32, #tpu.memory_space<vmem>>
    %dma_start3A_22 = arith.constant 0 : i32
    %dma_start3A_23 = arith.constant 0 : i32
    %dma_start3A_24 = tpu.memref_slice %arg2[%dma_start3A_22, %dma_start3A_23] : memref<10240x128xf32, #tpu.memory_space<hbm>> -> memref<10240x128xf32, #tpu.memory_space<hbm>>
    tpu.enqueue_indirect_dma source(%dma_start3A_24 : memref<10240x128xf32, #tpu.memory_space<hbm>>) target(%arg9 : memref<40x128xf32, #tpu.memory_space<vmem>>) offsets(%dma_start3A_21 : memref<40xi32, #tpu.memory_space<vmem>>) semaphore(%arg17 : memref<!tpu.dma_semaphore, #tpu.memory_space<semaphore_mem>>)
    %multiple_of3A_25 = arith.constant 160 : i32
    %multiple_of3A_26 = tpu.assume_multiple %multiple_of3A_25, 8 : i32
    %dma_start3A_27 = tpu.memref_slice %arg5[%multiple_of3A_26] : memref<320xi32, #tpu.memory_space<vmem>> -> memref<40xi32, #tpu.memory_space<vmem>>
    %dma_start3A_28 = arith.constant 0 : i32
    %dma_start3A_29 = arith.constant 0 : i32
    %dma_start3A_30 = tpu.memref_slice %arg2[%dma_start3A_28, %dma_start3A_29] : memref<10240x128xf32, #tpu.memory_space<hbm>> -> memref<10240x128xf32, #tpu.memory_space<hbm>>
    tpu.enqueue_indirect_dma source(%dma_start3A_30 : memref<10240x128xf32, #tpu.memory_space<hbm>>) target(%arg10 : memref<40x128xf32, #tpu.memory_space<vmem>>) offsets(%dma_start3A_27 : memref<40xi32, #tpu.memory_space<vmem>>) semaphore(%arg18 : memref<!tpu.dma_semaphore, #tpu.memory_space<semaphore_mem>>)
    %multiple_of3A_31 = arith.constant 200 : i32
    %multiple_of3A_32 = tpu.assume_multiple %multiple_of3A_31, 8 : i32
    %dma_start3A_33 = tpu.memref_slice %arg5[%multiple_of3A_32] : memref<320xi32, #tpu.memory_space<vmem>> -> memref<40xi32, #tpu.memory_space<vmem>>
    %dma_start3A_34 = arith.constant 0 : i32
    %dma_start3A_35 = arith.constant 0 : i32
    %dma_start3A_36 = tpu.memref_slice %arg2[%dma_start3A_34, %dma_start3A_35] : memref<10240x128xf32, #tpu.memory_space<hbm>> -> memref<10240x128xf32, #tpu.memory_space<hbm>>
    tpu.enqueue_indirect_dma source(%dma_start3A_36 : memref<10240x128xf32, #tpu.memory_space<hbm>>) target(%arg11 : memref<40x128xf32, #tpu.memory_space<vmem>>) offsets(%dma_start3A_33 : memref<40xi32, #tpu.memory_space<vmem>>) semaphore(%arg19 : memref<!tpu.dma_semaphore, #tpu.memory_space<semaphore_mem>>)
    %multiple_of3A_37 = arith.constant 240 : i32
    %multiple_of3A_38 = tpu.assume_multiple %multiple_of3A_37, 8 : i32
    %dma_start3A_39 = tpu.memref_slice %arg5[%multiple_of3A_38] : memref<320xi32, #tpu.memory_space<vmem>> -> memref<40xi32, #tpu.memory_space<vmem>>
    %dma_start3A_40 = arith.constant 0 : i32
    %dma_start3A_41 = arith.constant 0 : i32
    %dma_start3A_42 = tpu.memref_slice %arg2[%dma_start3A_40, %dma_start3A_41] : memref<10240x128xf32, #tpu.memory_space<hbm>> -> memref<10240x128xf32, #tpu.memory_space<hbm>>
    tpu.enqueue_indirect_dma source(%dma_start3A_42 : memref<10240x128xf32, #tpu.memory_space<hbm>>) target(%arg12 : memref<40x128xf32, #tpu.memory_space<vmem>>) offsets(%dma_start3A_39 : memref<40xi32, #tpu.memory_space<vmem>>) semaphore(%arg20 : memref<!tpu.dma_semaphore, #tpu.memory_space<semaphore_mem>>)
    %multiple_of3A_43 = arith.constant 280 : i32
    %multiple_of3A_44 = tpu.assume_multiple %multiple_of3A_43, 8 : i32
    %dma_start3A_45 = tpu.memref_slice %arg5[%multiple_of3A_44] : memref<320xi32, #tpu.memory_space<vmem>> -> memref<40xi32, #tpu.memory_space<vmem>>
    %dma_start3A_46 = arith.constant 0 : i32
    %dma_start3A_47 = arith.constant 0 : i32
    %dma_start3A_48 = tpu.memref_slice %arg2[%dma_start3A_46, %dma_start3A_47] : memref<10240x128xf32, #tpu.memory_space<hbm>> -> memref<10240x128xf32, #tpu.memory_space<hbm>>
    tpu.enqueue_indirect_dma source(%dma_start3A_48 : memref<10240x128xf32, #tpu.memory_space<hbm>>) target(%arg13 : memref<40x128xf32, #tpu.memory_space<vmem>>) offsets(%dma_start3A_45 : memref<40xi32, #tpu.memory_space<vmem>>) semaphore(%arg21 : memref<!tpu.dma_semaphore, #tpu.memory_space<semaphore_mem>>)
    %scan3A = arith.constant 0 : i32
    %scan3A_49 = arith.constant 1 : i32
    %scan3A_50 = arith.constant 0 : i32
    %scan3A_51 = arith.addi %scan3A_49, %scan3A_50 : i32
    %scan3A_52 = arith.constant 0 : i32
    %dma_wait3A = arith.constant 0 : i32
    %dma_wait3A_53 = arith.constant 0 : i32
    %dma_wait3A_54 = tpu.memref_slice %arg2[%dma_wait3A, %dma_wait3A_53] : memref<10240x128xf32, #tpu.memory_space<hbm>> -> memref<40x128xf32, #tpu.memory_space<hbm>>
    %dma_wait3A_55 = arith.constant 0 : i32
    %dma_wait3A_56 = arith.constant 0 : i32
    %dma_wait3A_57 = tpu.memref_slice %arg2[%dma_wait3A_55, %dma_wait3A_56] : memref<10240x128xf32, #tpu.memory_space<hbm>> -> memref<40x128xf32, #tpu.memory_space<hbm>>
    tpu.wait_dma2 semaphore(%arg14 : memref<!tpu.dma_semaphore, #tpu.memory_space<semaphore_mem>>) src(%dma_wait3A_57 : memref<40x128xf32, #tpu.memory_space<hbm>>) dst(%arg6 : memref<40x128xf32, #tpu.memory_space<vmem>>)
    %add3A_58 = arith.constant 0 : i32
    %add3A_59 = arith.addi %mul3A_2, %add3A_58 : i32
    %multiple_of3A_60 = tpu.assume_multiple %add3A_59, 8 : i32
    "tpu.region"() ({
      %run_scoped3A = tpu.sem_alloc : memref<!tpu.dma_semaphore, #tpu.memory_space<semaphore_mem>>
      %dma_start3A_124 = arith.constant 0 : i32
      %dma_start3A_125 = tpu.memref_slice %arg4[%multiple_of3A_60, %dma_start3A_124] : memref<10240x128xf32, #tpu.memory_space<hbm>> -> memref<40x128xf32, #tpu.memory_space<hbm>>
      %dma_start3A_126 = arith.constant 0 : i32
      %dma_start3A_127 = tpu.memref_slice %arg4[%multiple_of3A_60, %dma_start3A_126] : memref<10240x128xf32, #tpu.memory_space<hbm>> -> memref<40x128xf32, #tpu.memory_space<hbm>>
      tpu.enqueue_dma source(%arg6 : memref<40x128xf32, #tpu.memory_space<vmem>>) target(%dma_start3A_127 : memref<40x128xf32, #tpu.memory_space<hbm>>) target_semaphore(%run_scoped3A : memref<!tpu.dma_semaphore, #tpu.memory_space<semaphore_mem>>)
      %dma_wait3A_128 = arith.constant 0 : i32
      %dma_wait3A_129 = tpu.memref_slice %arg4[%multiple_of3A_60, %dma_wait3A_128] : memref<10240x128xf32, #tpu.memory_space<hbm>> -> memref<40x128xf32, #tpu.memory_space<hbm>>
      %dma_wait3A_130 = arith.constant 0 : i32
      %dma_wait3A_131 = tpu.memref_slice %arg4[%multiple_of3A_60, %dma_wait3A_130] : memref<10240x128xf32, #tpu.memory_space<hbm>> -> memref<40x128xf32, #tpu.memory_space<hbm>>
      tpu.wait_dma2 semaphore(%run_scoped3A : memref<!tpu.dma_semaphore, #tpu.memory_space<semaphore_mem>>) src(%arg6 : memref<40x128xf32, #tpu.memory_space<vmem>>) dst(%dma_wait3A_131 : memref<40x128xf32, #tpu.memory_space<hbm>>)
      tpu.yield
    }) : () -> ()
    %dma_wait3A_61 = arith.constant 0 : i32
    %dma_wait3A_62 = arith.constant 0 : i32
    %dma_wait3A_63 = tpu.memref_slice %arg2[%dma_wait3A_61, %dma_wait3A_62] : memref<10240x128xf32, #tpu.memory_space<hbm>> -> memref<40x128xf32, #tpu.memory_space<hbm>>
    %dma_wait3A_64 = arith.constant 0 : i32
    %dma_wait3A_65 = arith.constant 0 : i32
    %dma_wait3A_66 = tpu.memref_slice %arg2[%dma_wait3A_64, %dma_wait3A_65] : memref<10240x128xf32, #tpu.memory_space<hbm>> -> memref<40x128xf32, #tpu.memory_space<hbm>>
    tpu.wait_dma2 semaphore(%arg15 : memref<!tpu.dma_semaphore, #tpu.memory_space<semaphore_mem>>) src(%dma_wait3A_66 : memref<40x128xf32, #tpu.memory_space<hbm>>) dst(%arg7 : memref<40x128xf32, #tpu.memory_space<vmem>>)
    %add3A_67 = arith.constant 40 : i32
    %add3A_68 = arith.addi %mul3A_2, %add3A_67 : i32
    %multiple_of3A_69 = tpu.assume_multiple %add3A_68, 8 : i32
    "tpu.region"() ({
      %run_scoped3A = tpu.sem_alloc : memref<!tpu.dma_semaphore, #tpu.memory_space<semaphore_mem>>
      %dma_start3A_124 = arith.constant 0 : i32
      %dma_start3A_125 = tpu.memref_slice %arg4[%multiple_of3A_69, %dma_start3A_124] : memref<10240x128xf32, #tpu.memory_space<hbm>> -> memref<40x128xf32, #tpu.memory_space<hbm>>
      %dma_start3A_126 = arith.constant 0 : i32
      %dma_start3A_127 = tpu.memref_slice %arg4[%multiple_of3A_69, %dma_start3A_126] : memref<10240x128xf32, #tpu.memory_space<hbm>> -> memref<40x128xf32, #tpu.memory_space<hbm>>
      tpu.enqueue_dma source(%arg7 : memref<40x128xf32, #tpu.memory_space<vmem>>) target(%dma_start3A_127 : memref<40x128xf32, #tpu.memory_space<hbm>>) target_semaphore(%run_scoped3A : memref<!tpu.dma_semaphore, #tpu.memory_space<semaphore_mem>>)
      %dma_wait3A_128 = arith.constant 0 : i32
      %dma_wait3A_129 = tpu.memref_slice %arg4[%multiple_of3A_69, %dma_wait3A_128] : memref<10240x128xf32, #tpu.memory_space<hbm>> -> memref<40x128xf32, #tpu.memory_space<hbm>>
      %dma_wait3A_130 = arith.constant 0 : i32
      %dma_wait3A_131 = tpu.memref_slice %arg4[%multiple_of3A_69, %dma_wait3A_130] : memref<10240x128xf32, #tpu.memory_space<hbm>> -> memref<40x128xf32, #tpu.memory_space<hbm>>
      tpu.wait_dma2 semaphore(%run_scoped3A : memref<!tpu.dma_semaphore, #tpu.memory_space<semaphore_mem>>) src(%arg7 : memref<40x128xf32, #tpu.memory_space<vmem>>) dst(%dma_wait3A_131 : memref<40x128xf32, #tpu.memory_space<hbm>>)
      tpu.yield
    }) : () -> ()
    %dma_wait3A_70 = arith.constant 0 : i32
    %dma_wait3A_71 = arith.constant 0 : i32
    %dma_wait3A_72 = tpu.memref_slice %arg2[%dma_wait3A_70, %dma_wait3A_71] : memref<10240x128xf32, #tpu.memory_space<hbm>> -> memref<40x128xf32, #tpu.memory_space<hbm>>
    %dma_wait3A_73 = arith.constant 0 : i32
    %dma_wait3A_74 = arith.constant 0 : i32
    %dma_wait3A_75 = tpu.memref_slice %arg2[%dma_wait3A_73, %dma_wait3A_74] : memref<10240x128xf32, #tpu.memory_space<hbm>> -> memref<40x128xf32, #tpu.memory_space<hbm>>
    tpu.wait_dma2 semaphore(%arg16 : memref<!tpu.dma_semaphore, #tpu.memory_space<semaphore_mem>>) src(%dma_wait3A_75 : memref<40x128xf32, #tpu.memory_space<hbm>>) dst(%arg8 : memref<40x128xf32, #tpu.memory_space<vmem>>)
    %add3A_76 = arith.constant 80 : i32
    %add3A_77 = arith.addi %mul3A_2, %add3A_76 : i32
    %multiple_of3A_78 = tpu.assume_multiple %add3A_77, 8 : i32
    "tpu.region"() ({
      %run_scoped3A = tpu.sem_alloc : memref<!tpu.dma_semaphore, #tpu.memory_space<semaphore_mem>>
      %dma_start3A_124 = arith.constant 0 : i32
      %dma_start3A_125 = tpu.memref_slice %arg4[%multiple_of3A_78, %dma_start3A_124] : memref<10240x128xf32, #tpu.memory_space<hbm>> -> memref<40x128xf32, #tpu.memory_space<hbm>>
      %dma_start3A_126 = arith.constant 0 : i32
      %dma_start3A_127 = tpu.memref_slice %arg4[%multiple_of3A_78, %dma_start3A_126] : memref<10240x128xf32, #tpu.memory_space<hbm>> -> memref<40x128xf32, #tpu.memory_space<hbm>>
      tpu.enqueue_dma source(%arg8 : memref<40x128xf32, #tpu.memory_space<vmem>>) target(%dma_start3A_127 : memref<40x128xf32, #tpu.memory_space<hbm>>) target_semaphore(%run_scoped3A : memref<!tpu.dma_semaphore, #tpu.memory_space<semaphore_mem>>)
      %dma_wait3A_128 = arith.constant 0 : i32
      %dma_wait3A_129 = tpu.memref_slice %arg4[%multiple_of3A_78, %dma_wait3A_128] : memref<10240x128xf32, #tpu.memory_space<hbm>> -> memref<40x128xf32, #tpu.memory_space<hbm>>
      %dma_wait3A_130 = arith.constant 0 : i32
      %dma_wait3A_131 = tpu.memref_slice %arg4[%multiple_of3A_78, %dma_wait3A_130] : memref<10240x128xf32, #tpu.memory_space<hbm>> -> memref<40x128xf32, #tpu.memory_space<hbm>>
      tpu.wait_dma2 semaphore(%run_scoped3A : memref<!tpu.dma_semaphore, #tpu.memory_space<semaphore_mem>>) src(%arg8 : memref<40x128xf32, #tpu.memory_space<vmem>>) dst(%dma_wait3A_131 : memref<40x128xf32, #tpu.memory_space<hbm>>)
      tpu.yield
    }) : () -> ()
    %dma_wait3A_79 = arith.constant 0 : i32
    %dma_wait3A_80 = arith.constant 0 : i32
    %dma_wait3A_81 = tpu.memref_slice %arg2[%dma_wait3A_79, %dma_wait3A_80] : memref<10240x128xf32, #tpu.memory_space<hbm>> -> memref<40x128xf32, #tpu.memory_space<hbm>>
    %dma_wait3A_82 = arith.constant 0 : i32
    %dma_wait3A_83 = arith.constant 0 : i32
    %dma_wait3A_84 = tpu.memref_slice %arg2[%dma_wait3A_82, %dma_wait3A_83] : memref<10240x128xf32, #tpu.memory_space<hbm>> -> memref<40x128xf32, #tpu.memory_space<hbm>>
    tpu.wait_dma2 semaphore(%arg17 : memref<!tpu.dma_semaphore, #tpu.memory_space<semaphore_mem>>) src(%dma_wait3A_84 : memref<40x128xf32, #tpu.memory_space<hbm>>) dst(%arg9 : memref<40x128xf32, #tpu.memory_space<vmem>>)
    %add3A_85 = arith.constant 120 : i32
    %add3A_86 = arith.addi %mul3A_2, %add3A_85 : i32
    %multiple_of3A_87 = tpu.assume_multiple %add3A_86, 8 : i32
    "tpu.region"() ({
      %run_scoped3A = tpu.sem_alloc : memref<!tpu.dma_semaphore, #tpu.memory_space<semaphore_mem>>
      %dma_start3A_124 = arith.constant 0 : i32
      %dma_start3A_125 = tpu.memref_slice %arg4[%multiple_of3A_87, %dma_start3A_124] : memref<10240x128xf32, #tpu.memory_space<hbm>> -> memref<40x128xf32, #tpu.memory_space<hbm>>
      %dma_start3A_126 = arith.constant 0 : i32
      %dma_start3A_127 = tpu.memref_slice %arg4[%multiple_of3A_87, %dma_start3A_126] : memref<10240x128xf32, #tpu.memory_space<hbm>> -> memref<40x128xf32, #tpu.memory_space<hbm>>
      tpu.enqueue_dma source(%arg9 : memref<40x128xf32, #tpu.memory_space<vmem>>) target(%dma_start3A_127 : memref<40x128xf32, #tpu.memory_space<hbm>>) target_semaphore(%run_scoped3A : memref<!tpu.dma_semaphore, #tpu.memory_space<semaphore_mem>>)
      %dma_wait3A_128 = arith.constant 0 : i32
      %dma_wait3A_129 = tpu.memref_slice %arg4[%multiple_of3A_87, %dma_wait3A_128] : memref<10240x128xf32, #tpu.memory_space<hbm>> -> memref<40x128xf32, #tpu.memory_space<hbm>>
      %dma_wait3A_130 = arith.constant 0 : i32
      %dma_wait3A_131 = tpu.memref_slice %arg4[%multiple_of3A_87, %dma_wait3A_130] : memref<10240x128xf32, #tpu.memory_space<hbm>> -> memref<40x128xf32, #tpu.memory_space<hbm>>
      tpu.wait_dma2 semaphore(%run_scoped3A : memref<!tpu.dma_semaphore, #tpu.memory_space<semaphore_mem>>) src(%arg9 : memref<40x128xf32, #tpu.memory_space<vmem>>) dst(%dma_wait3A_131 : memref<40x128xf32, #tpu.memory_space<hbm>>)
      tpu.yield
    }) : () -> ()
    %dma_wait3A_88 = arith.constant 0 : i32
    %dma_wait3A_89 = arith.constant 0 : i32
    %dma_wait3A_90 = tpu.memref_slice %arg2[%dma_wait3A_88, %dma_wait3A_89] : memref<10240x128xf32, #tpu.memory_space<hbm>> -> memref<40x128xf32, #tpu.memory_space<hbm>>
    %dma_wait3A_91 = arith.constant 0 : i32
    %dma_wait3A_92 = arith.constant 0 : i32
    %dma_wait3A_93 = tpu.memref_slice %arg2[%dma_wait3A_91, %dma_wait3A_92] : memref<10240x128xf32, #tpu.memory_space<hbm>> -> memref<40x128xf32, #tpu.memory_space<hbm>>
    tpu.wait_dma2 semaphore(%arg18 : memref<!tpu.dma_semaphore, #tpu.memory_space<semaphore_mem>>) src(%dma_wait3A_93 : memref<40x128xf32, #tpu.memory_space<hbm>>) dst(%arg10 : memref<40x128xf32, #tpu.memory_space<vmem>>)
    %add3A_94 = arith.constant 160 : i32
    %add3A_95 = arith.addi %mul3A_2, %add3A_94 : i32
    %multiple_of3A_96 = tpu.assume_multiple %add3A_95, 8 : i32
    "tpu.region"() ({
      %run_scoped3A = tpu.sem_alloc : memref<!tpu.dma_semaphore, #tpu.memory_space<semaphore_mem>>
      %dma_start3A_124 = arith.constant 0 : i32
      %dma_start3A_125 = tpu.memref_slice %arg4[%multiple_of3A_96, %dma_start3A_124] : memref<10240x128xf32, #tpu.memory_space<hbm>> -> memref<40x128xf32, #tpu.memory_space<hbm>>
      %dma_start3A_126 = arith.constant 0 : i32
      %dma_start3A_127 = tpu.memref_slice %arg4[%multiple_of3A_96, %dma_start3A_126] : memref<10240x128xf32, #tpu.memory_space<hbm>> -> memref<40x128xf32, #tpu.memory_space<hbm>>
      tpu.enqueue_dma source(%arg10 : memref<40x128xf32, #tpu.memory_space<vmem>>) target(%dma_start3A_127 : memref<40x128xf32, #tpu.memory_space<hbm>>) target_semaphore(%run_scoped3A : memref<!tpu.dma_semaphore, #tpu.memory_space<semaphore_mem>>)
      %dma_wait3A_128 = arith.constant 0 : i32
      %dma_wait3A_129 = tpu.memref_slice %arg4[%multiple_of3A_96, %dma_wait3A_128] : memref<10240x128xf32, #tpu.memory_space<hbm>> -> memref<40x128xf32, #tpu.memory_space<hbm>>
      %dma_wait3A_130 = arith.constant 0 : i32
      %dma_wait3A_131 = tpu.memref_slice %arg4[%multiple_of3A_96, %dma_wait3A_130] : memref<10240x128xf32, #tpu.memory_space<hbm>> -> memref<40x128xf32, #tpu.memory_space<hbm>>
      tpu.wait_dma2 semaphore(%run_scoped3A : memref<!tpu.dma_semaphore, #tpu.memory_space<semaphore_mem>>) src(%arg10 : memref<40x128xf32, #tpu.memory_space<vmem>>) dst(%dma_wait3A_131 : memref<40x128xf32, #tpu.memory_space<hbm>>)
      tpu.yield
    }) : () -> ()
    %dma_wait3A_97 = arith.constant 0 : i32
    %dma_wait3A_98 = arith.constant 0 : i32
    %dma_wait3A_99 = tpu.memref_slice %arg2[%dma_wait3A_97, %dma_wait3A_98] : memref<10240x128xf32, #tpu.memory_space<hbm>> -> memref<40x128xf32, #tpu.memory_space<hbm>>
    %dma_wait3A_100 = arith.constant 0 : i32
    %dma_wait3A_101 = arith.constant 0 : i32
    %dma_wait3A_102 = tpu.memref_slice %arg2[%dma_wait3A_100, %dma_wait3A_101] : memref<10240x128xf32, #tpu.memory_space<hbm>> -> memref<40x128xf32, #tpu.memory_space<hbm>>
    tpu.wait_dma2 semaphore(%arg19 : memref<!tpu.dma_semaphore, #tpu.memory_space<semaphore_mem>>) src(%dma_wait3A_102 : memref<40x128xf32, #tpu.memory_space<hbm>>) dst(%arg11 : memref<40x128xf32, #tpu.memory_space<vmem>>)
    %add3A_103 = arith.constant 200 : i32
    %add3A_104 = arith.addi %mul3A_2, %add3A_103 : i32
    %multiple_of3A_105 = tpu.assume_multiple %add3A_104, 8 : i32
    "tpu.region"() ({
      %run_scoped3A = tpu.sem_alloc : memref<!tpu.dma_semaphore, #tpu.memory_space<semaphore_mem>>
      %dma_start3A_124 = arith.constant 0 : i32
      %dma_start3A_125 = tpu.memref_slice %arg4[%multiple_of3A_105, %dma_start3A_124] : memref<10240x128xf32, #tpu.memory_space<hbm>> -> memref<40x128xf32, #tpu.memory_space<hbm>>
      %dma_start3A_126 = arith.constant 0 : i32
      %dma_start3A_127 = tpu.memref_slice %arg4[%multiple_of3A_105, %dma_start3A_126] : memref<10240x128xf32, #tpu.memory_space<hbm>> -> memref<40x128xf32, #tpu.memory_space<hbm>>
      tpu.enqueue_dma source(%arg11 : memref<40x128xf32, #tpu.memory_space<vmem>>) target(%dma_start3A_127 : memref<40x128xf32, #tpu.memory_space<hbm>>) target_semaphore(%run_scoped3A : memref<!tpu.dma_semaphore, #tpu.memory_space<semaphore_mem>>)
      %dma_wait3A_128 = arith.constant 0 : i32
      %dma_wait3A_129 = tpu.memref_slice %arg4[%multiple_of3A_105, %dma_wait3A_128] : memref<10240x128xf32, #tpu.memory_space<hbm>> -> memref<40x128xf32, #tpu.memory_space<hbm>>
      %dma_wait3A_130 = arith.constant 0 : i32
      %dma_wait3A_131 = tpu.memref_slice %arg4[%multiple_of3A_105, %dma_wait3A_130] : memref<10240x128xf32, #tpu.memory_space<hbm>> -> memref<40x128xf32, #tpu.memory_space<hbm>>
      tpu.wait_dma2 semaphore(%run_scoped3A : memref<!tpu.dma_semaphore, #tpu.memory_space<semaphore_mem>>) src(%arg11 : memref<40x128xf32, #tpu.memory_space<vmem>>) dst(%dma_wait3A_131 : memref<40x128xf32, #tpu.memory_space<hbm>>)
      tpu.yield
    }) : () -> ()
    %dma_wait3A_106 = arith.constant 0 : i32
    %dma_wait3A_107 = arith.constant 0 : i32
    %dma_wait3A_108 = tpu.memref_slice %arg2[%dma_wait3A_106, %dma_wait3A_107] : memref<10240x128xf32, #tpu.memory_space<hbm>> -> memref<40x128xf32, #tpu.memory_space<hbm>>
    %dma_wait3A_109 = arith.constant 0 : i32
    %dma_wait3A_110 = arith.constant 0 : i32
    %dma_wait3A_111 = tpu.memref_slice %arg2[%dma_wait3A_109, %dma_wait3A_110] : memref<10240x128xf32, #tpu.memory_space<hbm>> -> memref<40x128xf32, #tpu.memory_space<hbm>>
    tpu.wait_dma2 semaphore(%arg20 : memref<!tpu.dma_semaphore, #tpu.memory_space<semaphore_mem>>) src(%dma_wait3A_111 : memref<40x128xf32, #tpu.memory_space<hbm>>) dst(%arg12 : memref<40x128xf32, #tpu.memory_space<vmem>>)
    %add3A_112 = arith.constant 240 : i32
    %add3A_113 = arith.addi %mul3A_2, %add3A_112 : i32
    %multiple_of3A_114 = tpu.assume_multiple %add3A_113, 8 : i32
    "tpu.region"() ({
      %run_scoped3A = tpu.sem_alloc : memref<!tpu.dma_semaphore, #tpu.memory_space<semaphore_mem>>
      %dma_start3A_124 = arith.constant 0 : i32
      %dma_start3A_125 = tpu.memref_slice %arg4[%multiple_of3A_114, %dma_start3A_124] : memref<10240x128xf32, #tpu.memory_space<hbm>> -> memref<40x128xf32, #tpu.memory_space<hbm>>
      %dma_start3A_126 = arith.constant 0 : i32
      %dma_start3A_127 = tpu.memref_slice %arg4[%multiple_of3A_114, %dma_start3A_126] : memref<10240x128xf32, #tpu.memory_space<hbm>> -> memref<40x128xf32, #tpu.memory_space<hbm>>
      tpu.enqueue_dma source(%arg12 : memref<40x128xf32, #tpu.memory_space<vmem>>) target(%dma_start3A_127 : memref<40x128xf32, #tpu.memory_space<hbm>>) target_semaphore(%run_scoped3A : memref<!tpu.dma_semaphore, #tpu.memory_space<semaphore_mem>>)
      %dma_wait3A_128 = arith.constant 0 : i32
      %dma_wait3A_129 = tpu.memref_slice %arg4[%multiple_of3A_114, %dma_wait3A_128] : memref<10240x128xf32, #tpu.memory_space<hbm>> -> memref<40x128xf32, #tpu.memory_space<hbm>>
      %dma_wait3A_130 = arith.constant 0 : i32
      %dma_wait3A_131 = tpu.memref_slice %arg4[%multiple_of3A_114, %dma_wait3A_130] : memref<10240x128xf32, #tpu.memory_space<hbm>> -> memref<40x128xf32, #tpu.memory_space<hbm>>
      tpu.wait_dma2 semaphore(%run_scoped3A : memref<!tpu.dma_semaphore, #tpu.memory_space<semaphore_mem>>) src(%arg12 : memref<40x128xf32, #tpu.memory_space<vmem>>) dst(%dma_wait3A_131 : memref<40x128xf32, #tpu.memory_space<hbm>>)
      tpu.yield
    }) : () -> ()
    %dma_wait3A_115 = arith.constant 0 : i32
    %dma_wait3A_116 = arith.constant 0 : i32
    %dma_wait3A_117 = tpu.memref_slice %arg2[%dma_wait3A_115, %dma_wait3A_116] : memref<10240x128xf32, #tpu.memory_space<hbm>> -> memref<40x128xf32, #tpu.memory_space<hbm>>
    %dma_wait3A_118 = arith.constant 0 : i32
    %dma_wait3A_119 = arith.constant 0 : i32
    %dma_wait3A_120 = tpu.memref_slice %arg2[%dma_wait3A_118, %dma_wait3A_119] : memref<10240x128xf32, #tpu.memory_space<hbm>> -> memref<40x128xf32, #tpu.memory_space<hbm>>
    tpu.wait_dma2 semaphore(%arg21 : memref<!tpu.dma_semaphore, #tpu.memory_space<semaphore_mem>>) src(%dma_wait3A_120 : memref<40x128xf32, #tpu.memory_space<hbm>>) dst(%arg13 : memref<40x128xf32, #tpu.memory_space<vmem>>)
    %add3A_121 = arith.constant 280 : i32
    %add3A_122 = arith.addi %mul3A_2, %add3A_121 : i32
    %multiple_of3A_123 = tpu.assume_multiple %add3A_122, 8 : i32
    "tpu.region"() ({
      %run_scoped3A = tpu.sem_alloc : memref<!tpu.dma_semaphore, #tpu.memory_space<semaphore_mem>>
      %dma_start3A_124 = arith.constant 0 : i32
      %dma_start3A_125 = tpu.memref_slice %arg4[%multiple_of3A_123, %dma_start3A_124] : memref<10240x128xf32, #tpu.memory_space<hbm>> -> memref<40x128xf32, #tpu.memory_space<hbm>>
      %dma_start3A_126 = arith.constant 0 : i32
      %dma_start3A_127 = tpu.memref_slice %arg4[%multiple_of3A_123, %dma_start3A_126] : memref<10240x128xf32, #tpu.memory_space<hbm>> -> memref<40x128xf32, #tpu.memory_space<hbm>>
      tpu.enqueue_dma source(%arg13 : memref<40x128xf32, #tpu.memory_space<vmem>>) target(%dma_start3A_127 : memref<40x128xf32, #tpu.memory_space<hbm>>) target_semaphore(%run_scoped3A : memref<!tpu.dma_semaphore, #tpu.memory_space<semaphore_mem>>)
      %dma_wait3A_128 = arith.constant 0 : i32
      %dma_wait3A_129 = tpu.memref_slice %arg4[%multiple_of3A_123, %dma_wait3A_128] : memref<10240x128xf32, #tpu.memory_space<hbm>> -> memref<40x128xf32, #tpu.memory_space<hbm>>
      %dma_wait3A_130 = arith.constant 0 : i32
      %dma_wait3A_131 = tpu.memref_slice %arg4[%multiple_of3A_123, %dma_wait3A_130] : memref<10240x128xf32, #tpu.memory_space<hbm>> -> memref<40x128xf32, #tpu.memory_space<hbm>>
      tpu.wait_dma2 semaphore(%run_scoped3A : memref<!tpu.dma_semaphore, #tpu.memory_space<semaphore_mem>>) src(%arg13 : memref<40x128xf32, #tpu.memory_space<vmem>>) dst(%dma_wait3A_131 : memref<40x128xf32, #tpu.memory_space<hbm>>)
      tpu.yield
    }) : () -> ()
    return
  }
}

module attributes {stable_mosaic.version = 14 : i64} {
  func.func @_knn_body(%arg0: i32, %arg1: memref<128x128xf32, #tpu.memory_space<vmem>>, %arg2: memref<128x10240xf32, #tpu.memory_space<vmem>>, %arg3: memref<256x64xf32, #tpu.memory_space<vmem>>, %arg4: memref<128x16xi32, #tpu.memory_space<vmem>>, %arg5: memref<128x128xf32, #tpu.memory_space<vmem>>) attributes {dimension_semantics = [#tpu.dimension_semantics<arbitrary>], iteration_bounds = array<i64: 80>, scalar_prefetch = 0 : i64, scratch_operands = 0 : i64, tpu.core_type = #tpu.core_type<tc>, window_params = [{transform_indices = @transform_0, window_bounds = array<i64: 128, 128>}, {pipeline_mode = #tpu.pipeline_mode<synchronous>, transform_indices = @transform_1, window_bounds = array<i64: 128, 10240>}, {pipeline_mode = #tpu.pipeline_mode<synchronous>, transform_indices = @transform_2, window_bounds = array<i64: 256, 64>}, {transform_indices = @transform_3, window_bounds = array<i64: 128, 16>}, {transform_indices = @transform_4, window_bounds = array<i64: 128, 128>}]} {
    %get3A = arith.constant 0 : index
    %get3A_0 = arith.constant 0 : index
    %get3A_1 = vector.load %arg1[%get3A, %get3A_0] : memref<128x128xf32, #tpu.memory_space<vmem>>, vector<128x128xf32>
    %get3A_2 = arith.constant 0 : index
    %get3A_3 = arith.constant 0 : index
    %get3A_4 = vector.load %arg2[%get3A_2, %get3A_3] : memref<128x10240xf32, #tpu.memory_space<vmem>>, vector<128x10240xf32>
    %get3A_5 = arith.constant 0 : index
    %get3A_6 = arith.constant 0 : index
    %get3A_7 = vector.load %arg3[%get3A_5, %get3A_6] : memref<256x64xf32, #tpu.memory_space<vmem>>, vector<128x64xf32>
    %get3A_8 = arith.constant 128 : index
    %get3A_9 = arith.constant 0 : index
    %get3A_10 = vector.load %arg3[%get3A_8, %get3A_9] : memref<256x64xf32, #tpu.memory_space<vmem>>, vector<128x64xf32>
    %sub3A = arith.subf %get3A_7, %get3A_10 : vector<128x64xf32>
    %concatenate3A = tpu.concatenate %get3A_10, %sub3A in 1 : vector<128x64xf32>, vector<128x64xf32> -> vector<128x128xf32>
    %dot_general3A = arith.constant dense<0.000000e+00> : vector<128x128xf32>
    %dot_general3A_11 = tpu.matmul %get3A_1, %concatenate3A, %dot_general3A {dimension_numbers = #tpu.dot_dimension_numbers<[1], [0], [0], [1], [0, 0, 1, 1], [], []>, transpose_lhs_hint = false} : vector<128x128xf32>, vector<128x128xf32>, vector<128x128xf32> -> vector<128x128xf32>
    %swap3A = arith.constant 0 : index
    %swap3A_12 = arith.constant 0 : index
    %swap3A_13 = vector.load %arg5[%swap3A, %swap3A_12] : memref<128x128xf32, #tpu.memory_space<vmem>>, vector<128x128xf32>
    tpu.vector_store %arg5[%swap3A, %swap3A_12], %dot_general3A_11 {strides = array<i32>} : memref<128x128xf32, #tpu.memory_space<vmem>>, vector<128x128xf32>,
    %mul3A = arith.mulf %get3A_4, %get3A_4 : vector<128x10240xf32>
    %reduce_sum3A = arith.constant dense<0.000000e+00> : vector<10240xf32>
    %reduce_sum3A_14 = vector.multi_reduction <add>, %mul3A, %reduce_sum3A [0] : vector<128x10240xf32> to vector<10240xf32>
    %broadcast_in_dim3A = vector.shape_cast %reduce_sum3A_14 : vector<10240xf32> to vector<1x10240xf32>
    %iota3A = tpu.iota {dimensions = array<i32: 1>} : vector<1x10240xi32>
    %ge3A = arith.constant 10000 : i32
    %ge3A_15 = vector.broadcast %ge3A : i32 to vector<1x10240xi32>
    %ge3A_16 = arith.cmpi sge, %iota3A, %ge3A_15 : vector<1x10240xi32>
    %jit3A = arith.constant 1.000000e+30 : f32
    %broadcast_in_dim3A_17 = vector.broadcast %jit3A : f32 to vector<1x10240xf32>
    %select_n3A = arith.select %ge3A_16, %broadcast_in_dim3A_17, %broadcast_in_dim3A : vector<1x10240xi1>, vector<1x10240xf32>
    %mul3A_18 = arith.mulf %get3A_1, %get3A_1 : vector<128x128xf32>
    %reduce_sum3A_19 = arith.constant dense<0.000000e+00> : vector<128xf32>
    %reduce_sum3A_20 = vector.multi_reduction <add>, %mul3A_18, %reduce_sum3A_19 [1] : vector<128x128xf32> to vector<128xf32>
    %broadcast_in_dim3A_21 = vector.shape_cast %reduce_sum3A_20 : vector<128xf32> to vector<128x1xf32>
    %dot_general3A_22 = arith.constant dense<0.000000e+00> : vector<128x10240xf32>
    %dot_general3A_23 = tpu.matmul %get3A_1, %get3A_4, %dot_general3A_22 {dimension_numbers = #tpu.dot_dimension_numbers<[1], [0], [0], [1], [0, 0, 1, 1], [], []>, transpose_lhs_hint = false} : vector<128x128xf32>, vector<128x10240xf32>, vector<128x10240xf32> -> vector<128x10240xf32>
    %mul3A_24 = arith.constant 2.000000e+00 : f32
    %mul3A_25 = vector.broadcast %mul3A_24 : f32 to vector<128x10240xf32>
    %mul3A_26 = arith.mulf %mul3A_25, %dot_general3A_23 : vector<128x10240xf32>
    %sub3A_27 = vector.broadcast %broadcast_in_dim3A_21 : vector<128x1xf32> to vector<128x10240xf32>
    %sub3A_28 = arith.subf %sub3A_27, %mul3A_26 : vector<128x10240xf32>
    %add3A = vector.broadcast %select_n3A : vector<1x10240xf32> to vector<128x10240xf32>
    %add3A_29 = arith.addf %sub3A_28, %add3A : vector<128x10240xf32>
    %iota3A_30 = tpu.iota {dimensions = array<i32: 1>} : vector<128x10240xi32>
    %slice3A = vector.extract_strided_slice %add3A_29 {offsets = [0, 0], sizes = [128, 640], strides = [1, 1]} : vector<128x10240xf32> to vector<128x640xf32>
    %slice3A_31 = vector.extract_strided_slice %iota3A_30 {offsets = [0, 0], sizes = [128, 640], strides = [1, 1]} : vector<128x10240xi32> to vector<128x640xi32>
    %broadcast_in_dim3A_32 = arith.constant 0x7F800000 : f32
    %broadcast_in_dim3A_33 = vector.broadcast %broadcast_in_dim3A_32 : f32 to vector<128x640xf32>
    %broadcast_in_dim3A_34 = arith.constant 1073741824 : i32
    %broadcast_in_dim3A_35 = vector.broadcast %broadcast_in_dim3A_34 : i32 to vector<128x640xi32>
    %broadcast_in_dim3A_36 = arith.constant 0x7F800000 : f32
    %broadcast_in_dim3A_37 = vector.broadcast %broadcast_in_dim3A_36 : f32 to vector<128x640xf32>
    %slice3A_38 = vector.extract_strided_slice %add3A_29 {offsets = [0, 640], sizes = [128, 640], strides = [1, 1]} : vector<128x10240xf32> to vector<128x640xf32>
    %slice3A_39 = vector.extract_strided_slice %iota3A_30 {offsets = [0, 640], sizes = [128, 640], strides = [1, 1]} : vector<128x10240xi32> to vector<128x640xi32>
    %lt3A = arith.cmpf olt, %slice3A_38, %slice3A : vector<128x640xf32>
    %lt3A_40 = arith.cmpf olt, %slice3A_38, %broadcast_in_dim3A_33 : vector<128x640xf32>
    %select_n3A_41 = arith.select %lt3A, %slice3A_38, %slice3A : vector<128x640xi1>, vector<128x640xf32>
    %select_n3A_42 = arith.select %lt3A, %slice3A_39, %slice3A_31 : vector<128x640xi1>, vector<128x640xi32>
    %select_n3A_43 = arith.select %lt3A_40, %slice3A_38, %broadcast_in_dim3A_33 : vector<128x640xi1>, vector<128x640xf32>
    %select_n3A_44 = arith.select %lt3A, %slice3A, %select_n3A_43 : vector<128x640xi1>, vector<128x640xf32>
    %select_n3A_45 = arith.select %lt3A_40, %slice3A_39, %broadcast_in_dim3A_35 : vector<128x640xi1>, vector<128x640xi32>
    %select_n3A_46 = arith.select %lt3A, %slice3A_31, %select_n3A_45 : vector<128x640xi1>, vector<128x640xi32>
    %max3A = arith.maximumf %broadcast_in_dim3A_33, %slice3A_38 : vector<128x640xf32>
    %min3A = arith.minimumf %broadcast_in_dim3A_37, %max3A : vector<128x640xf32>
    %slice3A_47 = vector.extract_strided_slice %add3A_29 {offsets = [0, 1280], sizes = [128, 640], strides = [1, 1]} : vector<128x10240xf32> to vector<128x640xf32>
    %slice3A_48 = vector.extract_strided_slice %iota3A_30 {offsets = [0, 1280], sizes = [128, 640], strides = [1, 1]} : vector<128x10240xi32> to vector<128x640xi32>
    %lt3A_49 = arith.cmpf olt, %slice3A_47, %select_n3A_41 : vector<128x640xf32>
    %lt3A_50 = arith.cmpf olt, %slice3A_47, %select_n3A_44 : vector<128x640xf32>
    %select_n3A_51 = arith.select %lt3A_49, %slice3A_47, %select_n3A_41 : vector<128x640xi1>, vector<128x640xf32>
    %select_n3A_52 = arith.select %lt3A_49, %slice3A_48, %select_n3A_42 : vector<128x640xi1>, vector<128x640xi32>
    %select_n3A_53 = arith.select %lt3A_50, %slice3A_47, %select_n3A_44 : vector<128x640xi1>, vector<128x640xf32>
    %select_n3A_54 = arith.select %lt3A_49, %select_n3A_41, %select_n3A_53 : vector<128x640xi1>, vector<128x640xf32>
    %select_n3A_55 = arith.select %lt3A_50, %slice3A_48, %select_n3A_46 : vector<128x640xi1>, vector<128x640xi32>
    %select_n3A_56 = arith.select %lt3A_49, %select_n3A_42, %select_n3A_55 : vector<128x640xi1>, vector<128x640xi32>
    %max3A_57 = arith.maximumf %select_n3A_44, %slice3A_47 : vector<128x640xf32>
    %min3A_58 = arith.minimumf %min3A, %max3A_57 : vector<128x640xf32>
    %slice3A_59 = vector.extract_strided_slice %add3A_29 {offsets = [0, 1920], sizes = [128, 640], strides = [1, 1]} : vector<128x10240xf32> to vector<128x640xf32>
    %slice3A_60 = vector.extract_strided_slice %iota3A_30 {offsets = [0, 1920], sizes = [128, 640], strides = [1, 1]} : vector<128x10240xi32> to vector<128x640xi32>
    %lt3A_61 = arith.cmpf olt, %slice3A_59, %select_n3A_51 : vector<128x640xf32>
    %lt3A_62 = arith.cmpf olt, %slice3A_59, %select_n3A_54 : vector<128x640xf32>
    %select_n3A_63 = arith.select %lt3A_61, %slice3A_59, %select_n3A_51 : vector<128x640xi1>, vector<128x640xf32>
    %select_n3A_64 = arith.select %lt3A_61, %slice3A_60, %select_n3A_52 : vector<128x640xi1>, vector<128x640xi32>
    %select_n3A_65 = arith.select %lt3A_62, %slice3A_59, %select_n3A_54 : vector<128x640xi1>, vector<128x640xf32>
    %select_n3A_66 = arith.select %lt3A_61, %select_n3A_51, %select_n3A_65 : vector<128x640xi1>, vector<128x640xf32>
    %select_n3A_67 = arith.select %lt3A_62, %slice3A_60, %select_n3A_56 : vector<128x640xi1>, vector<128x640xi32>
    %select_n3A_68 = arith.select %lt3A_61, %select_n3A_52, %select_n3A_67 : vector<128x640xi1>, vector<128x640xi32>
    %max3A_69 = arith.maximumf %select_n3A_54, %slice3A_59 : vector<128x640xf32>
    %min3A_70 = arith.minimumf %min3A_58, %max3A_69 : vector<128x640xf32>
    %slice3A_71 = vector.extract_strided_slice %add3A_29 {offsets = [0, 2560], sizes = [128, 640], strides = [1, 1]} : vector<128x10240xf32> to vector<128x640xf32>
    %slice3A_72 = vector.extract_strided_slice %iota3A_30 {offsets = [0, 2560], sizes = [128, 640], strides = [1, 1]} : vector<128x10240xi32> to vector<128x640xi32>
    %lt3A_73 = arith.cmpf olt, %slice3A_71, %select_n3A_63 : vector<128x640xf32>
    %lt3A_74 = arith.cmpf olt, %slice3A_71, %select_n3A_66 : vector<128x640xf32>
    %select_n3A_75 = arith.select %lt3A_73, %slice3A_71, %select_n3A_63 : vector<128x640xi1>, vector<128x640xf32>
    %select_n3A_76 = arith.select %lt3A_73, %slice3A_72, %select_n3A_64 : vector<128x640xi1>, vector<128x640xi32>
    %select_n3A_77 = arith.select %lt3A_74, %slice3A_71, %select_n3A_66 : vector<128x640xi1>, vector<128x640xf32>
    %select_n3A_78 = arith.select %lt3A_73, %select_n3A_63, %select_n3A_77 : vector<128x640xi1>, vector<128x640xf32>
    %select_n3A_79 = arith.select %lt3A_74, %slice3A_72, %select_n3A_68 : vector<128x640xi1>, vector<128x640xi32>
    %select_n3A_80 = arith.select %lt3A_73, %select_n3A_64, %select_n3A_79 : vector<128x640xi1>, vector<128x640xi32>
    %max3A_81 = arith.maximumf %select_n3A_66, %slice3A_71 : vector<128x640xf32>
    %min3A_82 = arith.minimumf %min3A_70, %max3A_81 : vector<128x640xf32>
    %slice3A_83 = vector.extract_strided_slice %add3A_29 {offsets = [0, 3200], sizes = [128, 640], strides = [1, 1]} : vector<128x10240xf32> to vector<128x640xf32>
    %slice3A_84 = vector.extract_strided_slice %iota3A_30 {offsets = [0, 3200], sizes = [128, 640], strides = [1, 1]} : vector<128x10240xi32> to vector<128x640xi32>
    %lt3A_85 = arith.cmpf olt, %slice3A_83, %select_n3A_75 : vector<128x640xf32>
    %lt3A_86 = arith.cmpf olt, %slice3A_83, %select_n3A_78 : vector<128x640xf32>
    %select_n3A_87 = arith.select %lt3A_85, %slice3A_83, %select_n3A_75 : vector<128x640xi1>, vector<128x640xf32>
    %select_n3A_88 = arith.select %lt3A_85, %slice3A_84, %select_n3A_76 : vector<128x640xi1>, vector<128x640xi32>
    %select_n3A_89 = arith.select %lt3A_86, %slice3A_83, %select_n3A_78 : vector<128x640xi1>, vector<128x640xf32>
    %select_n3A_90 = arith.select %lt3A_85, %select_n3A_75, %select_n3A_89 : vector<128x640xi1>, vector<128x640xf32>
    %select_n3A_91 = arith.select %lt3A_86, %slice3A_84, %select_n3A_80 : vector<128x640xi1>, vector<128x640xi32>
    %select_n3A_92 = arith.select %lt3A_85, %select_n3A_76, %select_n3A_91 : vector<128x640xi1>, vector<128x640xi32>
    %max3A_93 = arith.maximumf %select_n3A_78, %slice3A_83 : vector<128x640xf32>
    %min3A_94 = arith.minimumf %min3A_82, %max3A_93 : vector<128x640xf32>
    %slice3A_95 = vector.extract_strided_slice %add3A_29 {offsets = [0, 3840], sizes = [128, 640], strides = [1, 1]} : vector<128x10240xf32> to vector<128x640xf32>
    %slice3A_96 = vector.extract_strided_slice %iota3A_30 {offsets = [0, 3840], sizes = [128, 640], strides = [1, 1]} : vector<128x10240xi32> to vector<128x640xi32>
    %lt3A_97 = arith.cmpf olt, %slice3A_95, %select_n3A_87 : vector<128x640xf32>
    %lt3A_98 = arith.cmpf olt, %slice3A_95, %select_n3A_90 : vector<128x640xf32>
    %select_n3A_99 = arith.select %lt3A_97, %slice3A_95, %select_n3A_87 : vector<128x640xi1>, vector<128x640xf32>
    %select_n3A_100 = arith.select %lt3A_97, %slice3A_96, %select_n3A_88 : vector<128x640xi1>, vector<128x640xi32>
    %select_n3A_101 = arith.select %lt3A_98, %slice3A_95, %select_n3A_90 : vector<128x640xi1>, vector<128x640xf32>
    %select_n3A_102 = arith.select %lt3A_97, %select_n3A_87, %select_n3A_101 : vector<128x640xi1>, vector<128x640xf32>
    %select_n3A_103 = arith.select %lt3A_98, %slice3A_96, %select_n3A_92 : vector<128x640xi1>, vector<128x640xi32>
    %select_n3A_104 = arith.select %lt3A_97, %select_n3A_88, %select_n3A_103 : vector<128x640xi1>, vector<128x640xi32>
    %max3A_105 = arith.maximumf %select_n3A_90, %slice3A_95 : vector<128x640xf32>
    %min3A_106 = arith.minimumf %min3A_94, %max3A_105 : vector<128x640xf32>
    %slice3A_107 = vector.extract_strided_slice %add3A_29 {offsets = [0, 4480], sizes = [128, 640], strides = [1, 1]} : vector<128x10240xf32> to vector<128x640xf32>
    %slice3A_108 = vector.extract_strided_slice %iota3A_30 {offsets = [0, 4480], sizes = [128, 640], strides = [1, 1]} : vector<128x10240xi32> to vector<128x640xi32>
    %lt3A_109 = arith.cmpf olt, %slice3A_107, %select_n3A_99 : vector<128x640xf32>
    %lt3A_110 = arith.cmpf olt, %slice3A_107, %select_n3A_102 : vector<128x640xf32>
    %select_n3A_111 = arith.select %lt3A_109, %slice3A_107, %select_n3A_99 : vector<128x640xi1>, vector<128x640xf32>
    %select_n3A_112 = arith.select %lt3A_109, %slice3A_108, %select_n3A_100 : vector<128x640xi1>, vector<128x640xi32>
    %select_n3A_113 = arith.select %lt3A_110, %slice3A_107, %select_n3A_102 : vector<128x640xi1>, vector<128x640xf32>
    %select_n3A_114 = arith.select %lt3A_109, %select_n3A_99, %select_n3A_113 : vector<128x640xi1>, vector<128x640xf32>
    %select_n3A_115 = arith.select %lt3A_110, %slice3A_108, %select_n3A_104 : vector<128x640xi1>, vector<128x640xi32>
    %select_n3A_116 = arith.select %lt3A_109, %select_n3A_100, %select_n3A_115 : vector<128x640xi1>, vector<128x640xi32>
    %max3A_117 = arith.maximumf %select_n3A_102, %slice3A_107 : vector<128x640xf32>
    %min3A_118 = arith.minimumf %min3A_106, %max3A_117 : vector<128x640xf32>
    %slice3A_119 = vector.extract_strided_slice %add3A_29 {offsets = [0, 5120], sizes = [128, 640], strides = [1, 1]} : vector<128x10240xf32> to vector<128x640xf32>
    %slice3A_120 = vector.extract_strided_slice %iota3A_30 {offsets = [0, 5120], sizes = [128, 640], strides = [1, 1]} : vector<128x10240xi32> to vector<128x640xi32>
    %lt3A_121 = arith.cmpf olt, %slice3A_119, %select_n3A_111 : vector<128x640xf32>
    %lt3A_122 = arith.cmpf olt, %slice3A_119, %select_n3A_114 : vector<128x640xf32>
    %select_n3A_123 = arith.select %lt3A_121, %slice3A_119, %select_n3A_111 : vector<128x640xi1>, vector<128x640xf32>
    %select_n3A_124 = arith.select %lt3A_121, %slice3A_120, %select_n3A_112 : vector<128x640xi1>, vector<128x640xi32>
    %select_n3A_125 = arith.select %lt3A_122, %slice3A_119, %select_n3A_114 : vector<128x640xi1>, vector<128x640xf32>
    %select_n3A_126 = arith.select %lt3A_121, %select_n3A_111, %select_n3A_125 : vector<128x640xi1>, vector<128x640xf32>
    %select_n3A_127 = arith.select %lt3A_122, %slice3A_120, %select_n3A_116 : vector<128x640xi1>, vector<128x640xi32>
    %select_n3A_128 = arith.select %lt3A_121, %select_n3A_112, %select_n3A_127 : vector<128x640xi1>, vector<128x640xi32>
    %max3A_129 = arith.maximumf %select_n3A_114, %slice3A_119 : vector<128x640xf32>
    %min3A_130 = arith.minimumf %min3A_118, %max3A_129 : vector<128x640xf32>
    %slice3A_131 = vector.extract_strided_slice %add3A_29 {offsets = [0, 5760], sizes = [128, 640], strides = [1, 1]} : vector<128x10240xf32> to vector<128x640xf32>
    %slice3A_132 = vector.extract_strided_slice %iota3A_30 {offsets = [0, 5760], sizes = [128, 640], strides = [1, 1]} : vector<128x10240xi32> to vector<128x640xi32>
    %lt3A_133 = arith.cmpf olt, %slice3A_131, %select_n3A_123 : vector<128x640xf32>
    %lt3A_134 = arith.cmpf olt, %slice3A_131, %select_n3A_126 : vector<128x640xf32>
    %select_n3A_135 = arith.select %lt3A_133, %slice3A_131, %select_n3A_123 : vector<128x640xi1>, vector<128x640xf32>
    %select_n3A_136 = arith.select %lt3A_133, %slice3A_132, %select_n3A_124 : vector<128x640xi1>, vector<128x640xi32>
    %select_n3A_137 = arith.select %lt3A_134, %slice3A_131, %select_n3A_126 : vector<128x640xi1>, vector<128x640xf32>
    %select_n3A_138 = arith.select %lt3A_133, %select_n3A_123, %select_n3A_137 : vector<128x640xi1>, vector<128x640xf32>
    %select_n3A_139 = arith.select %lt3A_134, %slice3A_132, %select_n3A_128 : vector<128x640xi1>, vector<128x640xi32>
    %select_n3A_140 = arith.select %lt3A_133, %select_n3A_124, %select_n3A_139 : vector<128x640xi1>, vector<128x640xi32>
    %max3A_141 = arith.maximumf %select_n3A_126, %slice3A_131 : vector<128x640xf32>
    %min3A_142 = arith.minimumf %min3A_130, %max3A_141 : vector<128x640xf32>
    %slice3A_143 = vector.extract_strided_slice %add3A_29 {offsets = [0, 6400], sizes = [128, 640], strides = [1, 1]} : vector<128x10240xf32> to vector<128x640xf32>
    %slice3A_144 = vector.extract_strided_slice %iota3A_30 {offsets = [0, 6400], sizes = [128, 640], strides = [1, 1]} : vector<128x10240xi32> to vector<128x640xi32>
    %lt3A_145 = arith.cmpf olt, %slice3A_143, %select_n3A_135 : vector<128x640xf32>
    %lt3A_146 = arith.cmpf olt, %slice3A_143, %select_n3A_138 : vector<128x640xf32>
    %select_n3A_147 = arith.select %lt3A_145, %slice3A_143, %select_n3A_135 : vector<128x640xi1>, vector<128x640xf32>
    %select_n3A_148 = arith.select %lt3A_145, %slice3A_144, %select_n3A_136 : vector<128x640xi1>, vector<128x640xi32>
    %select_n3A_149 = arith.select %lt3A_146, %slice3A_143, %select_n3A_138 : vector<128x640xi1>, vector<128x640xf32>
    %select_n3A_150 = arith.select %lt3A_145, %select_n3A_135, %select_n3A_149 : vector<128x640xi1>, vector<128x640xf32>
    %select_n3A_151 = arith.select %lt3A_146, %slice3A_144, %select_n3A_140 : vector<128x640xi1>, vector<128x640xi32>
    %select_n3A_152 = arith.select %lt3A_145, %select_n3A_136, %select_n3A_151 : vector<128x640xi1>, vector<128x640xi32>
    %max3A_153 = arith.maximumf %select_n3A_138, %slice3A_143 : vector<128x640xf32>
    %min3A_154 = arith.minimumf %min3A_142, %max3A_153 : vector<128x640xf32>
    %slice3A_155 = vector.extract_strided_slice %add3A_29 {offsets = [0, 7040], sizes = [128, 640], strides = [1, 1]} : vector<128x10240xf32> to vector<128x640xf32>
    %slice3A_156 = vector.extract_strided_slice %iota3A_30 {offsets = [0, 7040], sizes = [128, 640], strides = [1, 1]} : vector<128x10240xi32> to vector<128x640xi32>
    %lt3A_157 = arith.cmpf olt, %slice3A_155, %select_n3A_147 : vector<128x640xf32>
    %lt3A_158 = arith.cmpf olt, %slice3A_155, %select_n3A_150 : vector<128x640xf32>
    %select_n3A_159 = arith.select %lt3A_157, %slice3A_155, %select_n3A_147 : vector<128x640xi1>, vector<128x640xf32>
    %select_n3A_160 = arith.select %lt3A_157, %slice3A_156, %select_n3A_148 : vector<128x640xi1>, vector<128x640xi32>
    %select_n3A_161 = arith.select %lt3A_158, %slice3A_155, %select_n3A_150 : vector<128x640xi1>, vector<128x640xf32>
    %select_n3A_162 = arith.select %lt3A_157, %select_n3A_147, %select_n3A_161 : vector<128x640xi1>, vector<128x640xf32>
    %select_n3A_163 = arith.select %lt3A_158, %slice3A_156, %select_n3A_152 : vector<128x640xi1>, vector<128x640xi32>
    %select_n3A_164 = arith.select %lt3A_157, %select_n3A_148, %select_n3A_163 : vector<128x640xi1>, vector<128x640xi32>
    %max3A_165 = arith.maximumf %select_n3A_150, %slice3A_155 : vector<128x640xf32>
    %min3A_166 = arith.minimumf %min3A_154, %max3A_165 : vector<128x640xf32>
    %slice3A_167 = vector.extract_strided_slice %add3A_29 {offsets = [0, 7680], sizes = [128, 640], strides = [1, 1]} : vector<128x10240xf32> to vector<128x640xf32>
    %slice3A_168 = vector.extract_strided_slice %iota3A_30 {offsets = [0, 7680], sizes = [128, 640], strides = [1, 1]} : vector<128x10240xi32> to vector<128x640xi32>
    %lt3A_169 = arith.cmpf olt, %slice3A_167, %select_n3A_159 : vector<128x640xf32>
    %lt3A_170 = arith.cmpf olt, %slice3A_167, %select_n3A_162 : vector<128x640xf32>
    %select_n3A_171 = arith.select %lt3A_169, %slice3A_167, %select_n3A_159 : vector<128x640xi1>, vector<128x640xf32>
    %select_n3A_172 = arith.select %lt3A_169, %slice3A_168, %select_n3A_160 : vector<128x640xi1>, vector<128x640xi32>
    %select_n3A_173 = arith.select %lt3A_170, %slice3A_167, %select_n3A_162 : vector<128x640xi1>, vector<128x640xf32>
    %select_n3A_174 = arith.select %lt3A_169, %select_n3A_159, %select_n3A_173 : vector<128x640xi1>, vector<128x640xf32>
    %select_n3A_175 = arith.select %lt3A_170, %slice3A_168, %select_n3A_164 : vector<128x640xi1>, vector<128x640xi32>
    %select_n3A_176 = arith.select %lt3A_169, %select_n3A_160, %select_n3A_175 : vector<128x640xi1>, vector<128x640xi32>
    %max3A_177 = arith.maximumf %select_n3A_162, %slice3A_167 : vector<128x640xf32>
    %min3A_178 = arith.minimumf %min3A_166, %max3A_177 : vector<128x640xf32>
    %slice3A_179 = vector.extract_strided_slice %add3A_29 {offsets = [0, 8320], sizes = [128, 640], strides = [1, 1]} : vector<128x10240xf32> to vector<128x640xf32>
    %slice3A_180 = vector.extract_strided_slice %iota3A_30 {offsets = [0, 8320], sizes = [128, 640], strides = [1, 1]} : vector<128x10240xi32> to vector<128x640xi32>
    %lt3A_181 = arith.cmpf olt, %slice3A_179, %select_n3A_171 : vector<128x640xf32>
    %lt3A_182 = arith.cmpf olt, %slice3A_179, %select_n3A_174 : vector<128x640xf32>
    %select_n3A_183 = arith.select %lt3A_181, %slice3A_179, %select_n3A_171 : vector<128x640xi1>, vector<128x640xf32>
    %select_n3A_184 = arith.select %lt3A_181, %slice3A_180, %select_n3A_172 : vector<128x640xi1>, vector<128x640xi32>
    %select_n3A_185 = arith.select %lt3A_182, %slice3A_179, %select_n3A_174 : vector<128x640xi1>, vector<128x640xf32>
    %select_n3A_186 = arith.select %lt3A_181, %select_n3A_171, %select_n3A_185 : vector<128x640xi1>, vector<128x640xf32>
    %select_n3A_187 = arith.select %lt3A_182, %slice3A_180, %select_n3A_176 : vector<128x640xi1>, vector<128x640xi32>
    %select_n3A_188 = arith.select %lt3A_181, %select_n3A_172, %select_n3A_187 : vector<128x640xi1>, vector<128x640xi32>
    %max3A_189 = arith.maximumf %select_n3A_174, %slice3A_179 : vector<128x640xf32>
    %min3A_190 = arith.minimumf %min3A_178, %max3A_189 : vector<128x640xf32>
    %slice3A_191 = vector.extract_strided_slice %add3A_29 {offsets = [0, 8960], sizes = [128, 640], strides = [1, 1]} : vector<128x10240xf32> to vector<128x640xf32>
    %slice3A_192 = vector.extract_strided_slice %iota3A_30 {offsets = [0, 8960], sizes = [128, 640], strides = [1, 1]} : vector<128x10240xi32> to vector<128x640xi32>
    %lt3A_193 = arith.cmpf olt, %slice3A_191, %select_n3A_183 : vector<128x640xf32>
    %lt3A_194 = arith.cmpf olt, %slice3A_191, %select_n3A_186 : vector<128x640xf32>
    %select_n3A_195 = arith.select %lt3A_193, %slice3A_191, %select_n3A_183 : vector<128x640xi1>, vector<128x640xf32>
    %select_n3A_196 = arith.select %lt3A_193, %slice3A_192, %select_n3A_184 : vector<128x640xi1>, vector<128x640xi32>
    %select_n3A_197 = arith.select %lt3A_194, %slice3A_191, %select_n3A_186 : vector<128x640xi1>, vector<128x640xf32>
    %select_n3A_198 = arith.select %lt3A_193, %select_n3A_183, %select_n3A_197 : vector<128x640xi1>, vector<128x640xf32>
    %select_n3A_199 = arith.select %lt3A_194, %slice3A_192, %select_n3A_188 : vector<128x640xi1>, vector<128x640xi32>
    %select_n3A_200 = arith.select %lt3A_193, %select_n3A_184, %select_n3A_199 : vector<128x640xi1>, vector<128x640xi32>
    %max3A_201 = arith.maximumf %select_n3A_186, %slice3A_191 : vector<128x640xf32>
    %min3A_202 = arith.minimumf %min3A_190, %max3A_201 : vector<128x640xf32>
    %slice3A_203 = vector.extract_strided_slice %add3A_29 {offsets = [0, 9600], sizes = [128, 640], strides = [1, 1]} : vector<128x10240xf32> to vector<128x640xf32>
    %slice3A_204 = vector.extract_strided_slice %iota3A_30 {offsets = [0, 9600], sizes = [128, 640], strides = [1, 1]} : vector<128x10240xi32> to vector<128x640xi32>
    %lt3A_205 = arith.cmpf olt, %slice3A_203, %select_n3A_195 : vector<128x640xf32>
    %lt3A_206 = arith.cmpf olt, %slice3A_203, %select_n3A_198 : vector<128x640xf32>
    %select_n3A_207 = arith.select %lt3A_205, %slice3A_203, %select_n3A_195 : vector<128x640xi1>, vector<128x640xf32>
    %select_n3A_208 = arith.select %lt3A_205, %slice3A_204, %select_n3A_196 : vector<128x640xi1>, vector<128x640xi32>
    %select_n3A_209 = arith.select %lt3A_206, %slice3A_203, %select_n3A_198 : vector<128x640xi1>, vector<128x640xf32>
    %select_n3A_210 = arith.select %lt3A_205, %select_n3A_195, %select_n3A_209 : vector<128x640xi1>, vector<128x640xf32>
    %select_n3A_211 = arith.select %lt3A_206, %slice3A_204, %select_n3A_200 : vector<128x640xi1>, vector<128x640xi32>
    %select_n3A_212 = arith.select %lt3A_205, %select_n3A_196, %select_n3A_211 : vector<128x640xi1>, vector<128x640xi32>
    %max3A_213 = arith.maximumf %select_n3A_198, %slice3A_203 : vector<128x640xf32>
    %min3A_214 = arith.minimumf %min3A_202, %max3A_213 : vector<128x640xf32>
    %concatenate3A_215 = tpu.concatenate %select_n3A_207, %select_n3A_210 in 1 : vector<128x640xf32>, vector<128x640xf32> -> vector<128x1280xf32>
    %concatenate3A_216 = tpu.concatenate %select_n3A_208, %select_n3A_212 in 1 : vector<128x640xi32>, vector<128x640xi32> -> vector<128x1280xi32>
    %reduce_min3A = arith.constant dense<0x7F800000> : vector<128xf32>
    %reduce_min3A_217 = vector.multi_reduction <minimumf>, %concatenate3A_215, %reduce_min3A [1] : vector<128x1280xf32> to vector<128xf32>
    %broadcast_in_dim3A_218 = vector.shape_cast %reduce_min3A_217 : vector<128xf32> to vector<128x1xf32>
    %eq3A = vector.broadcast %broadcast_in_dim3A_218 : vector<128x1xf32> to vector<128x1280xf32>
    %eq3A_219 = arith.cmpf oeq, %concatenate3A_215, %eq3A : vector<128x1280xf32>
    %jit3A_220 = arith.constant 1073741824 : i32
    %broadcast_in_dim3A_221 = vector.broadcast %jit3A_220 : i32 to vector<128x1280xi32>
    %select_n3A_222 = arith.select %eq3A_219, %concatenate3A_216, %broadcast_in_dim3A_221 : vector<128x1280xi1>, vector<128x1280xi32>
    %reduce_min3A_223 = arith.constant dense<2147483647> : vector<128xi32>
    %reduce_min3A_224 = vector.multi_reduction <minsi>, %select_n3A_222, %reduce_min3A_223 [1] : vector<128x1280xi32> to vector<128xi32>
    %broadcast_in_dim3A_225 = vector.shape_cast %reduce_min3A_224 : vector<128xi32> to vector<128x1xi32>
    %swap3A_226 = arith.constant 0 : index
    %swap3A_227 = arith.constant 0 : index
    %swap3A_228 = vector.load %arg4[%swap3A_226, %swap3A_227] : memref<128x16xi32, #tpu.memory_space<vmem>>, vector<128x1xi32>
    tpu.vector_store %arg4[%swap3A_226, %swap3A_227], %broadcast_in_dim3A_225 {strides = array<i32>} : memref<128x16xi32, #tpu.memory_space<vmem>>, vector<128x1xi32>,
    %eq3A_229 = vector.broadcast %broadcast_in_dim3A_225 : vector<128x1xi32> to vector<128x1280xi32>
    %eq3A_230 = arith.cmpi eq, %concatenate3A_216, %eq3A_229 : vector<128x1280xi32>
    %jit3A_231 = arith.constant 0x7F800000 : f32
    %broadcast_in_dim3A_232 = vector.broadcast %jit3A_231 : f32 to vector<128x1280xf32>
    %select_n3A_233 = arith.select %eq3A_230, %broadcast_in_dim3A_232, %concatenate3A_215 : vector<128x1280xi1>, vector<128x1280xf32>
    %reduce_min3A_234 = arith.constant dense<0x7F800000> : vector<128xf32>
    %reduce_min3A_235 = vector.multi_reduction <minimumf>, %select_n3A_233, %reduce_min3A_234 [1] : vector<128x1280xf32> to vector<128xf32>
    %broadcast_in_dim3A_236 = vector.shape_cast %reduce_min3A_235 : vector<128xf32> to vector<128x1xf32>
    %eq3A_237 = vector.broadcast %broadcast_in_dim3A_236 : vector<128x1xf32> to vector<128x1280xf32>
    %eq3A_238 = arith.cmpf oeq, %select_n3A_233, %eq3A_237 : vector<128x1280xf32>
    %jit3A_239 = arith.constant 1073741824 : i32
    %broadcast_in_dim3A_240 = vector.broadcast %jit3A_239 : i32 to vector<128x1280xi32>
    %select_n3A_241 = arith.select %eq3A_238, %concatenate3A_216, %broadcast_in_dim3A_240 : vector<128x1280xi1>, vector<128x1280xi32>
    %reduce_min3A_242 = arith.constant dense<2147483647> : vector<128xi32>
    %reduce_min3A_243 = vector.multi_reduction <minsi>, %select_n3A_241, %reduce_min3A_242 [1] : vector<128x1280xi32> to vector<128xi32>
    %broadcast_in_dim3A_244 = vector.shape_cast %reduce_min3A_243 : vector<128xi32> to vector<128x1xi32>
    %swap3A_245 = arith.constant 0 : index
    %swap3A_246 = arith.constant 1 : index
    %swap3A_247 = vector.load %arg4[%swap3A_245, %swap3A_246] : memref<128x16xi32, #tpu.memory_space<vmem>>, vector<128x1xi32>
    tpu.vector_store %arg4[%swap3A_245, %swap3A_246], %broadcast_in_dim3A_244 {strides = array<i32>} : memref<128x16xi32, #tpu.memory_space<vmem>>, vector<128x1xi32>,
    %eq3A_248 = vector.broadcast %broadcast_in_dim3A_244 : vector<128x1xi32> to vector<128x1280xi32>
    %eq3A_249 = arith.cmpi eq, %concatenate3A_216, %eq3A_248 : vector<128x1280xi32>
    %jit3A_250 = arith.constant 0x7F800000 : f32
    %broadcast_in_dim3A_251 = vector.broadcast %jit3A_250 : f32 to vector<128x1280xf32>
    %select_n3A_252 = arith.select %eq3A_249, %broadcast_in_dim3A_251, %select_n3A_233 : vector<128x1280xi1>, vector<128x1280xf32>
    %reduce_min3A_253 = arith.constant dense<0x7F800000> : vector<128xf32>
    %reduce_min3A_254 = vector.multi_reduction <minimumf>, %select_n3A_252, %reduce_min3A_253 [1] : vector<128x1280xf32> to vector<128xf32>
    %broadcast_in_dim3A_255 = vector.shape_cast %reduce_min3A_254 : vector<128xf32> to vector<128x1xf32>
    %eq3A_256 = vector.broadcast %broadcast_in_dim3A_255 : vector<128x1xf32> to vector<128x1280xf32>
    %eq3A_257 = arith.cmpf oeq, %select_n3A_252, %eq3A_256 : vector<128x1280xf32>
    %jit3A_258 = arith.constant 1073741824 : i32
    %broadcast_in_dim3A_259 = vector.broadcast %jit3A_258 : i32 to vector<128x1280xi32>
    %select_n3A_260 = arith.select %eq3A_257, %concatenate3A_216, %broadcast_in_dim3A_259 : vector<128x1280xi1>, vector<128x1280xi32>
    %reduce_min3A_261 = arith.constant dense<2147483647> : vector<128xi32>
    %reduce_min3A_262 = vector.multi_reduction <minsi>, %select_n3A_260, %reduce_min3A_261 [1] : vector<128x1280xi32> to vector<128xi32>
    %broadcast_in_dim3A_263 = vector.shape_cast %reduce_min3A_262 : vector<128xi32> to vector<128x1xi32>
    %swap3A_264 = arith.constant 0 : index
    %swap3A_265 = arith.constant 2 : index
    %swap3A_266 = vector.load %arg4[%swap3A_264, %swap3A_265] : memref<128x16xi32, #tpu.memory_space<vmem>>, vector<128x1xi32>
    tpu.vector_store %arg4[%swap3A_264, %swap3A_265], %broadcast_in_dim3A_263 {strides = array<i32>} : memref<128x16xi32, #tpu.memory_space<vmem>>, vector<128x1xi32>,
    %eq3A_267 = vector.broadcast %broadcast_in_dim3A_263 : vector<128x1xi32> to vector<128x1280xi32>
    %eq3A_268 = arith.cmpi eq, %concatenate3A_216, %eq3A_267 : vector<128x1280xi32>
    %jit3A_269 = arith.constant 0x7F800000 : f32
    %broadcast_in_dim3A_270 = vector.broadcast %jit3A_269 : f32 to vector<128x1280xf32>
    %select_n3A_271 = arith.select %eq3A_268, %broadcast_in_dim3A_270, %select_n3A_252 : vector<128x1280xi1>, vector<128x1280xf32>
    %reduce_min3A_272 = arith.constant dense<0x7F800000> : vector<128xf32>
    %reduce_min3A_273 = vector.multi_reduction <minimumf>, %select_n3A_271, %reduce_min3A_272 [1] : vector<128x1280xf32> to vector<128xf32>
    %broadcast_in_dim3A_274 = vector.shape_cast %reduce_min3A_273 : vector<128xf32> to vector<128x1xf32>
    %eq3A_275 = vector.broadcast %broadcast_in_dim3A_274 : vector<128x1xf32> to vector<128x1280xf32>
    %eq3A_276 = arith.cmpf oeq, %select_n3A_271, %eq3A_275 : vector<128x1280xf32>
    %jit3A_277 = arith.constant 1073741824 : i32
    %broadcast_in_dim3A_278 = vector.broadcast %jit3A_277 : i32 to vector<128x1280xi32>
    %select_n3A_279 = arith.select %eq3A_276, %concatenate3A_216, %broadcast_in_dim3A_278 : vector<128x1280xi1>, vector<128x1280xi32>
    %reduce_min3A_280 = arith.constant dense<2147483647> : vector<128xi32>
    %reduce_min3A_281 = vector.multi_reduction <minsi>, %select_n3A_279, %reduce_min3A_280 [1] : vector<128x1280xi32> to vector<128xi32>
    %broadcast_in_dim3A_282 = vector.shape_cast %reduce_min3A_281 : vector<128xi32> to vector<128x1xi32>
    %swap3A_283 = arith.constant 0 : index
    %swap3A_284 = arith.constant 3 : index
    %swap3A_285 = vector.load %arg4[%swap3A_283, %swap3A_284] : memref<128x16xi32, #tpu.memory_space<vmem>>, vector<128x1xi32>
    tpu.vector_store %arg4[%swap3A_283, %swap3A_284], %broadcast_in_dim3A_282 {strides = array<i32>} : memref<128x16xi32, #tpu.memory_space<vmem>>, vector<128x1xi32>,
    %eq3A_286 = vector.broadcast %broadcast_in_dim3A_282 : vector<128x1xi32> to vector<128x1280xi32>
    %eq3A_287 = arith.cmpi eq, %concatenate3A_216, %eq3A_286 : vector<128x1280xi32>
    %jit3A_288 = arith.constant 0x7F800000 : f32
    %broadcast_in_dim3A_289 = vector.broadcast %jit3A_288 : f32 to vector<128x1280xf32>
    %select_n3A_290 = arith.select %eq3A_287, %broadcast_in_dim3A_289, %select_n3A_271 : vector<128x1280xi1>, vector<128x1280xf32>
    %reduce_min3A_291 = arith.constant dense<0x7F800000> : vector<128xf32>
    %reduce_min3A_292 = vector.multi_reduction <minimumf>, %select_n3A_290, %reduce_min3A_291 [1] : vector<128x1280xf32> to vector<128xf32>
    %broadcast_in_dim3A_293 = vector.shape_cast %reduce_min3A_292 : vector<128xf32> to vector<128x1xf32>
    %eq3A_294 = vector.broadcast %broadcast_in_dim3A_293 : vector<128x1xf32> to vector<128x1280xf32>
    %eq3A_295 = arith.cmpf oeq, %select_n3A_290, %eq3A_294 : vector<128x1280xf32>
    %jit3A_296 = arith.constant 1073741824 : i32
    %broadcast_in_dim3A_297 = vector.broadcast %jit3A_296 : i32 to vector<128x1280xi32>
    %select_n3A_298 = arith.select %eq3A_295, %concatenate3A_216, %broadcast_in_dim3A_297 : vector<128x1280xi1>, vector<128x1280xi32>
    %reduce_min3A_299 = arith.constant dense<2147483647> : vector<128xi32>
    %reduce_min3A_300 = vector.multi_reduction <minsi>, %select_n3A_298, %reduce_min3A_299 [1] : vector<128x1280xi32> to vector<128xi32>
    %broadcast_in_dim3A_301 = vector.shape_cast %reduce_min3A_300 : vector<128xi32> to vector<128x1xi32>
    %swap3A_302 = arith.constant 0 : index
    %swap3A_303 = arith.constant 4 : index
    %swap3A_304 = vector.load %arg4[%swap3A_302, %swap3A_303] : memref<128x16xi32, #tpu.memory_space<vmem>>, vector<128x1xi32>
    tpu.vector_store %arg4[%swap3A_302, %swap3A_303], %broadcast_in_dim3A_301 {strides = array<i32>} : memref<128x16xi32, #tpu.memory_space<vmem>>, vector<128x1xi32>,
    %eq3A_305 = vector.broadcast %broadcast_in_dim3A_301 : vector<128x1xi32> to vector<128x1280xi32>
    %eq3A_306 = arith.cmpi eq, %concatenate3A_216, %eq3A_305 : vector<128x1280xi32>
    %jit3A_307 = arith.constant 0x7F800000 : f32
    %broadcast_in_dim3A_308 = vector.broadcast %jit3A_307 : f32 to vector<128x1280xf32>
    %select_n3A_309 = arith.select %eq3A_306, %broadcast_in_dim3A_308, %select_n3A_290 : vector<128x1280xi1>, vector<128x1280xf32>
    %reduce_min3A_310 = arith.constant dense<0x7F800000> : vector<128xf32>
    %reduce_min3A_311 = vector.multi_reduction <minimumf>, %select_n3A_309, %reduce_min3A_310 [1] : vector<128x1280xf32> to vector<128xf32>
    %broadcast_in_dim3A_312 = vector.shape_cast %reduce_min3A_311 : vector<128xf32> to vector<128x1xf32>
    %eq3A_313 = vector.broadcast %broadcast_in_dim3A_312 : vector<128x1xf32> to vector<128x1280xf32>
    %eq3A_314 = arith.cmpf oeq, %select_n3A_309, %eq3A_313 : vector<128x1280xf32>
    %jit3A_315 = arith.constant 1073741824 : i32
    %broadcast_in_dim3A_316 = vector.broadcast %jit3A_315 : i32 to vector<128x1280xi32>
    %select_n3A_317 = arith.select %eq3A_314, %concatenate3A_216, %broadcast_in_dim3A_316 : vector<128x1280xi1>, vector<128x1280xi32>
    %reduce_min3A_318 = arith.constant dense<2147483647> : vector<128xi32>
    %reduce_min3A_319 = vector.multi_reduction <minsi>, %select_n3A_317, %reduce_min3A_318 [1] : vector<128x1280xi32> to vector<128xi32>
    %broadcast_in_dim3A_320 = vector.shape_cast %reduce_min3A_319 : vector<128xi32> to vector<128x1xi32>
    %swap3A_321 = arith.constant 0 : index
    %swap3A_322 = arith.constant 5 : index
    %swap3A_323 = vector.load %arg4[%swap3A_321, %swap3A_322] : memref<128x16xi32, #tpu.memory_space<vmem>>, vector<128x1xi32>
    tpu.vector_store %arg4[%swap3A_321, %swap3A_322], %broadcast_in_dim3A_320 {strides = array<i32>} : memref<128x16xi32, #tpu.memory_space<vmem>>, vector<128x1xi32>,
    %eq3A_324 = vector.broadcast %broadcast_in_dim3A_320 : vector<128x1xi32> to vector<128x1280xi32>
    %eq3A_325 = arith.cmpi eq, %concatenate3A_216, %eq3A_324 : vector<128x1280xi32>
    %jit3A_326 = arith.constant 0x7F800000 : f32
    %broadcast_in_dim3A_327 = vector.broadcast %jit3A_326 : f32 to vector<128x1280xf32>
    %select_n3A_328 = arith.select %eq3A_325, %broadcast_in_dim3A_327, %select_n3A_309 : vector<128x1280xi1>, vector<128x1280xf32>
    %reduce_min3A_329 = arith.constant dense<0x7F800000> : vector<128xf32>
    %reduce_min3A_330 = vector.multi_reduction <minimumf>, %select_n3A_328, %reduce_min3A_329 [1] : vector<128x1280xf32> to vector<128xf32>
    %broadcast_in_dim3A_331 = vector.shape_cast %reduce_min3A_330 : vector<128xf32> to vector<128x1xf32>
    %eq3A_332 = vector.broadcast %broadcast_in_dim3A_331 : vector<128x1xf32> to vector<128x1280xf32>
    %eq3A_333 = arith.cmpf oeq, %select_n3A_328, %eq3A_332 : vector<128x1280xf32>
    %jit3A_334 = arith.constant 1073741824 : i32
    %broadcast_in_dim3A_335 = vector.broadcast %jit3A_334 : i32 to vector<128x1280xi32>
    %select_n3A_336 = arith.select %eq3A_333, %concatenate3A_216, %broadcast_in_dim3A_335 : vector<128x1280xi1>, vector<128x1280xi32>
    %reduce_min3A_337 = arith.constant dense<2147483647> : vector<128xi32>
    %reduce_min3A_338 = vector.multi_reduction <minsi>, %select_n3A_336, %reduce_min3A_337 [1] : vector<128x1280xi32> to vector<128xi32>
    %broadcast_in_dim3A_339 = vector.shape_cast %reduce_min3A_338 : vector<128xi32> to vector<128x1xi32>
    %swap3A_340 = arith.constant 0 : index
    %swap3A_341 = arith.constant 6 : index
    %swap3A_342 = vector.load %arg4[%swap3A_340, %swap3A_341] : memref<128x16xi32, #tpu.memory_space<vmem>>, vector<128x1xi32>
    tpu.vector_store %arg4[%swap3A_340, %swap3A_341], %broadcast_in_dim3A_339 {strides = array<i32>} : memref<128x16xi32, #tpu.memory_space<vmem>>, vector<128x1xi32>,
    %eq3A_343 = vector.broadcast %broadcast_in_dim3A_339 : vector<128x1xi32> to vector<128x1280xi32>
    %eq3A_344 = arith.cmpi eq, %concatenate3A_216, %eq3A_343 : vector<128x1280xi32>
    %jit3A_345 = arith.constant 0x7F800000 : f32
    %broadcast_in_dim3A_346 = vector.broadcast %jit3A_345 : f32 to vector<128x1280xf32>
    %select_n3A_347 = arith.select %eq3A_344, %broadcast_in_dim3A_346, %select_n3A_328 : vector<128x1280xi1>, vector<128x1280xf32>
    %reduce_min3A_348 = arith.constant dense<0x7F800000> : vector<128xf32>
    %reduce_min3A_349 = vector.multi_reduction <minimumf>, %select_n3A_347, %reduce_min3A_348 [1] : vector<128x1280xf32> to vector<128xf32>
    %broadcast_in_dim3A_350 = vector.shape_cast %reduce_min3A_349 : vector<128xf32> to vector<128x1xf32>
    %eq3A_351 = vector.broadcast %broadcast_in_dim3A_350 : vector<128x1xf32> to vector<128x1280xf32>
    %eq3A_352 = arith.cmpf oeq, %select_n3A_347, %eq3A_351 : vector<128x1280xf32>
    %jit3A_353 = arith.constant 1073741824 : i32
    %broadcast_in_dim3A_354 = vector.broadcast %jit3A_353 : i32 to vector<128x1280xi32>
    %select_n3A_355 = arith.select %eq3A_352, %concatenate3A_216, %broadcast_in_dim3A_354 : vector<128x1280xi1>, vector<128x1280xi32>
    %reduce_min3A_356 = arith.constant dense<2147483647> : vector<128xi32>
    %reduce_min3A_357 = vector.multi_reduction <minsi>, %select_n3A_355, %reduce_min3A_356 [1] : vector<128x1280xi32> to vector<128xi32>
    %broadcast_in_dim3A_358 = vector.shape_cast %reduce_min3A_357 : vector<128xi32> to vector<128x1xi32>
    %swap3A_359 = arith.constant 0 : index
    %swap3A_360 = arith.constant 7 : index
    %swap3A_361 = vector.load %arg4[%swap3A_359, %swap3A_360] : memref<128x16xi32, #tpu.memory_space<vmem>>, vector<128x1xi32>
    tpu.vector_store %arg4[%swap3A_359, %swap3A_360], %broadcast_in_dim3A_358 {strides = array<i32>} : memref<128x16xi32, #tpu.memory_space<vmem>>, vector<128x1xi32>,
    %eq3A_362 = vector.broadcast %broadcast_in_dim3A_358 : vector<128x1xi32> to vector<128x1280xi32>
    %eq3A_363 = arith.cmpi eq, %concatenate3A_216, %eq3A_362 : vector<128x1280xi32>
    %jit3A_364 = arith.constant 0x7F800000 : f32
    %broadcast_in_dim3A_365 = vector.broadcast %jit3A_364 : f32 to vector<128x1280xf32>
    %select_n3A_366 = arith.select %eq3A_363, %broadcast_in_dim3A_365, %select_n3A_347 : vector<128x1280xi1>, vector<128x1280xf32>
    %reduce_min3A_367 = arith.constant dense<0x7F800000> : vector<128xf32>
    %reduce_min3A_368 = vector.multi_reduction <minimumf>, %select_n3A_366, %reduce_min3A_367 [1] : vector<128x1280xf32> to vector<128xf32>
    %broadcast_in_dim3A_369 = vector.shape_cast %reduce_min3A_368 : vector<128xf32> to vector<128x1xf32>
    %eq3A_370 = vector.broadcast %broadcast_in_dim3A_369 : vector<128x1xf32> to vector<128x1280xf32>
    %eq3A_371 = arith.cmpf oeq, %select_n3A_366, %eq3A_370 : vector<128x1280xf32>
    %jit3A_372 = arith.constant 1073741824 : i32
    %broadcast_in_dim3A_373 = vector.broadcast %jit3A_372 : i32 to vector<128x1280xi32>
    %select_n3A_374 = arith.select %eq3A_371, %concatenate3A_216, %broadcast_in_dim3A_373 : vector<128x1280xi1>, vector<128x1280xi32>
    %reduce_min3A_375 = arith.constant dense<2147483647> : vector<128xi32>
    %reduce_min3A_376 = vector.multi_reduction <minsi>, %select_n3A_374, %reduce_min3A_375 [1] : vector<128x1280xi32> to vector<128xi32>
    %broadcast_in_dim3A_377 = vector.shape_cast %reduce_min3A_376 : vector<128xi32> to vector<128x1xi32>
    %swap3A_378 = arith.constant 0 : index
    %swap3A_379 = arith.constant 8 : index
    %swap3A_380 = vector.load %arg4[%swap3A_378, %swap3A_379] : memref<128x16xi32, #tpu.memory_space<vmem>>, vector<128x1xi32>
    tpu.vector_store %arg4[%swap3A_378, %swap3A_379], %broadcast_in_dim3A_377 {strides = array<i32>} : memref<128x16xi32, #tpu.memory_space<vmem>>, vector<128x1xi32>,
    %eq3A_381 = vector.broadcast %broadcast_in_dim3A_377 : vector<128x1xi32> to vector<128x1280xi32>
    %eq3A_382 = arith.cmpi eq, %concatenate3A_216, %eq3A_381 : vector<128x1280xi32>
    %jit3A_383 = arith.constant 0x7F800000 : f32
    %broadcast_in_dim3A_384 = vector.broadcast %jit3A_383 : f32 to vector<128x1280xf32>
    %select_n3A_385 = arith.select %eq3A_382, %broadcast_in_dim3A_384, %select_n3A_366 : vector<128x1280xi1>, vector<128x1280xf32>
    %reduce_min3A_386 = arith.constant dense<0x7F800000> : vector<128xf32>
    %reduce_min3A_387 = vector.multi_reduction <minimumf>, %select_n3A_385, %reduce_min3A_386 [1] : vector<128x1280xf32> to vector<128xf32>
    %broadcast_in_dim3A_388 = vector.shape_cast %reduce_min3A_387 : vector<128xf32> to vector<128x1xf32>
    %eq3A_389 = vector.broadcast %broadcast_in_dim3A_388 : vector<128x1xf32> to vector<128x1280xf32>
    %eq3A_390 = arith.cmpf oeq, %select_n3A_385, %eq3A_389 : vector<128x1280xf32>
    %jit3A_391 = arith.constant 1073741824 : i32
    %broadcast_in_dim3A_392 = vector.broadcast %jit3A_391 : i32 to vector<128x1280xi32>
    %select_n3A_393 = arith.select %eq3A_390, %concatenate3A_216, %broadcast_in_dim3A_392 : vector<128x1280xi1>, vector<128x1280xi32>
    %reduce_min3A_394 = arith.constant dense<2147483647> : vector<128xi32>
    %reduce_min3A_395 = vector.multi_reduction <minsi>, %select_n3A_393, %reduce_min3A_394 [1] : vector<128x1280xi32> to vector<128xi32>
    %broadcast_in_dim3A_396 = vector.shape_cast %reduce_min3A_395 : vector<128xi32> to vector<128x1xi32>
    %swap3A_397 = arith.constant 0 : index
    %swap3A_398 = arith.constant 9 : index
    %swap3A_399 = vector.load %arg4[%swap3A_397, %swap3A_398] : memref<128x16xi32, #tpu.memory_space<vmem>>, vector<128x1xi32>
    tpu.vector_store %arg4[%swap3A_397, %swap3A_398], %broadcast_in_dim3A_396 {strides = array<i32>} : memref<128x16xi32, #tpu.memory_space<vmem>>, vector<128x1xi32>,
    %eq3A_400 = vector.broadcast %broadcast_in_dim3A_396 : vector<128x1xi32> to vector<128x1280xi32>
    %eq3A_401 = arith.cmpi eq, %concatenate3A_216, %eq3A_400 : vector<128x1280xi32>
    %jit3A_402 = arith.constant 0x7F800000 : f32
    %broadcast_in_dim3A_403 = vector.broadcast %jit3A_402 : f32 to vector<128x1280xf32>
    %select_n3A_404 = arith.select %eq3A_401, %broadcast_in_dim3A_403, %select_n3A_385 : vector<128x1280xi1>, vector<128x1280xf32>
    %reduce_min3A_405 = arith.constant dense<0x7F800000> : vector<128xf32>
    %reduce_min3A_406 = vector.multi_reduction <minimumf>, %select_n3A_404, %reduce_min3A_405 [1] : vector<128x1280xf32> to vector<128xf32>
    %broadcast_in_dim3A_407 = vector.shape_cast %reduce_min3A_406 : vector<128xf32> to vector<128x1xf32>
    %eq3A_408 = vector.broadcast %broadcast_in_dim3A_407 : vector<128x1xf32> to vector<128x1280xf32>
    %eq3A_409 = arith.cmpf oeq, %select_n3A_404, %eq3A_408 : vector<128x1280xf32>
    %jit3A_410 = arith.constant 1073741824 : i32
    %broadcast_in_dim3A_411 = vector.broadcast %jit3A_410 : i32 to vector<128x1280xi32>
    %select_n3A_412 = arith.select %eq3A_409, %concatenate3A_216, %broadcast_in_dim3A_411 : vector<128x1280xi1>, vector<128x1280xi32>
    %reduce_min3A_413 = arith.constant dense<2147483647> : vector<128xi32>
    %reduce_min3A_414 = vector.multi_reduction <minsi>, %select_n3A_412, %reduce_min3A_413 [1] : vector<128x1280xi32> to vector<128xi32>
    %broadcast_in_dim3A_415 = vector.shape_cast %reduce_min3A_414 : vector<128xi32> to vector<128x1xi32>
    %swap3A_416 = arith.constant 0 : index
    %swap3A_417 = arith.constant 10 : index
    %swap3A_418 = vector.load %arg4[%swap3A_416, %swap3A_417] : memref<128x16xi32, #tpu.memory_space<vmem>>, vector<128x1xi32>
    tpu.vector_store %arg4[%swap3A_416, %swap3A_417], %broadcast_in_dim3A_415 {strides = array<i32>} : memref<128x16xi32, #tpu.memory_space<vmem>>, vector<128x1xi32>,
    %eq3A_419 = vector.broadcast %broadcast_in_dim3A_415 : vector<128x1xi32> to vector<128x1280xi32>
    %eq3A_420 = arith.cmpi eq, %concatenate3A_216, %eq3A_419 : vector<128x1280xi32>
    %jit3A_421 = arith.constant 0x7F800000 : f32
    %broadcast_in_dim3A_422 = vector.broadcast %jit3A_421 : f32 to vector<128x1280xf32>
    %select_n3A_423 = arith.select %eq3A_420, %broadcast_in_dim3A_422, %select_n3A_404 : vector<128x1280xi1>, vector<128x1280xf32>
    %reduce_min3A_424 = arith.constant dense<0x7F800000> : vector<128xf32>
    %reduce_min3A_425 = vector.multi_reduction <minimumf>, %select_n3A_423, %reduce_min3A_424 [1] : vector<128x1280xf32> to vector<128xf32>
    %broadcast_in_dim3A_426 = vector.shape_cast %reduce_min3A_425 : vector<128xf32> to vector<128x1xf32>
    %eq3A_427 = vector.broadcast %broadcast_in_dim3A_426 : vector<128x1xf32> to vector<128x1280xf32>
    %eq3A_428 = arith.cmpf oeq, %select_n3A_423, %eq3A_427 : vector<128x1280xf32>
    %jit3A_429 = arith.constant 1073741824 : i32
    %broadcast_in_dim3A_430 = vector.broadcast %jit3A_429 : i32 to vector<128x1280xi32>
    %select_n3A_431 = arith.select %eq3A_428, %concatenate3A_216, %broadcast_in_dim3A_430 : vector<128x1280xi1>, vector<128x1280xi32>
    %reduce_min3A_432 = arith.constant dense<2147483647> : vector<128xi32>
    %reduce_min3A_433 = vector.multi_reduction <minsi>, %select_n3A_431, %reduce_min3A_432 [1] : vector<128x1280xi32> to vector<128xi32>
    %broadcast_in_dim3A_434 = vector.shape_cast %reduce_min3A_433 : vector<128xi32> to vector<128x1xi32>
    %swap3A_435 = arith.constant 0 : index
    %swap3A_436 = arith.constant 11 : index
    %swap3A_437 = vector.load %arg4[%swap3A_435, %swap3A_436] : memref<128x16xi32, #tpu.memory_space<vmem>>, vector<128x1xi32>
    tpu.vector_store %arg4[%swap3A_435, %swap3A_436], %broadcast_in_dim3A_434 {strides = array<i32>} : memref<128x16xi32, #tpu.memory_space<vmem>>, vector<128x1xi32>,
    %eq3A_438 = vector.broadcast %broadcast_in_dim3A_434 : vector<128x1xi32> to vector<128x1280xi32>
    %eq3A_439 = arith.cmpi eq, %concatenate3A_216, %eq3A_438 : vector<128x1280xi32>
    %jit3A_440 = arith.constant 0x7F800000 : f32
    %broadcast_in_dim3A_441 = vector.broadcast %jit3A_440 : f32 to vector<128x1280xf32>
    %select_n3A_442 = arith.select %eq3A_439, %broadcast_in_dim3A_441, %select_n3A_423 : vector<128x1280xi1>, vector<128x1280xf32>
    %reduce_min3A_443 = arith.constant dense<0x7F800000> : vector<128xf32>
    %reduce_min3A_444 = vector.multi_reduction <minimumf>, %select_n3A_442, %reduce_min3A_443 [1] : vector<128x1280xf32> to vector<128xf32>
    %broadcast_in_dim3A_445 = vector.shape_cast %reduce_min3A_444 : vector<128xf32> to vector<128x1xf32>
    %eq3A_446 = vector.broadcast %broadcast_in_dim3A_445 : vector<128x1xf32> to vector<128x1280xf32>
    %eq3A_447 = arith.cmpf oeq, %select_n3A_442, %eq3A_446 : vector<128x1280xf32>
    %jit3A_448 = arith.constant 1073741824 : i32
    %broadcast_in_dim3A_449 = vector.broadcast %jit3A_448 : i32 to vector<128x1280xi32>
    %select_n3A_450 = arith.select %eq3A_447, %concatenate3A_216, %broadcast_in_dim3A_449 : vector<128x1280xi1>, vector<128x1280xi32>
    %reduce_min3A_451 = arith.constant dense<2147483647> : vector<128xi32>
    %reduce_min3A_452 = vector.multi_reduction <minsi>, %select_n3A_450, %reduce_min3A_451 [1] : vector<128x1280xi32> to vector<128xi32>
    %broadcast_in_dim3A_453 = vector.shape_cast %reduce_min3A_452 : vector<128xi32> to vector<128x1xi32>
    %swap3A_454 = arith.constant 0 : index
    %swap3A_455 = arith.constant 12 : index
    %swap3A_456 = vector.load %arg4[%swap3A_454, %swap3A_455] : memref<128x16xi32, #tpu.memory_space<vmem>>, vector<128x1xi32>
    tpu.vector_store %arg4[%swap3A_454, %swap3A_455], %broadcast_in_dim3A_453 {strides = array<i32>} : memref<128x16xi32, #tpu.memory_space<vmem>>, vector<128x1xi32>,
    %eq3A_457 = vector.broadcast %broadcast_in_dim3A_453 : vector<128x1xi32> to vector<128x1280xi32>
    %eq3A_458 = arith.cmpi eq, %concatenate3A_216, %eq3A_457 : vector<128x1280xi32>
    %jit3A_459 = arith.constant 0x7F800000 : f32
    %broadcast_in_dim3A_460 = vector.broadcast %jit3A_459 : f32 to vector<128x1280xf32>
    %select_n3A_461 = arith.select %eq3A_458, %broadcast_in_dim3A_460, %select_n3A_442 : vector<128x1280xi1>, vector<128x1280xf32>
    %reduce_min3A_462 = arith.constant dense<0x7F800000> : vector<128xf32>
    %reduce_min3A_463 = vector.multi_reduction <minimumf>, %select_n3A_461, %reduce_min3A_462 [1] : vector<128x1280xf32> to vector<128xf32>
    %broadcast_in_dim3A_464 = vector.shape_cast %reduce_min3A_463 : vector<128xf32> to vector<128x1xf32>
    %eq3A_465 = vector.broadcast %broadcast_in_dim3A_464 : vector<128x1xf32> to vector<128x1280xf32>
    %eq3A_466 = arith.cmpf oeq, %select_n3A_461, %eq3A_465 : vector<128x1280xf32>
    %jit3A_467 = arith.constant 1073741824 : i32
    %broadcast_in_dim3A_468 = vector.broadcast %jit3A_467 : i32 to vector<128x1280xi32>
    %select_n3A_469 = arith.select %eq3A_466, %concatenate3A_216, %broadcast_in_dim3A_468 : vector<128x1280xi1>, vector<128x1280xi32>
    %reduce_min3A_470 = arith.constant dense<2147483647> : vector<128xi32>
    %reduce_min3A_471 = vector.multi_reduction <minsi>, %select_n3A_469, %reduce_min3A_470 [1] : vector<128x1280xi32> to vector<128xi32>
    %broadcast_in_dim3A_472 = vector.shape_cast %reduce_min3A_471 : vector<128xi32> to vector<128x1xi32>
    %swap3A_473 = arith.constant 0 : index
    %swap3A_474 = arith.constant 13 : index
    %swap3A_475 = vector.load %arg4[%swap3A_473, %swap3A_474] : memref<128x16xi32, #tpu.memory_space<vmem>>, vector<128x1xi32>
    tpu.vector_store %arg4[%swap3A_473, %swap3A_474], %broadcast_in_dim3A_472 {strides = array<i32>} : memref<128x16xi32, #tpu.memory_space<vmem>>, vector<128x1xi32>,
    %eq3A_476 = vector.broadcast %broadcast_in_dim3A_472 : vector<128x1xi32> to vector<128x1280xi32>
    %eq3A_477 = arith.cmpi eq, %concatenate3A_216, %eq3A_476 : vector<128x1280xi32>
    %jit3A_478 = arith.constant 0x7F800000 : f32
    %broadcast_in_dim3A_479 = vector.broadcast %jit3A_478 : f32 to vector<128x1280xf32>
    %select_n3A_480 = arith.select %eq3A_477, %broadcast_in_dim3A_479, %select_n3A_461 : vector<128x1280xi1>, vector<128x1280xf32>
    %reduce_min3A_481 = arith.constant dense<0x7F800000> : vector<128xf32>
    %reduce_min3A_482 = vector.multi_reduction <minimumf>, %select_n3A_480, %reduce_min3A_481 [1] : vector<128x1280xf32> to vector<128xf32>
    %broadcast_in_dim3A_483 = vector.shape_cast %reduce_min3A_482 : vector<128xf32> to vector<128x1xf32>
    %eq3A_484 = vector.broadcast %broadcast_in_dim3A_483 : vector<128x1xf32> to vector<128x1280xf32>
    %eq3A_485 = arith.cmpf oeq, %select_n3A_480, %eq3A_484 : vector<128x1280xf32>
    %jit3A_486 = arith.constant 1073741824 : i32
    %broadcast_in_dim3A_487 = vector.broadcast %jit3A_486 : i32 to vector<128x1280xi32>
    %select_n3A_488 = arith.select %eq3A_485, %concatenate3A_216, %broadcast_in_dim3A_487 : vector<128x1280xi1>, vector<128x1280xi32>
    %reduce_min3A_489 = arith.constant dense<2147483647> : vector<128xi32>
    %reduce_min3A_490 = vector.multi_reduction <minsi>, %select_n3A_488, %reduce_min3A_489 [1] : vector<128x1280xi32> to vector<128xi32>
    %broadcast_in_dim3A_491 = vector.shape_cast %reduce_min3A_490 : vector<128xi32> to vector<128x1xi32>
    %swap3A_492 = arith.constant 0 : index
    %swap3A_493 = arith.constant 14 : index
    %swap3A_494 = vector.load %arg4[%swap3A_492, %swap3A_493] : memref<128x16xi32, #tpu.memory_space<vmem>>, vector<128x1xi32>
    tpu.vector_store %arg4[%swap3A_492, %swap3A_493], %broadcast_in_dim3A_491 {strides = array<i32>} : memref<128x16xi32, #tpu.memory_space<vmem>>, vector<128x1xi32>,
    %eq3A_495 = vector.broadcast %broadcast_in_dim3A_491 : vector<128x1xi32> to vector<128x1280xi32>
    %eq3A_496 = arith.cmpi eq, %concatenate3A_216, %eq3A_495 : vector<128x1280xi32>
    %jit3A_497 = arith.constant 0x7F800000 : f32
    %broadcast_in_dim3A_498 = vector.broadcast %jit3A_497 : f32 to vector<128x1280xf32>
    %select_n3A_499 = arith.select %eq3A_496, %broadcast_in_dim3A_498, %select_n3A_480 : vector<128x1280xi1>, vector<128x1280xf32>
    %reduce_min3A_500 = arith.constant dense<0x7F800000> : vector<128xf32>
    %reduce_min3A_501 = vector.multi_reduction <minimumf>, %select_n3A_499, %reduce_min3A_500 [1] : vector<128x1280xf32> to vector<128xf32>
    %broadcast_in_dim3A_502 = vector.shape_cast %reduce_min3A_501 : vector<128xf32> to vector<128x1xf32>
    %eq3A_503 = vector.broadcast %broadcast_in_dim3A_502 : vector<128x1xf32> to vector<128x1280xf32>
    %eq3A_504 = arith.cmpf oeq, %select_n3A_499, %eq3A_503 : vector<128x1280xf32>
    %jit3A_505 = arith.constant 1073741824 : i32
    %broadcast_in_dim3A_506 = vector.broadcast %jit3A_505 : i32 to vector<128x1280xi32>
    %select_n3A_507 = arith.select %eq3A_504, %concatenate3A_216, %broadcast_in_dim3A_506 : vector<128x1280xi1>, vector<128x1280xi32>
    %reduce_min3A_508 = arith.constant dense<2147483647> : vector<128xi32>
    %reduce_min3A_509 = vector.multi_reduction <minsi>, %select_n3A_507, %reduce_min3A_508 [1] : vector<128x1280xi32> to vector<128xi32>
    %broadcast_in_dim3A_510 = vector.shape_cast %reduce_min3A_509 : vector<128xi32> to vector<128x1xi32>
    %swap3A_511 = arith.constant 0 : index
    %swap3A_512 = arith.constant 15 : index
    %swap3A_513 = vector.load %arg4[%swap3A_511, %swap3A_512] : memref<128x16xi32, #tpu.memory_space<vmem>>, vector<128x1xi32>
    tpu.vector_store %arg4[%swap3A_511, %swap3A_512], %broadcast_in_dim3A_510 {strides = array<i32>} : memref<128x16xi32, #tpu.memory_space<vmem>>, vector<128x1xi32>,
    %le3A = vector.broadcast %broadcast_in_dim3A_502 : vector<128x1xf32> to vector<128x640xf32>
    %le3A_514 = arith.cmpf ole, %min3A_214, %le3A : vector<128x640xf32>
    %reduce_or3A = arith.constant 1.000000e+00 : f32
    %reduce_or3A_515 = arith.constant 0.000000e+00 : f32
    %reduce_or3A_516 = vector.broadcast %reduce_or3A : f32 to vector<128x640xf32>
    %reduce_or3A_517 = vector.broadcast %reduce_or3A_515 : f32 to vector<128x640xf32>
    %reduce_or3A_518 = arith.select %le3A_514, %reduce_or3A_516, %reduce_or3A_517 : vector<128x640xi1>, vector<128x640xf32>
    %reduce_or3A_519 = vector.shape_cast %reduce_or3A_518 : vector<128x640xf32> to vector<1x128x640xf32>
    %reduce_or3A_520 = arith.constant dense<0xFF800000> : vector<1xf32>
    %reduce_or3A_521 = vector.multi_reduction <maximumf>, %reduce_or3A_519, %reduce_or3A_520 [1, 2] : vector<1x128x640xf32> to vector<1xf32>
    %reduce_or3A_522 = vector.shape_cast %reduce_or3A_521 : vector<1xf32> to vector<1x1x1xf32>
    %reduce_or3A_523 = vector.extract %reduce_or3A_522[0, 0, 0] : f32 from vector<1x1x1xf32>
    %reduce_or3A_524 = arith.constant 0.000000e+00 : f32
    %reduce_or3A_525 = arith.cmpf ogt, %reduce_or3A_523, %reduce_or3A_524 : f32
    %convert_element_type3A = arith.extui %reduce_or3A_525 : i1 to i32
    %cond3A = arith.constant 0x7F800000 : f32
    %cond3A_526 = arith.constant 1073741824 : i32
    %cond3A_527 = arith.constant 0 : i32
    %cond3A_528 = arith.cmpi ne, %convert_element_type3A, %cond3A_527 : i32
    scf.if %cond3A_528 {
      %slice3A_529 = vector.extract_strided_slice %add3A_29 {offsets = [0, 0], sizes = [128, 640], strides = [1, 1]} : vector<128x10240xf32> to vector<128x640xf32>
      %slice3A_530 = vector.extract_strided_slice %iota3A_30 {offsets = [0, 0], sizes = [128, 640], strides = [1, 1]} : vector<128x10240xi32> to vector<128x640xi32>
      %broadcast_in_dim3A_531 = vector.broadcast %cond3A : f32 to vector<128x640xf32>
      %broadcast_in_dim3A_532 = vector.broadcast %cond3A_526 : i32 to vector<128x640xi32>
      %broadcast_in_dim3A_533 = vector.broadcast %cond3A : f32 to vector<128x640xf32>
      %broadcast_in_dim3A_534 = vector.broadcast %cond3A_526 : i32 to vector<128x640xi32>
      %broadcast_in_dim3A_535 = vector.broadcast %cond3A : f32 to vector<128x640xf32>
      %slice3A_536 = vector.extract_strided_slice %add3A_29 {offsets = [0, 640], sizes = [128, 640], strides = [1, 1]} : vector<128x10240xf32> to vector<128x640xf32>
      %slice3A_537 = vector.extract_strided_slice %iota3A_30 {offsets = [0, 640], sizes = [128, 640], strides = [1, 1]} : vector<128x10240xi32> to vector<128x640xi32>
      %lt3A_538 = arith.cmpf olt, %slice3A_536, %slice3A_529 : vector<128x640xf32>
      %lt3A_539 = arith.cmpf olt, %slice3A_536, %broadcast_in_dim3A_531 : vector<128x640xf32>
      %select_n3A_540 = arith.select %lt3A_538, %slice3A_536, %slice3A_529 : vector<128x640xi1>, vector<128x640xf32>
      %select_n3A_541 = arith.select %lt3A_538, %slice3A_537, %slice3A_530 : vector<128x640xi1>, vector<128x640xi32>
      %select_n3A_542 = arith.select %lt3A_539, %slice3A_536, %broadcast_in_dim3A_531 : vector<128x640xi1>, vector<128x640xf32>
      %select_n3A_543 = arith.select %lt3A_538, %slice3A_529, %select_n3A_542 : vector<128x640xi1>, vector<128x640xf32>
      %select_n3A_544 = arith.select %lt3A_539, %slice3A_537, %broadcast_in_dim3A_532 : vector<128x640xi1>, vector<128x640xi32>
      %select_n3A_545 = arith.select %lt3A_538, %slice3A_530, %select_n3A_544 : vector<128x640xi1>, vector<128x640xi32>
      %lt3A_546 = arith.cmpf olt, %slice3A_536, %broadcast_in_dim3A_533 : vector<128x640xf32>
      %select_n3A_547 = arith.select %lt3A_546, %slice3A_536, %broadcast_in_dim3A_533 : vector<128x640xi1>, vector<128x640xf32>
      %select_n3A_548 = arith.select %lt3A_539, %broadcast_in_dim3A_531, %select_n3A_547 : vector<128x640xi1>, vector<128x640xf32>
      %select_n3A_549 = arith.select %lt3A_546, %slice3A_537, %broadcast_in_dim3A_534 : vector<128x640xi1>, vector<128x640xi32>
      %select_n3A_550 = arith.select %lt3A_539, %broadcast_in_dim3A_532, %select_n3A_549 : vector<128x640xi1>, vector<128x640xi32>
      %max3A_551 = arith.maximumf %broadcast_in_dim3A_533, %slice3A_536 : vector<128x640xf32>
      %min3A_552 = arith.minimumf %broadcast_in_dim3A_535, %max3A_551 : vector<128x640xf32>
      %slice3A_553 = vector.extract_strided_slice %add3A_29 {offsets = [0, 1280], sizes = [128, 640], strides = [1, 1]} : vector<128x10240xf32> to vector<128x640xf32>
      %slice3A_554 = vector.extract_strided_slice %iota3A_30 {offsets = [0, 1280], sizes = [128, 640], strides = [1, 1]} : vector<128x10240xi32> to vector<128x640xi32>
      %lt3A_555 = arith.cmpf olt, %slice3A_553, %select_n3A_540 : vector<128x640xf32>
      %lt3A_556 = arith.cmpf olt, %slice3A_553, %select_n3A_543 : vector<128x640xf32>
      %select_n3A_557 = arith.select %lt3A_555, %slice3A_553, %select_n3A_540 : vector<128x640xi1>, vector<128x640xf32>
      %select_n3A_558 = arith.select %lt3A_555, %slice3A_554, %select_n3A_541 : vector<128x640xi1>, vector<128x640xi32>
      %select_n3A_559 = arith.select %lt3A_556, %slice3A_553, %select_n3A_543 : vector<128x640xi1>, vector<128x640xf32>
      %select_n3A_560 = arith.select %lt3A_555, %select_n3A_540, %select_n3A_559 : vector<128x640xi1>, vector<128x640xf32>
      %select_n3A_561 = arith.select %lt3A_556, %slice3A_554, %select_n3A_545 : vector<128x640xi1>, vector<128x640xi32>
      %select_n3A_562 = arith.select %lt3A_555, %select_n3A_541, %select_n3A_561 : vector<128x640xi1>, vector<128x640xi32>
      %lt3A_563 = arith.cmpf olt, %slice3A_553, %select_n3A_548 : vector<128x640xf32>
      %select_n3A_564 = arith.select %lt3A_563, %slice3A_553, %select_n3A_548 : vector<128x640xi1>, vector<128x640xf32>
      %select_n3A_565 = arith.select %lt3A_556, %select_n3A_543, %select_n3A_564 : vector<128x640xi1>, vector<128x640xf32>
      %select_n3A_566 = arith.select %lt3A_563, %slice3A_554, %select_n3A_550 : vector<128x640xi1>, vector<128x640xi32>
      %select_n3A_567 = arith.select %lt3A_556, %select_n3A_545, %select_n3A_566 : vector<128x640xi1>, vector<128x640xi32>
      %max3A_568 = arith.maximumf %select_n3A_548, %slice3A_553 : vector<128x640xf32>
      %min3A_569 = arith.minimumf %min3A_552, %max3A_568 : vector<128x640xf32>
      %slice3A_570 = vector.extract_strided_slice %add3A_29 {offsets = [0, 1920], sizes = [128, 640], strides = [1, 1]} : vector<128x10240xf32> to vector<128x640xf32>
      %slice3A_571 = vector.extract_strided_slice %iota3A_30 {offsets = [0, 1920], sizes = [128, 640], strides = [1, 1]} : vector<128x10240xi32> to vector<128x640xi32>
      %lt3A_572 = arith.cmpf olt, %slice3A_570, %select_n3A_557 : vector<128x640xf32>
      %lt3A_573 = arith.cmpf olt, %slice3A_570, %select_n3A_560 : vector<128x640xf32>
      %select_n3A_574 = arith.select %lt3A_572, %slice3A_570, %select_n3A_557 : vector<128x640xi1>, vector<128x640xf32>
      %select_n3A_575 = arith.select %lt3A_572, %slice3A_571, %select_n3A_558 : vector<128x640xi1>, vector<128x640xi32>
      %select_n3A_576 = arith.select %lt3A_573, %slice3A_570, %select_n3A_560 : vector<128x640xi1>, vector<128x640xf32>
      %select_n3A_577 = arith.select %lt3A_572, %select_n3A_557, %select_n3A_576 : vector<128x640xi1>, vector<128x640xf32>
      %select_n3A_578 = arith.select %lt3A_573, %slice3A_571, %select_n3A_562 : vector<128x640xi1>, vector<128x640xi32>
      %select_n3A_579 = arith.select %lt3A_572, %select_n3A_558, %select_n3A_578 : vector<128x640xi1>, vector<128x640xi32>
      %lt3A_580 = arith.cmpf olt, %slice3A_570, %select_n3A_565 : vector<128x640xf32>
      %select_n3A_581 = arith.select %lt3A_580, %slice3A_570, %select_n3A_565 : vector<128x640xi1>, vector<128x640xf32>
      %select_n3A_582 = arith.select %lt3A_573, %select_n3A_560, %select_n3A_581 : vector<128x640xi1>, vector<128x640xf32>
      %select_n3A_583 = arith.select %lt3A_580, %slice3A_571, %select_n3A_567 : vector<128x640xi1>, vector<128x640xi32>
      %select_n3A_584 = arith.select %lt3A_573, %select_n3A_562, %select_n3A_583 : vector<128x640xi1>, vector<128x640xi32>
      %max3A_585 = arith.maximumf %select_n3A_565, %slice3A_570 : vector<128x640xf32>
      %min3A_586 = arith.minimumf %min3A_569, %max3A_585 : vector<128x640xf32>
      %slice3A_587 = vector.extract_strided_slice %add3A_29 {offsets = [0, 2560], sizes = [128, 640], strides = [1, 1]} : vector<128x10240xf32> to vector<128x640xf32>
      %slice3A_588 = vector.extract_strided_slice %iota3A_30 {offsets = [0, 2560], sizes = [128, 640], strides = [1, 1]} : vector<128x10240xi32> to vector<128x640xi32>
      %lt3A_589 = arith.cmpf olt, %slice3A_587, %select_n3A_574 : vector<128x640xf32>
      %lt3A_590 = arith.cmpf olt, %slice3A_587, %select_n3A_577 : vector<128x640xf32>
      %select_n3A_591 = arith.select %lt3A_589, %slice3A_587, %select_n3A_574 : vector<128x640xi1>, vector<128x640xf32>
      %select_n3A_592 = arith.select %lt3A_589, %slice3A_588, %select_n3A_575 : vector<128x640xi1>, vector<128x640xi32>
      %select_n3A_593 = arith.select %lt3A_590, %slice3A_587, %select_n3A_577 : vector<128x640xi1>, vector<128x640xf32>
      %select_n3A_594 = arith.select %lt3A_589, %select_n3A_574, %select_n3A_593 : vector<128x640xi1>, vector<128x640xf32>
      %select_n3A_595 = arith.select %lt3A_590, %slice3A_588, %select_n3A_579 : vector<128x640xi1>, vector<128x640xi32>
      %select_n3A_596 = arith.select %lt3A_589, %select_n3A_575, %select_n3A_595 : vector<128x640xi1>, vector<128x640xi32>
      %lt3A_597 = arith.cmpf olt, %slice3A_587, %select_n3A_582 : vector<128x640xf32>
      %select_n3A_598 = arith.select %lt3A_597, %slice3A_587, %select_n3A_582 : vector<128x640xi1>, vector<128x640xf32>
      %select_n3A_599 = arith.select %lt3A_590, %select_n3A_577, %select_n3A_598 : vector<128x640xi1>, vector<128x640xf32>
      %select_n3A_600 = arith.select %lt3A_597, %slice3A_588, %select_n3A_584 : vector<128x640xi1>, vector<128x640xi32>
      %select_n3A_601 = arith.select %lt3A_590, %select_n3A_579, %select_n3A_600 : vector<128x640xi1>, vector<128x640xi32>
      %max3A_602 = arith.maximumf %select_n3A_582, %slice3A_587 : vector<128x640xf32>
      %min3A_603 = arith.minimumf %min3A_586, %max3A_602 : vector<128x640xf32>
      %slice3A_604 = vector.extract_strided_slice %add3A_29 {offsets = [0, 3200], sizes = [128, 640], strides = [1, 1]} : vector<128x10240xf32> to vector<128x640xf32>
      %slice3A_605 = vector.extract_strided_slice %iota3A_30 {offsets = [0, 3200], sizes = [128, 640], strides = [1, 1]} : vector<128x10240xi32> to vector<128x640xi32>
      %lt3A_606 = arith.cmpf olt, %slice3A_604, %select_n3A_591 : vector<128x640xf32>
      %lt3A_607 = arith.cmpf olt, %slice3A_604, %select_n3A_594 : vector<128x640xf32>
      %select_n3A_608 = arith.select %lt3A_606, %slice3A_604, %select_n3A_591 : vector<128x640xi1>, vector<128x640xf32>
      %select_n3A_609 = arith.select %lt3A_606, %slice3A_605, %select_n3A_592 : vector<128x640xi1>, vector<128x640xi32>
      %select_n3A_610 = arith.select %lt3A_607, %slice3A_604, %select_n3A_594 : vector<128x640xi1>, vector<128x640xf32>
      %select_n3A_611 = arith.select %lt3A_606, %select_n3A_591, %select_n3A_610 : vector<128x640xi1>, vector<128x640xf32>
      %select_n3A_612 = arith.select %lt3A_607, %slice3A_605, %select_n3A_596 : vector<128x640xi1>, vector<128x640xi32>
      %select_n3A_613 = arith.select %lt3A_606, %select_n3A_592, %select_n3A_612 : vector<128x640xi1>, vector<128x640xi32>
      %lt3A_614 = arith.cmpf olt, %slice3A_604, %select_n3A_599 : vector<128x640xf32>
      %select_n3A_615 = arith.select %lt3A_614, %slice3A_604, %select_n3A_599 : vector<128x640xi1>, vector<128x640xf32>
      %select_n3A_616 = arith.select %lt3A_607, %select_n3A_594, %select_n3A_615 : vector<128x640xi1>, vector<128x640xf32>
      %select_n3A_617 = arith.select %lt3A_614, %slice3A_605, %select_n3A_601 : vector<128x640xi1>, vector<128x640xi32>
      %select_n3A_618 = arith.select %lt3A_607, %select_n3A_596, %select_n3A_617 : vector<128x640xi1>, vector<128x640xi32>
      %max3A_619 = arith.maximumf %select_n3A_599, %slice3A_604 : vector<128x640xf32>
      %min3A_620 = arith.minimumf %min3A_603, %max3A_619 : vector<128x640xf32>
      %slice3A_621 = vector.extract_strided_slice %add3A_29 {offsets = [0, 3840], sizes = [128, 640], strides = [1, 1]} : vector<128x10240xf32> to vector<128x640xf32>
      %slice3A_622 = vector.extract_strided_slice %iota3A_30 {offsets = [0, 3840], sizes = [128, 640], strides = [1, 1]} : vector<128x10240xi32> to vector<128x640xi32>
      %lt3A_623 = arith.cmpf olt, %slice3A_621, %select_n3A_608 : vector<128x640xf32>
      %lt3A_624 = arith.cmpf olt, %slice3A_621, %select_n3A_611 : vector<128x640xf32>
      %select_n3A_625 = arith.select %lt3A_623, %slice3A_621, %select_n3A_608 : vector<128x640xi1>, vector<128x640xf32>
      %select_n3A_626 = arith.select %lt3A_623, %slice3A_622, %select_n3A_609 : vector<128x640xi1>, vector<128x640xi32>
      %select_n3A_627 = arith.select %lt3A_624, %slice3A_621, %select_n3A_611 : vector<128x640xi1>, vector<128x640xf32>
      %select_n3A_628 = arith.select %lt3A_623, %select_n3A_608, %select_n3A_627 : vector<128x640xi1>, vector<128x640xf32>
      %select_n3A_629 = arith.select %lt3A_624, %slice3A_622, %select_n3A_613 : vector<128x640xi1>, vector<128x640xi32>
      %select_n3A_630 = arith.select %lt3A_623, %select_n3A_609, %select_n3A_629 : vector<128x640xi1>, vector<128x640xi32>
      %lt3A_631 = arith.cmpf olt, %slice3A_621, %select_n3A_616 : vector<128x640xf32>
      %select_n3A_632 = arith.select %lt3A_631, %slice3A_621, %select_n3A_616 : vector<128x640xi1>, vector<128x640xf32>
      %select_n3A_633 = arith.select %lt3A_624, %select_n3A_611, %select_n3A_632 : vector<128x640xi1>, vector<128x640xf32>
      %select_n3A_634 = arith.select %lt3A_631, %slice3A_622, %select_n3A_618 : vector<128x640xi1>, vector<128x640xi32>
      %select_n3A_635 = arith.select %lt3A_624, %select_n3A_613, %select_n3A_634 : vector<128x640xi1>, vector<128x640xi32>
      %max3A_636 = arith.maximumf %select_n3A_616, %slice3A_621 : vector<128x640xf32>
      %min3A_637 = arith.minimumf %min3A_620, %max3A_636 : vector<128x640xf32>
      %slice3A_638 = vector.extract_strided_slice %add3A_29 {offsets = [0, 4480], sizes = [128, 640], strides = [1, 1]} : vector<128x10240xf32> to vector<128x640xf32>
      %slice3A_639 = vector.extract_strided_slice %iota3A_30 {offsets = [0, 4480], sizes = [128, 640], strides = [1, 1]} : vector<128x10240xi32> to vector<128x640xi32>
      %lt3A_640 = arith.cmpf olt, %slice3A_638, %select_n3A_625 : vector<128x640xf32>
      %lt3A_641 = arith.cmpf olt, %slice3A_638, %select_n3A_628 : vector<128x640xf32>
      %select_n3A_642 = arith.select %lt3A_640, %slice3A_638, %select_n3A_625 : vector<128x640xi1>, vector<128x640xf32>
      %select_n3A_643 = arith.select %lt3A_640, %slice3A_639, %select_n3A_626 : vector<128x640xi1>, vector<128x640xi32>
      %select_n3A_644 = arith.select %lt3A_641, %slice3A_638, %select_n3A_628 : vector<128x640xi1>, vector<128x640xf32>
      %select_n3A_645 = arith.select %lt3A_640, %select_n3A_625, %select_n3A_644 : vector<128x640xi1>, vector<128x640xf32>
      %select_n3A_646 = arith.select %lt3A_641, %slice3A_639, %select_n3A_630 : vector<128x640xi1>, vector<128x640xi32>
      %select_n3A_647 = arith.select %lt3A_640, %select_n3A_626, %select_n3A_646 : vector<128x640xi1>, vector<128x640xi32>
      %lt3A_648 = arith.cmpf olt, %slice3A_638, %select_n3A_633 : vector<128x640xf32>
      %select_n3A_649 = arith.select %lt3A_648, %slice3A_638, %select_n3A_633 : vector<128x640xi1>, vector<128x640xf32>
      %select_n3A_650 = arith.select %lt3A_641, %select_n3A_628, %select_n3A_649 : vector<128x640xi1>, vector<128x640xf32>
      %select_n3A_651 = arith.select %lt3A_648, %slice3A_639, %select_n3A_635 : vector<128x640xi1>, vector<128x640xi32>
      %select_n3A_652 = arith.select %lt3A_641, %select_n3A_630, %select_n3A_651 : vector<128x640xi1>, vector<128x640xi32>
      %max3A_653 = arith.maximumf %select_n3A_633, %slice3A_638 : vector<128x640xf32>
      %min3A_654 = arith.minimumf %min3A_637, %max3A_653 : vector<128x640xf32>
      %slice3A_655 = vector.extract_strided_slice %add3A_29 {offsets = [0, 5120], sizes = [128, 640], strides = [1, 1]} : vector<128x10240xf32> to vector<128x640xf32>
      %slice3A_656 = vector.extract_strided_slice %iota3A_30 {offsets = [0, 5120], sizes = [128, 640], strides = [1, 1]} : vector<128x10240xi32> to vector<128x640xi32>
      %lt3A_657 = arith.cmpf olt, %slice3A_655, %select_n3A_642 : vector<128x640xf32>
      %lt3A_658 = arith.cmpf olt, %slice3A_655, %select_n3A_645 : vector<128x640xf32>
      %select_n3A_659 = arith.select %lt3A_657, %slice3A_655, %select_n3A_642 : vector<128x640xi1>, vector<128x640xf32>
      %select_n3A_660 = arith.select %lt3A_657, %slice3A_656, %select_n3A_643 : vector<128x640xi1>, vector<128x640xi32>
      %select_n3A_661 = arith.select %lt3A_658, %slice3A_655, %select_n3A_645 : vector<128x640xi1>, vector<128x640xf32>
      %select_n3A_662 = arith.select %lt3A_657, %select_n3A_642, %select_n3A_661 : vector<128x640xi1>, vector<128x640xf32>
      %select_n3A_663 = arith.select %lt3A_658, %slice3A_656, %select_n3A_647 : vector<128x640xi1>, vector<128x640xi32>
      %select_n3A_664 = arith.select %lt3A_657, %select_n3A_643, %select_n3A_663 : vector<128x640xi1>, vector<128x640xi32>
      %lt3A_665 = arith.cmpf olt, %slice3A_655, %select_n3A_650 : vector<128x640xf32>
      %select_n3A_666 = arith.select %lt3A_665, %slice3A_655, %select_n3A_650 : vector<128x640xi1>, vector<128x640xf32>
      %select_n3A_667 = arith.select %lt3A_658, %select_n3A_645, %select_n3A_666 : vector<128x640xi1>, vector<128x640xf32>
      %select_n3A_668 = arith.select %lt3A_665, %slice3A_656, %select_n3A_652 : vector<128x640xi1>, vector<128x640xi32>
      %select_n3A_669 = arith.select %lt3A_658, %select_n3A_647, %select_n3A_668 : vector<128x640xi1>, vector<128x640xi32>
      %max3A_670 = arith.maximumf %select_n3A_650, %slice3A_655 : vector<128x640xf32>
      %min3A_671 = arith.minimumf %min3A_654, %max3A_670 : vector<128x640xf32>
      %slice3A_672 = vector.extract_strided_slice %add3A_29 {offsets = [0, 5760], sizes = [128, 640], strides = [1, 1]} : vector<128x10240xf32> to vector<128x640xf32>
      %slice3A_673 = vector.extract_strided_slice %iota3A_30 {offsets = [0, 5760], sizes = [128, 640], strides = [1, 1]} : vector<128x10240xi32> to vector<128x640xi32>
      %lt3A_674 = arith.cmpf olt, %slice3A_672, %select_n3A_659 : vector<128x640xf32>
      %lt3A_675 = arith.cmpf olt, %slice3A_672, %select_n3A_662 : vector<128x640xf32>
      %select_n3A_676 = arith.select %lt3A_674, %slice3A_672, %select_n3A_659 : vector<128x640xi1>, vector<128x640xf32>
      %select_n3A_677 = arith.select %lt3A_674, %slice3A_673, %select_n3A_660 : vector<128x640xi1>, vector<128x640xi32>
      %select_n3A_678 = arith.select %lt3A_675, %slice3A_672, %select_n3A_662 : vector<128x640xi1>, vector<128x640xf32>
      %select_n3A_679 = arith.select %lt3A_674, %select_n3A_659, %select_n3A_678 : vector<128x640xi1>, vector<128x640xf32>
      %select_n3A_680 = arith.select %lt3A_675, %slice3A_673, %select_n3A_664 : vector<128x640xi1>, vector<128x640xi32>
      %select_n3A_681 = arith.select %lt3A_674, %select_n3A_660, %select_n3A_680 : vector<128x640xi1>, vector<128x640xi32>
      %lt3A_682 = arith.cmpf olt, %slice3A_672, %select_n3A_667 : vector<128x640xf32>
      %select_n3A_683 = arith.select %lt3A_682, %slice3A_672, %select_n3A_667 : vector<128x640xi1>, vector<128x640xf32>
      %select_n3A_684 = arith.select %lt3A_675, %select_n3A_662, %select_n3A_683 : vector<128x640xi1>, vector<128x640xf32>
      %select_n3A_685 = arith.select %lt3A_682, %slice3A_673, %select_n3A_669 : vector<128x640xi1>, vector<128x640xi32>
      %select_n3A_686 = arith.select %lt3A_675, %select_n3A_664, %select_n3A_685 : vector<128x640xi1>, vector<128x640xi32>
      %max3A_687 = arith.maximumf %select_n3A_667, %slice3A_672 : vector<128x640xf32>
      %min3A_688 = arith.minimumf %min3A_671, %max3A_687 : vector<128x640xf32>
      %slice3A_689 = vector.extract_strided_slice %add3A_29 {offsets = [0, 6400], sizes = [128, 640], strides = [1, 1]} : vector<128x10240xf32> to vector<128x640xf32>
      %slice3A_690 = vector.extract_strided_slice %iota3A_30 {offsets = [0, 6400], sizes = [128, 640], strides = [1, 1]} : vector<128x10240xi32> to vector<128x640xi32>
      %lt3A_691 = arith.cmpf olt, %slice3A_689, %select_n3A_676 : vector<128x640xf32>
      %lt3A_692 = arith.cmpf olt, %slice3A_689, %select_n3A_679 : vector<128x640xf32>
      %select_n3A_693 = arith.select %lt3A_691, %slice3A_689, %select_n3A_676 : vector<128x640xi1>, vector<128x640xf32>
      %select_n3A_694 = arith.select %lt3A_691, %slice3A_690, %select_n3A_677 : vector<128x640xi1>, vector<128x640xi32>
      %select_n3A_695 = arith.select %lt3A_692, %slice3A_689, %select_n3A_679 : vector<128x640xi1>, vector<128x640xf32>
      %select_n3A_696 = arith.select %lt3A_691, %select_n3A_676, %select_n3A_695 : vector<128x640xi1>, vector<128x640xf32>
      %select_n3A_697 = arith.select %lt3A_692, %slice3A_690, %select_n3A_681 : vector<128x640xi1>, vector<128x640xi32>
      %select_n3A_698 = arith.select %lt3A_691, %select_n3A_677, %select_n3A_697 : vector<128x640xi1>, vector<128x640xi32>
      %lt3A_699 = arith.cmpf olt, %slice3A_689, %select_n3A_684 : vector<128x640xf32>
      %select_n3A_700 = arith.select %lt3A_699, %slice3A_689, %select_n3A_684 : vector<128x640xi1>, vector<128x640xf32>
      %select_n3A_701 = arith.select %lt3A_692, %select_n3A_679, %select_n3A_700 : vector<128x640xi1>, vector<128x640xf32>
      %select_n3A_702 = arith.select %lt3A_699, %slice3A_690, %select_n3A_686 : vector<128x640xi1>, vector<128x640xi32>
      %select_n3A_703 = arith.select %lt3A_692, %select_n3A_681, %select_n3A_702 : vector<128x640xi1>, vector<128x640xi32>
      %max3A_704 = arith.maximumf %select_n3A_684, %slice3A_689 : vector<128x640xf32>
      %min3A_705 = arith.minimumf %min3A_688, %max3A_704 : vector<128x640xf32>
      %slice3A_706 = vector.extract_strided_slice %add3A_29 {offsets = [0, 7040], sizes = [128, 640], strides = [1, 1]} : vector<128x10240xf32> to vector<128x640xf32>
      %slice3A_707 = vector.extract_strided_slice %iota3A_30 {offsets = [0, 7040], sizes = [128, 640], strides = [1, 1]} : vector<128x10240xi32> to vector<128x640xi32>
      %lt3A_708 = arith.cmpf olt, %slice3A_706, %select_n3A_693 : vector<128x640xf32>
      %lt3A_709 = arith.cmpf olt, %slice3A_706, %select_n3A_696 : vector<128x640xf32>
      %select_n3A_710 = arith.select %lt3A_708, %slice3A_706, %select_n3A_693 : vector<128x640xi1>, vector<128x640xf32>
      %select_n3A_711 = arith.select %lt3A_708, %slice3A_707, %select_n3A_694 : vector<128x640xi1>, vector<128x640xi32>
      %select_n3A_712 = arith.select %lt3A_709, %slice3A_706, %select_n3A_696 : vector<128x640xi1>, vector<128x640xf32>
      %select_n3A_713 = arith.select %lt3A_708, %select_n3A_693, %select_n3A_712 : vector<128x640xi1>, vector<128x640xf32>
      %select_n3A_714 = arith.select %lt3A_709, %slice3A_707, %select_n3A_698 : vector<128x640xi1>, vector<128x640xi32>
      %select_n3A_715 = arith.select %lt3A_708, %select_n3A_694, %select_n3A_714 : vector<128x640xi1>, vector<128x640xi32>
      %lt3A_716 = arith.cmpf olt, %slice3A_706, %select_n3A_701 : vector<128x640xf32>
      %select_n3A_717 = arith.select %lt3A_716, %slice3A_706, %select_n3A_701 : vector<128x640xi1>, vector<128x640xf32>
      %select_n3A_718 = arith.select %lt3A_709, %select_n3A_696, %select_n3A_717 : vector<128x640xi1>, vector<128x640xf32>
      %select_n3A_719 = arith.select %lt3A_716, %slice3A_707, %select_n3A_703 : vector<128x640xi1>, vector<128x640xi32>
      %select_n3A_720 = arith.select %lt3A_709, %select_n3A_698, %select_n3A_719 : vector<128x640xi1>, vector<128x640xi32>
      %max3A_721 = arith.maximumf %select_n3A_701, %slice3A_706 : vector<128x640xf32>
      %min3A_722 = arith.minimumf %min3A_705, %max3A_721 : vector<128x640xf32>
      %slice3A_723 = vector.extract_strided_slice %add3A_29 {offsets = [0, 7680], sizes = [128, 640], strides = [1, 1]} : vector<128x10240xf32> to vector<128x640xf32>
      %slice3A_724 = vector.extract_strided_slice %iota3A_30 {offsets = [0, 7680], sizes = [128, 640], strides = [1, 1]} : vector<128x10240xi32> to vector<128x640xi32>
      %lt3A_725 = arith.cmpf olt, %slice3A_723, %select_n3A_710 : vector<128x640xf32>
      %lt3A_726 = arith.cmpf olt, %slice3A_723, %select_n3A_713 : vector<128x640xf32>
      %select_n3A_727 = arith.select %lt3A_725, %slice3A_723, %select_n3A_710 : vector<128x640xi1>, vector<128x640xf32>
      %select_n3A_728 = arith.select %lt3A_725, %slice3A_724, %select_n3A_711 : vector<128x640xi1>, vector<128x640xi32>
      %select_n3A_729 = arith.select %lt3A_726, %slice3A_723, %select_n3A_713 : vector<128x640xi1>, vector<128x640xf32>
      %select_n3A_730 = arith.select %lt3A_725, %select_n3A_710, %select_n3A_729 : vector<128x640xi1>, vector<128x640xf32>
      %select_n3A_731 = arith.select %lt3A_726, %slice3A_724, %select_n3A_715 : vector<128x640xi1>, vector<128x640xi32>
      %select_n3A_732 = arith.select %lt3A_725, %select_n3A_711, %select_n3A_731 : vector<128x640xi1>, vector<128x640xi32>
      %lt3A_733 = arith.cmpf olt, %slice3A_723, %select_n3A_718 : vector<128x640xf32>
      %select_n3A_734 = arith.select %lt3A_733, %slice3A_723, %select_n3A_718 : vector<128x640xi1>, vector<128x640xf32>
      %select_n3A_735 = arith.select %lt3A_726, %select_n3A_713, %select_n3A_734 : vector<128x640xi1>, vector<128x640xf32>
      %select_n3A_736 = arith.select %lt3A_733, %slice3A_724, %select_n3A_720 : vector<128x640xi1>, vector<128x640xi32>
      %select_n3A_737 = arith.select %lt3A_726, %select_n3A_715, %select_n3A_736 : vector<128x640xi1>, vector<128x640xi32>
      %max3A_738 = arith.maximumf %select_n3A_718, %slice3A_723 : vector<128x640xf32>
      %min3A_739 = arith.minimumf %min3A_722, %max3A_738 : vector<128x640xf32>
      %slice3A_740 = vector.extract_strided_slice %add3A_29 {offsets = [0, 8320], sizes = [128, 640], strides = [1, 1]} : vector<128x10240xf32> to vector<128x640xf32>
      %slice3A_741 = vector.extract_strided_slice %iota3A_30 {offsets = [0, 8320], sizes = [128, 640], strides = [1, 1]} : vector<128x10240xi32> to vector<128x640xi32>
      %lt3A_742 = arith.cmpf olt, %slice3A_740, %select_n3A_727 : vector<128x640xf32>
      %lt3A_743 = arith.cmpf olt, %slice3A_740, %select_n3A_730 : vector<128x640xf32>
      %select_n3A_744 = arith.select %lt3A_742, %slice3A_740, %select_n3A_727 : vector<128x640xi1>, vector<128x640xf32>
      %select_n3A_745 = arith.select %lt3A_742, %slice3A_741, %select_n3A_728 : vector<128x640xi1>, vector<128x640xi32>
      %select_n3A_746 = arith.select %lt3A_743, %slice3A_740, %select_n3A_730 : vector<128x640xi1>, vector<128x640xf32>
      %select_n3A_747 = arith.select %lt3A_742, %select_n3A_727, %select_n3A_746 : vector<128x640xi1>, vector<128x640xf32>
      %select_n3A_748 = arith.select %lt3A_743, %slice3A_741, %select_n3A_732 : vector<128x640xi1>, vector<128x640xi32>
      %select_n3A_749 = arith.select %lt3A_742, %select_n3A_728, %select_n3A_748 : vector<128x640xi1>, vector<128x640xi32>
      %lt3A_750 = arith.cmpf olt, %slice3A_740, %select_n3A_735 : vector<128x640xf32>
      %select_n3A_751 = arith.select %lt3A_750, %slice3A_740, %select_n3A_735 : vector<128x640xi1>, vector<128x640xf32>
      %select_n3A_752 = arith.select %lt3A_743, %select_n3A_730, %select_n3A_751 : vector<128x640xi1>, vector<128x640xf32>
      %select_n3A_753 = arith.select %lt3A_750, %slice3A_741, %select_n3A_737 : vector<128x640xi1>, vector<128x640xi32>
      %select_n3A_754 = arith.select %lt3A_743, %select_n3A_732, %select_n3A_753 : vector<128x640xi1>, vector<128x640xi32>
      %max3A_755 = arith.maximumf %select_n3A_735, %slice3A_740 : vector<128x640xf32>
      %min3A_756 = arith.minimumf %min3A_739, %max3A_755 : vector<128x640xf32>
      %slice3A_757 = vector.extract_strided_slice %add3A_29 {offsets = [0, 8960], sizes = [128, 640], strides = [1, 1]} : vector<128x10240xf32> to vector<128x640xf32>
      %slice3A_758 = vector.extract_strided_slice %iota3A_30 {offsets = [0, 8960], sizes = [128, 640], strides = [1, 1]} : vector<128x10240xi32> to vector<128x640xi32>
      %lt3A_759 = arith.cmpf olt, %slice3A_757, %select_n3A_744 : vector<128x640xf32>
      %lt3A_760 = arith.cmpf olt, %slice3A_757, %select_n3A_747 : vector<128x640xf32>
      %select_n3A_761 = arith.select %lt3A_759, %slice3A_757, %select_n3A_744 : vector<128x640xi1>, vector<128x640xf32>
      %select_n3A_762 = arith.select %lt3A_759, %slice3A_758, %select_n3A_745 : vector<128x640xi1>, vector<128x640xi32>
      %select_n3A_763 = arith.select %lt3A_760, %slice3A_757, %select_n3A_747 : vector<128x640xi1>, vector<128x640xf32>
      %select_n3A_764 = arith.select %lt3A_759, %select_n3A_744, %select_n3A_763 : vector<128x640xi1>, vector<128x640xf32>
      %select_n3A_765 = arith.select %lt3A_760, %slice3A_758, %select_n3A_749 : vector<128x640xi1>, vector<128x640xi32>
      %select_n3A_766 = arith.select %lt3A_759, %select_n3A_745, %select_n3A_765 : vector<128x640xi1>, vector<128x640xi32>
      %lt3A_767 = arith.cmpf olt, %slice3A_757, %select_n3A_752 : vector<128x640xf32>
      %select_n3A_768 = arith.select %lt3A_767, %slice3A_757, %select_n3A_752 : vector<128x640xi1>, vector<128x640xf32>
      %select_n3A_769 = arith.select %lt3A_760, %select_n3A_747, %select_n3A_768 : vector<128x640xi1>, vector<128x640xf32>
      %select_n3A_770 = arith.select %lt3A_767, %slice3A_758, %select_n3A_754 : vector<128x640xi1>, vector<128x640xi32>
      %select_n3A_771 = arith.select %lt3A_760, %select_n3A_749, %select_n3A_770 : vector<128x640xi1>, vector<128x640xi32>
      %max3A_772 = arith.maximumf %select_n3A_752, %slice3A_757 : vector<128x640xf32>
      %min3A_773 = arith.minimumf %min3A_756, %max3A_772 : vector<128x640xf32>
      %slice3A_774 = vector.extract_strided_slice %add3A_29 {offsets = [0, 9600], sizes = [128, 640], strides = [1, 1]} : vector<128x10240xf32> to vector<128x640xf32>
      %slice3A_775 = vector.extract_strided_slice %iota3A_30 {offsets = [0, 9600], sizes = [128, 640], strides = [1, 1]} : vector<128x10240xi32> to vector<128x640xi32>
      %lt3A_776 = arith.cmpf olt, %slice3A_774, %select_n3A_761 : vector<128x640xf32>
      %lt3A_777 = arith.cmpf olt, %slice3A_774, %select_n3A_764 : vector<128x640xf32>
      %select_n3A_778 = arith.select %lt3A_776, %slice3A_774, %select_n3A_761 : vector<128x640xi1>, vector<128x640xf32>
      %select_n3A_779 = arith.select %lt3A_776, %slice3A_775, %select_n3A_762 : vector<128x640xi1>, vector<128x640xi32>
      %select_n3A_780 = arith.select %lt3A_777, %slice3A_774, %select_n3A_764 : vector<128x640xi1>, vector<128x640xf32>
      %select_n3A_781 = arith.select %lt3A_776, %select_n3A_761, %select_n3A_780 : vector<128x640xi1>, vector<128x640xf32>
      %select_n3A_782 = arith.select %lt3A_777, %slice3A_775, %select_n3A_766 : vector<128x640xi1>, vector<128x640xi32>
      %select_n3A_783 = arith.select %lt3A_776, %select_n3A_762, %select_n3A_782 : vector<128x640xi1>, vector<128x640xi32>
      %lt3A_784 = arith.cmpf olt, %slice3A_774, %select_n3A_769 : vector<128x640xf32>
      %select_n3A_785 = arith.select %lt3A_784, %slice3A_774, %select_n3A_769 : vector<128x640xi1>, vector<128x640xf32>
      %select_n3A_786 = arith.select %lt3A_777, %select_n3A_764, %select_n3A_785 : vector<128x640xi1>, vector<128x640xf32>
      %select_n3A_787 = arith.select %lt3A_784, %slice3A_775, %select_n3A_771 : vector<128x640xi1>, vector<128x640xi32>
      %select_n3A_788 = arith.select %lt3A_777, %select_n3A_766, %select_n3A_787 : vector<128x640xi1>, vector<128x640xi32>
      %max3A_789 = arith.maximumf %select_n3A_769, %slice3A_774 : vector<128x640xf32>
      %min3A_790 = arith.minimumf %min3A_773, %max3A_789 : vector<128x640xf32>
      %concatenate3A_791 = tpu.concatenate %select_n3A_778, %select_n3A_781, %select_n3A_786 in 1 : vector<128x640xf32>, vector<128x640xf32>, vector<128x640xf32> -> vector<128x1920xf32>
      %concatenate3A_792 = tpu.concatenate %select_n3A_779, %select_n3A_783, %select_n3A_788 in 1 : vector<128x640xi32>, vector<128x640xi32>, vector<128x640xi32> -> vector<128x1920xi32>
      %reduce_min3A_793 = arith.constant dense<0x7F800000> : vector<128xf32>
      %reduce_min3A_794 = vector.multi_reduction <minimumf>, %concatenate3A_791, %reduce_min3A_793 [1] : vector<128x1920xf32> to vector<128xf32>
      %broadcast_in_dim3A_795 = vector.shape_cast %reduce_min3A_794 : vector<128xf32> to vector<128x1xf32>
      %eq3A_796 = vector.broadcast %broadcast_in_dim3A_795 : vector<128x1xf32> to vector<128x1920xf32>
      %eq3A_797 = arith.cmpf oeq, %concatenate3A_791, %eq3A_796 : vector<128x1920xf32>
      %broadcast_in_dim3A_798 = vector.broadcast %cond3A_526 : i32 to vector<128x1920xi32>
      %select_n3A_799 = arith.select %eq3A_797, %concatenate3A_792, %broadcast_in_dim3A_798 : vector<128x1920xi1>, vector<128x1920xi32>
      %reduce_min3A_800 = arith.constant dense<2147483647> : vector<128xi32>
      %reduce_min3A_801 = vector.multi_reduction <minsi>, %select_n3A_799, %reduce_min3A_800 [1] : vector<128x1920xi32> to vector<128xi32>
      %broadcast_in_dim3A_802 = vector.shape_cast %reduce_min3A_801 : vector<128xi32> to vector<128x1xi32>
      %swap3A_803 = arith.constant 0 : index
      %swap3A_804 = arith.constant 0 : index
      %swap3A_805 = vector.load %arg4[%swap3A_803, %swap3A_804] : memref<128x16xi32, #tpu.memory_space<vmem>>, vector<128x1xi32>
      tpu.vector_store %arg4[%swap3A_803, %swap3A_804], %broadcast_in_dim3A_802 {strides = array<i32>} : memref<128x16xi32, #tpu.memory_space<vmem>>, vector<128x1xi32>,
      %eq3A_806 = vector.broadcast %broadcast_in_dim3A_802 : vector<128x1xi32> to vector<128x1920xi32>
      %eq3A_807 = arith.cmpi eq, %concatenate3A_792, %eq3A_806 : vector<128x1920xi32>
      %broadcast_in_dim3A_808 = vector.broadcast %cond3A : f32 to vector<128x1920xf32>
      %select_n3A_809 = arith.select %eq3A_807, %broadcast_in_dim3A_808, %concatenate3A_791 : vector<128x1920xi1>, vector<128x1920xf32>
      %reduce_min3A_810 = arith.constant dense<0x7F800000> : vector<128xf32>
      %reduce_min3A_811 = vector.multi_reduction <minimumf>, %select_n3A_809, %reduce_min3A_810 [1] : vector<128x1920xf32> to vector<128xf32>
      %broadcast_in_dim3A_812 = vector.shape_cast %reduce_min3A_811 : vector<128xf32> to vector<128x1xf32>
      %eq3A_813 = vector.broadcast %broadcast_in_dim3A_812 : vector<128x1xf32> to vector<128x1920xf32>
      %eq3A_814 = arith.cmpf oeq, %select_n3A_809, %eq3A_813 : vector<128x1920xf32>
      %broadcast_in_dim3A_815 = vector.broadcast %cond3A_526 : i32 to vector<128x1920xi32>
      %select_n3A_816 = arith.select %eq3A_814, %concatenate3A_792, %broadcast_in_dim3A_815 : vector<128x1920xi1>, vector<128x1920xi32>
      %reduce_min3A_817 = arith.constant dense<2147483647> : vector<128xi32>
      %reduce_min3A_818 = vector.multi_reduction <minsi>, %select_n3A_816, %reduce_min3A_817 [1] : vector<128x1920xi32> to vector<128xi32>
      %broadcast_in_dim3A_819 = vector.shape_cast %reduce_min3A_818 : vector<128xi32> to vector<128x1xi32>
      %swap3A_820 = arith.constant 0 : index
      %swap3A_821 = arith.constant 1 : index
      %swap3A_822 = vector.load %arg4[%swap3A_820, %swap3A_821] : memref<128x16xi32, #tpu.memory_space<vmem>>, vector<128x1xi32>
      tpu.vector_store %arg4[%swap3A_820, %swap3A_821], %broadcast_in_dim3A_819 {strides = array<i32>} : memref<128x16xi32, #tpu.memory_space<vmem>>, vector<128x1xi32>,
      %eq3A_823 = vector.broadcast %broadcast_in_dim3A_819 : vector<128x1xi32> to vector<128x1920xi32>
      %eq3A_824 = arith.cmpi eq, %concatenate3A_792, %eq3A_823 : vector<128x1920xi32>
      %broadcast_in_dim3A_825 = vector.broadcast %cond3A : f32 to vector<128x1920xf32>
      %select_n3A_826 = arith.select %eq3A_824, %broadcast_in_dim3A_825, %select_n3A_809 : vector<128x1920xi1>, vector<128x1920xf32>
      %reduce_min3A_827 = arith.constant dense<0x7F800000> : vector<128xf32>
      %reduce_min3A_828 = vector.multi_reduction <minimumf>, %select_n3A_826, %reduce_min3A_827 [1] : vector<128x1920xf32> to vector<128xf32>
      %broadcast_in_dim3A_829 = vector.shape_cast %reduce_min3A_828 : vector<128xf32> to vector<128x1xf32>
      %eq3A_830 = vector.broadcast %broadcast_in_dim3A_829 : vector<128x1xf32> to vector<128x1920xf32>
      %eq3A_831 = arith.cmpf oeq, %select_n3A_826, %eq3A_830 : vector<128x1920xf32>
      %broadcast_in_dim3A_832 = vector.broadcast %cond3A_526 : i32 to vector<128x1920xi32>
      %select_n3A_833 = arith.select %eq3A_831, %concatenate3A_792, %broadcast_in_dim3A_832 : vector<128x1920xi1>, vector<128x1920xi32>
      %reduce_min3A_834 = arith.constant dense<2147483647> : vector<128xi32>
      %reduce_min3A_835 = vector.multi_reduction <minsi>, %select_n3A_833, %reduce_min3A_834 [1] : vector<128x1920xi32> to vector<128xi32>
      %broadcast_in_dim3A_836 = vector.shape_cast %reduce_min3A_835 : vector<128xi32> to vector<128x1xi32>
      %swap3A_837 = arith.constant 0 : index
      %swap3A_838 = arith.constant 2 : index
      %swap3A_839 = vector.load %arg4[%swap3A_837, %swap3A_838] : memref<128x16xi32, #tpu.memory_space<vmem>>, vector<128x1xi32>
      tpu.vector_store %arg4[%swap3A_837, %swap3A_838], %broadcast_in_dim3A_836 {strides = array<i32>} : memref<128x16xi32, #tpu.memory_space<vmem>>, vector<128x1xi32>,
      %eq3A_840 = vector.broadcast %broadcast_in_dim3A_836 : vector<128x1xi32> to vector<128x1920xi32>
      %eq3A_841 = arith.cmpi eq, %concatenate3A_792, %eq3A_840 : vector<128x1920xi32>
      %broadcast_in_dim3A_842 = vector.broadcast %cond3A : f32 to vector<128x1920xf32>
      %select_n3A_843 = arith.select %eq3A_841, %broadcast_in_dim3A_842, %select_n3A_826 : vector<128x1920xi1>, vector<128x1920xf32>
      %reduce_min3A_844 = arith.constant dense<0x7F800000> : vector<128xf32>
      %reduce_min3A_845 = vector.multi_reduction <minimumf>, %select_n3A_843, %reduce_min3A_844 [1] : vector<128x1920xf32> to vector<128xf32>
      %broadcast_in_dim3A_846 = vector.shape_cast %reduce_min3A_845 : vector<128xf32> to vector<128x1xf32>
      %eq3A_847 = vector.broadcast %broadcast_in_dim3A_846 : vector<128x1xf32> to vector<128x1920xf32>
      %eq3A_848 = arith.cmpf oeq, %select_n3A_843, %eq3A_847 : vector<128x1920xf32>
      %broadcast_in_dim3A_849 = vector.broadcast %cond3A_526 : i32 to vector<128x1920xi32>
      %select_n3A_850 = arith.select %eq3A_848, %concatenate3A_792, %broadcast_in_dim3A_849 : vector<128x1920xi1>, vector<128x1920xi32>
      %reduce_min3A_851 = arith.constant dense<2147483647> : vector<128xi32>
      %reduce_min3A_852 = vector.multi_reduction <minsi>, %select_n3A_850, %reduce_min3A_851 [1] : vector<128x1920xi32> to vector<128xi32>
      %broadcast_in_dim3A_853 = vector.shape_cast %reduce_min3A_852 : vector<128xi32> to vector<128x1xi32>
      %swap3A_854 = arith.constant 0 : index
      %swap3A_855 = arith.constant 3 : index
      %swap3A_856 = vector.load %arg4[%swap3A_854, %swap3A_855] : memref<128x16xi32, #tpu.memory_space<vmem>>, vector<128x1xi32>
      tpu.vector_store %arg4[%swap3A_854, %swap3A_855], %broadcast_in_dim3A_853 {strides = array<i32>} : memref<128x16xi32, #tpu.memory_space<vmem>>, vector<128x1xi32>,
      %eq3A_857 = vector.broadcast %broadcast_in_dim3A_853 : vector<128x1xi32> to vector<128x1920xi32>
      %eq3A_858 = arith.cmpi eq, %concatenate3A_792, %eq3A_857 : vector<128x1920xi32>
      %broadcast_in_dim3A_859 = vector.broadcast %cond3A : f32 to vector<128x1920xf32>
      %select_n3A_860 = arith.select %eq3A_858, %broadcast_in_dim3A_859, %select_n3A_843 : vector<128x1920xi1>, vector<128x1920xf32>
      %reduce_min3A_861 = arith.constant dense<0x7F800000> : vector<128xf32>
      %reduce_min3A_862 = vector.multi_reduction <minimumf>, %select_n3A_860, %reduce_min3A_861 [1] : vector<128x1920xf32> to vector<128xf32>
      %broadcast_in_dim3A_863 = vector.shape_cast %reduce_min3A_862 : vector<128xf32> to vector<128x1xf32>
      %eq3A_864 = vector.broadcast %broadcast_in_dim3A_863 : vector<128x1xf32> to vector<128x1920xf32>
      %eq3A_865 = arith.cmpf oeq, %select_n3A_860, %eq3A_864 : vector<128x1920xf32>
      %broadcast_in_dim3A_866 = vector.broadcast %cond3A_526 : i32 to vector<128x1920xi32>
      %select_n3A_867 = arith.select %eq3A_865, %concatenate3A_792, %broadcast_in_dim3A_866 : vector<128x1920xi1>, vector<128x1920xi32>
      %reduce_min3A_868 = arith.constant dense<2147483647> : vector<128xi32>
      %reduce_min3A_869 = vector.multi_reduction <minsi>, %select_n3A_867, %reduce_min3A_868 [1] : vector<128x1920xi32> to vector<128xi32>
      %broadcast_in_dim3A_870 = vector.shape_cast %reduce_min3A_869 : vector<128xi32> to vector<128x1xi32>
      %swap3A_871 = arith.constant 0 : index
      %swap3A_872 = arith.constant 4 : index
      %swap3A_873 = vector.load %arg4[%swap3A_871, %swap3A_872] : memref<128x16xi32, #tpu.memory_space<vmem>>, vector<128x1xi32>
      tpu.vector_store %arg4[%swap3A_871, %swap3A_872], %broadcast_in_dim3A_870 {strides = array<i32>} : memref<128x16xi32, #tpu.memory_space<vmem>>, vector<128x1xi32>,
      %eq3A_874 = vector.broadcast %broadcast_in_dim3A_870 : vector<128x1xi32> to vector<128x1920xi32>
      %eq3A_875 = arith.cmpi eq, %concatenate3A_792, %eq3A_874 : vector<128x1920xi32>
      %broadcast_in_dim3A_876 = vector.broadcast %cond3A : f32 to vector<128x1920xf32>
      %select_n3A_877 = arith.select %eq3A_875, %broadcast_in_dim3A_876, %select_n3A_860 : vector<128x1920xi1>, vector<128x1920xf32>
      %reduce_min3A_878 = arith.constant dense<0x7F800000> : vector<128xf32>
      %reduce_min3A_879 = vector.multi_reduction <minimumf>, %select_n3A_877, %reduce_min3A_878 [1] : vector<128x1920xf32> to vector<128xf32>
      %broadcast_in_dim3A_880 = vector.shape_cast %reduce_min3A_879 : vector<128xf32> to vector<128x1xf32>
      %eq3A_881 = vector.broadcast %broadcast_in_dim3A_880 : vector<128x1xf32> to vector<128x1920xf32>
      %eq3A_882 = arith.cmpf oeq, %select_n3A_877, %eq3A_881 : vector<128x1920xf32>
      %broadcast_in_dim3A_883 = vector.broadcast %cond3A_526 : i32 to vector<128x1920xi32>
      %select_n3A_884 = arith.select %eq3A_882, %concatenate3A_792, %broadcast_in_dim3A_883 : vector<128x1920xi1>, vector<128x1920xi32>
      %reduce_min3A_885 = arith.constant dense<2147483647> : vector<128xi32>
      %reduce_min3A_886 = vector.multi_reduction <minsi>, %select_n3A_884, %reduce_min3A_885 [1] : vector<128x1920xi32> to vector<128xi32>
      %broadcast_in_dim3A_887 = vector.shape_cast %reduce_min3A_886 : vector<128xi32> to vector<128x1xi32>
      %swap3A_888 = arith.constant 0 : index
      %swap3A_889 = arith.constant 5 : index
      %swap3A_890 = vector.load %arg4[%swap3A_888, %swap3A_889] : memref<128x16xi32, #tpu.memory_space<vmem>>, vector<128x1xi32>
      tpu.vector_store %arg4[%swap3A_888, %swap3A_889], %broadcast_in_dim3A_887 {strides = array<i32>} : memref<128x16xi32, #tpu.memory_space<vmem>>, vector<128x1xi32>,
      %eq3A_891 = vector.broadcast %broadcast_in_dim3A_887 : vector<128x1xi32> to vector<128x1920xi32>
      %eq3A_892 = arith.cmpi eq, %concatenate3A_792, %eq3A_891 : vector<128x1920xi32>
      %broadcast_in_dim3A_893 = vector.broadcast %cond3A : f32 to vector<128x1920xf32>
      %select_n3A_894 = arith.select %eq3A_892, %broadcast_in_dim3A_893, %select_n3A_877 : vector<128x1920xi1>, vector<128x1920xf32>
      %reduce_min3A_895 = arith.constant dense<0x7F800000> : vector<128xf32>
      %reduce_min3A_896 = vector.multi_reduction <minimumf>, %select_n3A_894, %reduce_min3A_895 [1] : vector<128x1920xf32> to vector<128xf32>
      %broadcast_in_dim3A_897 = vector.shape_cast %reduce_min3A_896 : vector<128xf32> to vector<128x1xf32>
      %eq3A_898 = vector.broadcast %broadcast_in_dim3A_897 : vector<128x1xf32> to vector<128x1920xf32>
      %eq3A_899 = arith.cmpf oeq, %select_n3A_894, %eq3A_898 : vector<128x1920xf32>
      %broadcast_in_dim3A_900 = vector.broadcast %cond3A_526 : i32 to vector<128x1920xi32>
      %select_n3A_901 = arith.select %eq3A_899, %concatenate3A_792, %broadcast_in_dim3A_900 : vector<128x1920xi1>, vector<128x1920xi32>
      %reduce_min3A_902 = arith.constant dense<2147483647> : vector<128xi32>
      %reduce_min3A_903 = vector.multi_reduction <minsi>, %select_n3A_901, %reduce_min3A_902 [1] : vector<128x1920xi32> to vector<128xi32>
      %broadcast_in_dim3A_904 = vector.shape_cast %reduce_min3A_903 : vector<128xi32> to vector<128x1xi32>
      %swap3A_905 = arith.constant 0 : index
      %swap3A_906 = arith.constant 6 : index
      %swap3A_907 = vector.load %arg4[%swap3A_905, %swap3A_906] : memref<128x16xi32, #tpu.memory_space<vmem>>, vector<128x1xi32>
      tpu.vector_store %arg4[%swap3A_905, %swap3A_906], %broadcast_in_dim3A_904 {strides = array<i32>} : memref<128x16xi32, #tpu.memory_space<vmem>>, vector<128x1xi32>,
      %eq3A_908 = vector.broadcast %broadcast_in_dim3A_904 : vector<128x1xi32> to vector<128x1920xi32>
      %eq3A_909 = arith.cmpi eq, %concatenate3A_792, %eq3A_908 : vector<128x1920xi32>
      %broadcast_in_dim3A_910 = vector.broadcast %cond3A : f32 to vector<128x1920xf32>
      %select_n3A_911 = arith.select %eq3A_909, %broadcast_in_dim3A_910, %select_n3A_894 : vector<128x1920xi1>, vector<128x1920xf32>
      %reduce_min3A_912 = arith.constant dense<0x7F800000> : vector<128xf32>
      %reduce_min3A_913 = vector.multi_reduction <minimumf>, %select_n3A_911, %reduce_min3A_912 [1] : vector<128x1920xf32> to vector<128xf32>
      %broadcast_in_dim3A_914 = vector.shape_cast %reduce_min3A_913 : vector<128xf32> to vector<128x1xf32>
      %eq3A_915 = vector.broadcast %broadcast_in_dim3A_914 : vector<128x1xf32> to vector<128x1920xf32>
      %eq3A_916 = arith.cmpf oeq, %select_n3A_911, %eq3A_915 : vector<128x1920xf32>
      %broadcast_in_dim3A_917 = vector.broadcast %cond3A_526 : i32 to vector<128x1920xi32>
      %select_n3A_918 = arith.select %eq3A_916, %concatenate3A_792, %broadcast_in_dim3A_917 : vector<128x1920xi1>, vector<128x1920xi32>
      %reduce_min3A_919 = arith.constant dense<2147483647> : vector<128xi32>
      %reduce_min3A_920 = vector.multi_reduction <minsi>, %select_n3A_918, %reduce_min3A_919 [1] : vector<128x1920xi32> to vector<128xi32>
      %broadcast_in_dim3A_921 = vector.shape_cast %reduce_min3A_920 : vector<128xi32> to vector<128x1xi32>
      %swap3A_922 = arith.constant 0 : index
      %swap3A_923 = arith.constant 7 : index
      %swap3A_924 = vector.load %arg4[%swap3A_922, %swap3A_923] : memref<128x16xi32, #tpu.memory_space<vmem>>, vector<128x1xi32>
      tpu.vector_store %arg4[%swap3A_922, %swap3A_923], %broadcast_in_dim3A_921 {strides = array<i32>} : memref<128x16xi32, #tpu.memory_space<vmem>>, vector<128x1xi32>,
      %eq3A_925 = vector.broadcast %broadcast_in_dim3A_921 : vector<128x1xi32> to vector<128x1920xi32>
      %eq3A_926 = arith.cmpi eq, %concatenate3A_792, %eq3A_925 : vector<128x1920xi32>
      %broadcast_in_dim3A_927 = vector.broadcast %cond3A : f32 to vector<128x1920xf32>
      %select_n3A_928 = arith.select %eq3A_926, %broadcast_in_dim3A_927, %select_n3A_911 : vector<128x1920xi1>, vector<128x1920xf32>
      %reduce_min3A_929 = arith.constant dense<0x7F800000> : vector<128xf32>
      %reduce_min3A_930 = vector.multi_reduction <minimumf>, %select_n3A_928, %reduce_min3A_929 [1] : vector<128x1920xf32> to vector<128xf32>
      %broadcast_in_dim3A_931 = vector.shape_cast %reduce_min3A_930 : vector<128xf32> to vector<128x1xf32>
      %eq3A_932 = vector.broadcast %broadcast_in_dim3A_931 : vector<128x1xf32> to vector<128x1920xf32>
      %eq3A_933 = arith.cmpf oeq, %select_n3A_928, %eq3A_932 : vector<128x1920xf32>
      %broadcast_in_dim3A_934 = vector.broadcast %cond3A_526 : i32 to vector<128x1920xi32>
      %select_n3A_935 = arith.select %eq3A_933, %concatenate3A_792, %broadcast_in_dim3A_934 : vector<128x1920xi1>, vector<128x1920xi32>
      %reduce_min3A_936 = arith.constant dense<2147483647> : vector<128xi32>
      %reduce_min3A_937 = vector.multi_reduction <minsi>, %select_n3A_935, %reduce_min3A_936 [1] : vector<128x1920xi32> to vector<128xi32>
      %broadcast_in_dim3A_938 = vector.shape_cast %reduce_min3A_937 : vector<128xi32> to vector<128x1xi32>
      %swap3A_939 = arith.constant 0 : index
      %swap3A_940 = arith.constant 8 : index
      %swap3A_941 = vector.load %arg4[%swap3A_939, %swap3A_940] : memref<128x16xi32, #tpu.memory_space<vmem>>, vector<128x1xi32>
      tpu.vector_store %arg4[%swap3A_939, %swap3A_940], %broadcast_in_dim3A_938 {strides = array<i32>} : memref<128x16xi32, #tpu.memory_space<vmem>>, vector<128x1xi32>,
      %eq3A_942 = vector.broadcast %broadcast_in_dim3A_938 : vector<128x1xi32> to vector<128x1920xi32>
      %eq3A_943 = arith.cmpi eq, %concatenate3A_792, %eq3A_942 : vector<128x1920xi32>
      %broadcast_in_dim3A_944 = vector.broadcast %cond3A : f32 to vector<128x1920xf32>
      %select_n3A_945 = arith.select %eq3A_943, %broadcast_in_dim3A_944, %select_n3A_928 : vector<128x1920xi1>, vector<128x1920xf32>
      %reduce_min3A_946 = arith.constant dense<0x7F800000> : vector<128xf32>
      %reduce_min3A_947 = vector.multi_reduction <minimumf>, %select_n3A_945, %reduce_min3A_946 [1] : vector<128x1920xf32> to vector<128xf32>
      %broadcast_in_dim3A_948 = vector.shape_cast %reduce_min3A_947 : vector<128xf32> to vector<128x1xf32>
      %eq3A_949 = vector.broadcast %broadcast_in_dim3A_948 : vector<128x1xf32> to vector<128x1920xf32>
      %eq3A_950 = arith.cmpf oeq, %select_n3A_945, %eq3A_949 : vector<128x1920xf32>
      %broadcast_in_dim3A_951 = vector.broadcast %cond3A_526 : i32 to vector<128x1920xi32>
      %select_n3A_952 = arith.select %eq3A_950, %concatenate3A_792, %broadcast_in_dim3A_951 : vector<128x1920xi1>, vector<128x1920xi32>
      %reduce_min3A_953 = arith.constant dense<2147483647> : vector<128xi32>
      %reduce_min3A_954 = vector.multi_reduction <minsi>, %select_n3A_952, %reduce_min3A_953 [1] : vector<128x1920xi32> to vector<128xi32>
      %broadcast_in_dim3A_955 = vector.shape_cast %reduce_min3A_954 : vector<128xi32> to vector<128x1xi32>
      %swap3A_956 = arith.constant 0 : index
      %swap3A_957 = arith.constant 9 : index
      %swap3A_958 = vector.load %arg4[%swap3A_956, %swap3A_957] : memref<128x16xi32, #tpu.memory_space<vmem>>, vector<128x1xi32>
      tpu.vector_store %arg4[%swap3A_956, %swap3A_957], %broadcast_in_dim3A_955 {strides = array<i32>} : memref<128x16xi32, #tpu.memory_space<vmem>>, vector<128x1xi32>,
      %eq3A_959 = vector.broadcast %broadcast_in_dim3A_955 : vector<128x1xi32> to vector<128x1920xi32>
      %eq3A_960 = arith.cmpi eq, %concatenate3A_792, %eq3A_959 : vector<128x1920xi32>
      %broadcast_in_dim3A_961 = vector.broadcast %cond3A : f32 to vector<128x1920xf32>
      %select_n3A_962 = arith.select %eq3A_960, %broadcast_in_dim3A_961, %select_n3A_945 : vector<128x1920xi1>, vector<128x1920xf32>
      %reduce_min3A_963 = arith.constant dense<0x7F800000> : vector<128xf32>
      %reduce_min3A_964 = vector.multi_reduction <minimumf>, %select_n3A_962, %reduce_min3A_963 [1] : vector<128x1920xf32> to vector<128xf32>
      %broadcast_in_dim3A_965 = vector.shape_cast %reduce_min3A_964 : vector<128xf32> to vector<128x1xf32>
      %eq3A_966 = vector.broadcast %broadcast_in_dim3A_965 : vector<128x1xf32> to vector<128x1920xf32>
      %eq3A_967 = arith.cmpf oeq, %select_n3A_962, %eq3A_966 : vector<128x1920xf32>
      %broadcast_in_dim3A_968 = vector.broadcast %cond3A_526 : i32 to vector<128x1920xi32>
      %select_n3A_969 = arith.select %eq3A_967, %concatenate3A_792, %broadcast_in_dim3A_968 : vector<128x1920xi1>, vector<128x1920xi32>
      %reduce_min3A_970 = arith.constant dense<2147483647> : vector<128xi32>
      %reduce_min3A_971 = vector.multi_reduction <minsi>, %select_n3A_969, %reduce_min3A_970 [1] : vector<128x1920xi32> to vector<128xi32>
      %broadcast_in_dim3A_972 = vector.shape_cast %reduce_min3A_971 : vector<128xi32> to vector<128x1xi32>
      %swap3A_973 = arith.constant 0 : index
      %swap3A_974 = arith.constant 10 : index
      %swap3A_975 = vector.load %arg4[%swap3A_973, %swap3A_974] : memref<128x16xi32, #tpu.memory_space<vmem>>, vector<128x1xi32>
      tpu.vector_store %arg4[%swap3A_973, %swap3A_974], %broadcast_in_dim3A_972 {strides = array<i32>} : memref<128x16xi32, #tpu.memory_space<vmem>>, vector<128x1xi32>,
      %eq3A_976 = vector.broadcast %broadcast_in_dim3A_972 : vector<128x1xi32> to vector<128x1920xi32>
      %eq3A_977 = arith.cmpi eq, %concatenate3A_792, %eq3A_976 : vector<128x1920xi32>
      %broadcast_in_dim3A_978 = vector.broadcast %cond3A : f32 to vector<128x1920xf32>
      %select_n3A_979 = arith.select %eq3A_977, %broadcast_in_dim3A_978, %select_n3A_962 : vector<128x1920xi1>, vector<128x1920xf32>
      %reduce_min3A_980 = arith.constant dense<0x7F800000> : vector<128xf32>
      %reduce_min3A_981 = vector.multi_reduction <minimumf>, %select_n3A_979, %reduce_min3A_980 [1] : vector<128x1920xf32> to vector<128xf32>
      %broadcast_in_dim3A_982 = vector.shape_cast %reduce_min3A_981 : vector<128xf32> to vector<128x1xf32>
      %eq3A_983 = vector.broadcast %broadcast_in_dim3A_982 : vector<128x1xf32> to vector<128x1920xf32>
      %eq3A_984 = arith.cmpf oeq, %select_n3A_979, %eq3A_983 : vector<128x1920xf32>
      %broadcast_in_dim3A_985 = vector.broadcast %cond3A_526 : i32 to vector<128x1920xi32>
      %select_n3A_986 = arith.select %eq3A_984, %concatenate3A_792, %broadcast_in_dim3A_985 : vector<128x1920xi1>, vector<128x1920xi32>
      %reduce_min3A_987 = arith.constant dense<2147483647> : vector<128xi32>
      %reduce_min3A_988 = vector.multi_reduction <minsi>, %select_n3A_986, %reduce_min3A_987 [1] : vector<128x1920xi32> to vector<128xi32>
      %broadcast_in_dim3A_989 = vector.shape_cast %reduce_min3A_988 : vector<128xi32> to vector<128x1xi32>
      %swap3A_990 = arith.constant 0 : index
      %swap3A_991 = arith.constant 11 : index
      %swap3A_992 = vector.load %arg4[%swap3A_990, %swap3A_991] : memref<128x16xi32, #tpu.memory_space<vmem>>, vector<128x1xi32>
      tpu.vector_store %arg4[%swap3A_990, %swap3A_991], %broadcast_in_dim3A_989 {strides = array<i32>} : memref<128x16xi32, #tpu.memory_space<vmem>>, vector<128x1xi32>,
      %eq3A_993 = vector.broadcast %broadcast_in_dim3A_989 : vector<128x1xi32> to vector<128x1920xi32>
      %eq3A_994 = arith.cmpi eq, %concatenate3A_792, %eq3A_993 : vector<128x1920xi32>
      %broadcast_in_dim3A_995 = vector.broadcast %cond3A : f32 to vector<128x1920xf32>
      %select_n3A_996 = arith.select %eq3A_994, %broadcast_in_dim3A_995, %select_n3A_979 : vector<128x1920xi1>, vector<128x1920xf32>
      %reduce_min3A_997 = arith.constant dense<0x7F800000> : vector<128xf32>
      %reduce_min3A_998 = vector.multi_reduction <minimumf>, %select_n3A_996, %reduce_min3A_997 [1] : vector<128x1920xf32> to vector<128xf32>
      %broadcast_in_dim3A_999 = vector.shape_cast %reduce_min3A_998 : vector<128xf32> to vector<128x1xf32>
      %eq3A_1000 = vector.broadcast %broadcast_in_dim3A_999 : vector<128x1xf32> to vector<128x1920xf32>
      %eq3A_1001 = arith.cmpf oeq, %select_n3A_996, %eq3A_1000 : vector<128x1920xf32>
      %broadcast_in_dim3A_1002 = vector.broadcast %cond3A_526 : i32 to vector<128x1920xi32>
      %select_n3A_1003 = arith.select %eq3A_1001, %concatenate3A_792, %broadcast_in_dim3A_1002 : vector<128x1920xi1>, vector<128x1920xi32>
      %reduce_min3A_1004 = arith.constant dense<2147483647> : vector<128xi32>
      %reduce_min3A_1005 = vector.multi_reduction <minsi>, %select_n3A_1003, %reduce_min3A_1004 [1] : vector<128x1920xi32> to vector<128xi32>
      %broadcast_in_dim3A_1006 = vector.shape_cast %reduce_min3A_1005 : vector<128xi32> to vector<128x1xi32>
      %swap3A_1007 = arith.constant 0 : index
      %swap3A_1008 = arith.constant 12 : index
      %swap3A_1009 = vector.load %arg4[%swap3A_1007, %swap3A_1008] : memref<128x16xi32, #tpu.memory_space<vmem>>, vector<128x1xi32>
      tpu.vector_store %arg4[%swap3A_1007, %swap3A_1008], %broadcast_in_dim3A_1006 {strides = array<i32>} : memref<128x16xi32, #tpu.memory_space<vmem>>, vector<128x1xi32>,
      %eq3A_1010 = vector.broadcast %broadcast_in_dim3A_1006 : vector<128x1xi32> to vector<128x1920xi32>
      %eq3A_1011 = arith.cmpi eq, %concatenate3A_792, %eq3A_1010 : vector<128x1920xi32>
      %broadcast_in_dim3A_1012 = vector.broadcast %cond3A : f32 to vector<128x1920xf32>
      %select_n3A_1013 = arith.select %eq3A_1011, %broadcast_in_dim3A_1012, %select_n3A_996 : vector<128x1920xi1>, vector<128x1920xf32>
      %reduce_min3A_1014 = arith.constant dense<0x7F800000> : vector<128xf32>
      %reduce_min3A_1015 = vector.multi_reduction <minimumf>, %select_n3A_1013, %reduce_min3A_1014 [1] : vector<128x1920xf32> to vector<128xf32>
      %broadcast_in_dim3A_1016 = vector.shape_cast %reduce_min3A_1015 : vector<128xf32> to vector<128x1xf32>
      %eq3A_1017 = vector.broadcast %broadcast_in_dim3A_1016 : vector<128x1xf32> to vector<128x1920xf32>
      %eq3A_1018 = arith.cmpf oeq, %select_n3A_1013, %eq3A_1017 : vector<128x1920xf32>
      %broadcast_in_dim3A_1019 = vector.broadcast %cond3A_526 : i32 to vector<128x1920xi32>
      %select_n3A_1020 = arith.select %eq3A_1018, %concatenate3A_792, %broadcast_in_dim3A_1019 : vector<128x1920xi1>, vector<128x1920xi32>
      %reduce_min3A_1021 = arith.constant dense<2147483647> : vector<128xi32>
      %reduce_min3A_1022 = vector.multi_reduction <minsi>, %select_n3A_1020, %reduce_min3A_1021 [1] : vector<128x1920xi32> to vector<128xi32>
      %broadcast_in_dim3A_1023 = vector.shape_cast %reduce_min3A_1022 : vector<128xi32> to vector<128x1xi32>
      %swap3A_1024 = arith.constant 0 : index
      %swap3A_1025 = arith.constant 13 : index
      %swap3A_1026 = vector.load %arg4[%swap3A_1024, %swap3A_1025] : memref<128x16xi32, #tpu.memory_space<vmem>>, vector<128x1xi32>
      tpu.vector_store %arg4[%swap3A_1024, %swap3A_1025], %broadcast_in_dim3A_1023 {strides = array<i32>} : memref<128x16xi32, #tpu.memory_space<vmem>>, vector<128x1xi32>,
      %eq3A_1027 = vector.broadcast %broadcast_in_dim3A_1023 : vector<128x1xi32> to vector<128x1920xi32>
      %eq3A_1028 = arith.cmpi eq, %concatenate3A_792, %eq3A_1027 : vector<128x1920xi32>
      %broadcast_in_dim3A_1029 = vector.broadcast %cond3A : f32 to vector<128x1920xf32>
      %select_n3A_1030 = arith.select %eq3A_1028, %broadcast_in_dim3A_1029, %select_n3A_1013 : vector<128x1920xi1>, vector<128x1920xf32>
      %reduce_min3A_1031 = arith.constant dense<0x7F800000> : vector<128xf32>
      %reduce_min3A_1032 = vector.multi_reduction <minimumf>, %select_n3A_1030, %reduce_min3A_1031 [1] : vector<128x1920xf32> to vector<128xf32>
      %broadcast_in_dim3A_1033 = vector.shape_cast %reduce_min3A_1032 : vector<128xf32> to vector<128x1xf32>
      %eq3A_1034 = vector.broadcast %broadcast_in_dim3A_1033 : vector<128x1xf32> to vector<128x1920xf32>
      %eq3A_1035 = arith.cmpf oeq, %select_n3A_1030, %eq3A_1034 : vector<128x1920xf32>
      %broadcast_in_dim3A_1036 = vector.broadcast %cond3A_526 : i32 to vector<128x1920xi32>
      %select_n3A_1037 = arith.select %eq3A_1035, %concatenate3A_792, %broadcast_in_dim3A_1036 : vector<128x1920xi1>, vector<128x1920xi32>
      %reduce_min3A_1038 = arith.constant dense<2147483647> : vector<128xi32>
      %reduce_min3A_1039 = vector.multi_reduction <minsi>, %select_n3A_1037, %reduce_min3A_1038 [1] : vector<128x1920xi32> to vector<128xi32>
      %broadcast_in_dim3A_1040 = vector.shape_cast %reduce_min3A_1039 : vector<128xi32> to vector<128x1xi32>
      %swap3A_1041 = arith.constant 0 : index
      %swap3A_1042 = arith.constant 14 : index
      %swap3A_1043 = vector.load %arg4[%swap3A_1041, %swap3A_1042] : memref<128x16xi32, #tpu.memory_space<vmem>>, vector<128x1xi32>
      tpu.vector_store %arg4[%swap3A_1041, %swap3A_1042], %broadcast_in_dim3A_1040 {strides = array<i32>} : memref<128x16xi32, #tpu.memory_space<vmem>>, vector<128x1xi32>,
      %eq3A_1044 = vector.broadcast %broadcast_in_dim3A_1040 : vector<128x1xi32> to vector<128x1920xi32>
      %eq3A_1045 = arith.cmpi eq, %concatenate3A_792, %eq3A_1044 : vector<128x1920xi32>
      %broadcast_in_dim3A_1046 = vector.broadcast %cond3A : f32 to vector<128x1920xf32>
      %select_n3A_1047 = arith.select %eq3A_1045, %broadcast_in_dim3A_1046, %select_n3A_1030 : vector<128x1920xi1>, vector<128x1920xf32>
      %reduce_min3A_1048 = arith.constant dense<0x7F800000> : vector<128xf32>
      %reduce_min3A_1049 = vector.multi_reduction <minimumf>, %select_n3A_1047, %reduce_min3A_1048 [1] : vector<128x1920xf32> to vector<128xf32>
      %broadcast_in_dim3A_1050 = vector.shape_cast %reduce_min3A_1049 : vector<128xf32> to vector<128x1xf32>
      %eq3A_1051 = vector.broadcast %broadcast_in_dim3A_1050 : vector<128x1xf32> to vector<128x1920xf32>
      %eq3A_1052 = arith.cmpf oeq, %select_n3A_1047, %eq3A_1051 : vector<128x1920xf32>
      %broadcast_in_dim3A_1053 = vector.broadcast %cond3A_526 : i32 to vector<128x1920xi32>
      %select_n3A_1054 = arith.select %eq3A_1052, %concatenate3A_792, %broadcast_in_dim3A_1053 : vector<128x1920xi1>, vector<128x1920xi32>
      %reduce_min3A_1055 = arith.constant dense<2147483647> : vector<128xi32>
      %reduce_min3A_1056 = vector.multi_reduction <minsi>, %select_n3A_1054, %reduce_min3A_1055 [1] : vector<128x1920xi32> to vector<128xi32>
      %broadcast_in_dim3A_1057 = vector.shape_cast %reduce_min3A_1056 : vector<128xi32> to vector<128x1xi32>
      %swap3A_1058 = arith.constant 0 : index
      %swap3A_1059 = arith.constant 15 : index
      %swap3A_1060 = vector.load %arg4[%swap3A_1058, %swap3A_1059] : memref<128x16xi32, #tpu.memory_space<vmem>>, vector<128x1xi32>
      tpu.vector_store %arg4[%swap3A_1058, %swap3A_1059], %broadcast_in_dim3A_1057 {strides = array<i32>} : memref<128x16xi32, #tpu.memory_space<vmem>>, vector<128x1xi32>,
      %le3A_1061 = vector.broadcast %broadcast_in_dim3A_1050 : vector<128x1xf32> to vector<128x640xf32>
      %le3A_1062 = arith.cmpf ole, %min3A_790, %le3A_1061 : vector<128x640xf32>
      %reduce_or3A_1063 = arith.constant 1.000000e+00 : f32
      %reduce_or3A_1064 = arith.constant 0.000000e+00 : f32
      %reduce_or3A_1065 = vector.broadcast %reduce_or3A_1063 : f32 to vector<128x640xf32>
      %reduce_or3A_1066 = vector.broadcast %reduce_or3A_1064 : f32 to vector<128x640xf32>
      %reduce_or3A_1067 = arith.select %le3A_1062, %reduce_or3A_1065, %reduce_or3A_1066 : vector<128x640xi1>, vector<128x640xf32>
      %reduce_or3A_1068 = vector.shape_cast %reduce_or3A_1067 : vector<128x640xf32> to vector<1x128x640xf32>
      %reduce_or3A_1069 = arith.constant dense<0xFF800000> : vector<1xf32>
      %reduce_or3A_1070 = vector.multi_reduction <maximumf>, %reduce_or3A_1068, %reduce_or3A_1069 [1, 2] : vector<1x128x640xf32> to vector<1xf32>
      %reduce_or3A_1071 = vector.shape_cast %reduce_or3A_1070 : vector<1xf32> to vector<1x1x1xf32>
      %reduce_or3A_1072 = vector.extract %reduce_or3A_1071[0, 0, 0] : f32 from vector<1x1x1xf32>
      %reduce_or3A_1073 = arith.constant 0.000000e+00 : f32
      %reduce_or3A_1074 = arith.cmpf ogt, %reduce_or3A_1072, %reduce_or3A_1073 : f32
      %convert_element_type3A_1075 = arith.extui %reduce_or3A_1074 : i1 to i32
      %cond3A_1076 = arith.constant 0 : i32
      %cond3A_1077 = arith.cmpi ne, %convert_element_type3A_1075, %cond3A_1076 : i32
      scf.if %cond3A_1077 {
        %reduce_min3A_1078 = arith.constant dense<0x7F800000> : vector<128xf32>
        %reduce_min3A_1079 = vector.multi_reduction <minimumf>, %add3A_29, %reduce_min3A_1078 [1] : vector<128x10240xf32> to vector<128xf32>
        %broadcast_in_dim3A_1080 = vector.shape_cast %reduce_min3A_1079 : vector<128xf32> to vector<128x1xf32>
        %eq3A_1081 = vector.broadcast %broadcast_in_dim3A_1080 : vector<128x1xf32> to vector<128x10240xf32>
        %eq3A_1082 = arith.cmpf oeq, %add3A_29, %eq3A_1081 : vector<128x10240xf32>
        %broadcast_in_dim3A_1083 = vector.broadcast %cond3A_526 : i32 to vector<128x10240xi32>
        %select_n3A_1084 = arith.select %eq3A_1082, %iota3A_30, %broadcast_in_dim3A_1083 : vector<128x10240xi1>, vector<128x10240xi32>
        %reduce_min3A_1085 = arith.constant dense<2147483647> : vector<128xi32>
        %reduce_min3A_1086 = vector.multi_reduction <minsi>, %select_n3A_1084, %reduce_min3A_1085 [1] : vector<128x10240xi32> to vector<128xi32>
        %broadcast_in_dim3A_1087 = vector.shape_cast %reduce_min3A_1086 : vector<128xi32> to vector<128x1xi32>
        %swap3A_1088 = arith.constant 0 : index
        %swap3A_1089 = arith.constant 0 : index
        %swap3A_1090 = vector.load %arg4[%swap3A_1088, %swap3A_1089] : memref<128x16xi32, #tpu.memory_space<vmem>>, vector<128x1xi32>
        tpu.vector_store %arg4[%swap3A_1088, %swap3A_1089], %broadcast_in_dim3A_1087 {strides = array<i32>} : memref<128x16xi32, #tpu.memory_space<vmem>>, vector<128x1xi32>,
        %eq3A_1091 = vector.broadcast %broadcast_in_dim3A_1087 : vector<128x1xi32> to vector<128x10240xi32>
        %eq3A_1092 = arith.cmpi eq, %iota3A_30, %eq3A_1091 : vector<128x10240xi32>
        %broadcast_in_dim3A_1093 = vector.broadcast %cond3A : f32 to vector<128x10240xf32>
        %select_n3A_1094 = arith.select %eq3A_1092, %broadcast_in_dim3A_1093, %add3A_29 : vector<128x10240xi1>, vector<128x10240xf32>
        %reduce_min3A_1095 = arith.constant dense<0x7F800000> : vector<128xf32>
        %reduce_min3A_1096 = vector.multi_reduction <minimumf>, %select_n3A_1094, %reduce_min3A_1095 [1] : vector<128x10240xf32> to vector<128xf32>
        %broadcast_in_dim3A_1097 = vector.shape_cast %reduce_min3A_1096 : vector<128xf32> to vector<128x1xf32>
        %eq3A_1098 = vector.broadcast %broadcast_in_dim3A_1097 : vector<128x1xf32> to vector<128x10240xf32>
        %eq3A_1099 = arith.cmpf oeq, %select_n3A_1094, %eq3A_1098 : vector<128x10240xf32>
        %broadcast_in_dim3A_1100 = vector.broadcast %cond3A_526 : i32 to vector<128x10240xi32>
        %select_n3A_1101 = arith.select %eq3A_1099, %iota3A_30, %broadcast_in_dim3A_1100 : vector<128x10240xi1>, vector<128x10240xi32>
        %reduce_min3A_1102 = arith.constant dense<2147483647> : vector<128xi32>
        %reduce_min3A_1103 = vector.multi_reduction <minsi>, %select_n3A_1101, %reduce_min3A_1102 [1] : vector<128x10240xi32> to vector<128xi32>
        %broadcast_in_dim3A_1104 = vector.shape_cast %reduce_min3A_1103 : vector<128xi32> to vector<128x1xi32>
        %swap3A_1105 = arith.constant 0 : index
        %swap3A_1106 = arith.constant 1 : index
        %swap3A_1107 = vector.load %arg4[%swap3A_1105, %swap3A_1106] : memref<128x16xi32, #tpu.memory_space<vmem>>, vector<128x1xi32>
        tpu.vector_store %arg4[%swap3A_1105, %swap3A_1106], %broadcast_in_dim3A_1104 {strides = array<i32>} : memref<128x16xi32, #tpu.memory_space<vmem>>, vector<128x1xi32>,
        %eq3A_1108 = vector.broadcast %broadcast_in_dim3A_1104 : vector<128x1xi32> to vector<128x10240xi32>
        %eq3A_1109 = arith.cmpi eq, %iota3A_30, %eq3A_1108 : vector<128x10240xi32>
        %broadcast_in_dim3A_1110 = vector.broadcast %cond3A : f32 to vector<128x10240xf32>
        %select_n3A_1111 = arith.select %eq3A_1109, %broadcast_in_dim3A_1110, %select_n3A_1094 : vector<128x10240xi1>, vector<128x10240xf32>
        %reduce_min3A_1112 = arith.constant dense<0x7F800000> : vector<128xf32>
        %reduce_min3A_1113 = vector.multi_reduction <minimumf>, %select_n3A_1111, %reduce_min3A_1112 [1] : vector<128x10240xf32> to vector<128xf32>
        %broadcast_in_dim3A_1114 = vector.shape_cast %reduce_min3A_1113 : vector<128xf32> to vector<128x1xf32>
        %eq3A_1115 = vector.broadcast %broadcast_in_dim3A_1114 : vector<128x1xf32> to vector<128x10240xf32>
        %eq3A_1116 = arith.cmpf oeq, %select_n3A_1111, %eq3A_1115 : vector<128x10240xf32>
        %broadcast_in_dim3A_1117 = vector.broadcast %cond3A_526 : i32 to vector<128x10240xi32>
        %select_n3A_1118 = arith.select %eq3A_1116, %iota3A_30, %broadcast_in_dim3A_1117 : vector<128x10240xi1>, vector<128x10240xi32>
        %reduce_min3A_1119 = arith.constant dense<2147483647> : vector<128xi32>
        %reduce_min3A_1120 = vector.multi_reduction <minsi>, %select_n3A_1118, %reduce_min3A_1119 [1] : vector<128x10240xi32> to vector<128xi32>
        %broadcast_in_dim3A_1121 = vector.shape_cast %reduce_min3A_1120 : vector<128xi32> to vector<128x1xi32>
        %swap3A_1122 = arith.constant 0 : index
        %swap3A_1123 = arith.constant 2 : index
        %swap3A_1124 = vector.load %arg4[%swap3A_1122, %swap3A_1123] : memref<128x16xi32, #tpu.memory_space<vmem>>, vector<128x1xi32>
        tpu.vector_store %arg4[%swap3A_1122, %swap3A_1123], %broadcast_in_dim3A_1121 {strides = array<i32>} : memref<128x16xi32, #tpu.memory_space<vmem>>, vector<128x1xi32>,
        %eq3A_1125 = vector.broadcast %broadcast_in_dim3A_1121 : vector<128x1xi32> to vector<128x10240xi32>
        %eq3A_1126 = arith.cmpi eq, %iota3A_30, %eq3A_1125 : vector<128x10240xi32>
        %broadcast_in_dim3A_1127 = vector.broadcast %cond3A : f32 to vector<128x10240xf32>
        %select_n3A_1128 = arith.select %eq3A_1126, %broadcast_in_dim3A_1127, %select_n3A_1111 : vector<128x10240xi1>, vector<128x10240xf32>
        %reduce_min3A_1129 = arith.constant dense<0x7F800000> : vector<128xf32>
        %reduce_min3A_1130 = vector.multi_reduction <minimumf>, %select_n3A_1128, %reduce_min3A_1129 [1] : vector<128x10240xf32> to vector<128xf32>
        %broadcast_in_dim3A_1131 = vector.shape_cast %reduce_min3A_1130 : vector<128xf32> to vector<128x1xf32>
        %eq3A_1132 = vector.broadcast %broadcast_in_dim3A_1131 : vector<128x1xf32> to vector<128x10240xf32>
        %eq3A_1133 = arith.cmpf oeq, %select_n3A_1128, %eq3A_1132 : vector<128x10240xf32>
        %broadcast_in_dim3A_1134 = vector.broadcast %cond3A_526 : i32 to vector<128x10240xi32>
        %select_n3A_1135 = arith.select %eq3A_1133, %iota3A_30, %broadcast_in_dim3A_1134 : vector<128x10240xi1>, vector<128x10240xi32>
        %reduce_min3A_1136 = arith.constant dense<2147483647> : vector<128xi32>
        %reduce_min3A_1137 = vector.multi_reduction <minsi>, %select_n3A_1135, %reduce_min3A_1136 [1] : vector<128x10240xi32> to vector<128xi32>
        %broadcast_in_dim3A_1138 = vector.shape_cast %reduce_min3A_1137 : vector<128xi32> to vector<128x1xi32>
        %swap3A_1139 = arith.constant 0 : index
        %swap3A_1140 = arith.constant 3 : index
        %swap3A_1141 = vector.load %arg4[%swap3A_1139, %swap3A_1140] : memref<128x16xi32, #tpu.memory_space<vmem>>, vector<128x1xi32>
        tpu.vector_store %arg4[%swap3A_1139, %swap3A_1140], %broadcast_in_dim3A_1138 {strides = array<i32>} : memref<128x16xi32, #tpu.memory_space<vmem>>, vector<128x1xi32>,
        %eq3A_1142 = vector.broadcast %broadcast_in_dim3A_1138 : vector<128x1xi32> to vector<128x10240xi32>
        %eq3A_1143 = arith.cmpi eq, %iota3A_30, %eq3A_1142 : vector<128x10240xi32>
        %broadcast_in_dim3A_1144 = vector.broadcast %cond3A : f32 to vector<128x10240xf32>
        %select_n3A_1145 = arith.select %eq3A_1143, %broadcast_in_dim3A_1144, %select_n3A_1128 : vector<128x10240xi1>, vector<128x10240xf32>
        %reduce_min3A_1146 = arith.constant dense<0x7F800000> : vector<128xf32>
        %reduce_min3A_1147 = vector.multi_reduction <minimumf>, %select_n3A_1145, %reduce_min3A_1146 [1] : vector<128x10240xf32> to vector<128xf32>
        %broadcast_in_dim3A_1148 = vector.shape_cast %reduce_min3A_1147 : vector<128xf32> to vector<128x1xf32>
        %eq3A_1149 = vector.broadcast %broadcast_in_dim3A_1148 : vector<128x1xf32> to vector<128x10240xf32>
        %eq3A_1150 = arith.cmpf oeq, %select_n3A_1145, %eq3A_1149 : vector<128x10240xf32>
        %broadcast_in_dim3A_1151 = vector.broadcast %cond3A_526 : i32 to vector<128x10240xi32>
        %select_n3A_1152 = arith.select %eq3A_1150, %iota3A_30, %broadcast_in_dim3A_1151 : vector<128x10240xi1>, vector<128x10240xi32>
        %reduce_min3A_1153 = arith.constant dense<2147483647> : vector<128xi32>
        %reduce_min3A_1154 = vector.multi_reduction <minsi>, %select_n3A_1152, %reduce_min3A_1153 [1] : vector<128x10240xi32> to vector<128xi32>
        %broadcast_in_dim3A_1155 = vector.shape_cast %reduce_min3A_1154 : vector<128xi32> to vector<128x1xi32>
        %swap3A_1156 = arith.constant 0 : index
        %swap3A_1157 = arith.constant 4 : index
        %swap3A_1158 = vector.load %arg4[%swap3A_1156, %swap3A_1157] : memref<128x16xi32, #tpu.memory_space<vmem>>, vector<128x1xi32>
        tpu.vector_store %arg4[%swap3A_1156, %swap3A_1157], %broadcast_in_dim3A_1155 {strides = array<i32>} : memref<128x16xi32, #tpu.memory_space<vmem>>, vector<128x1xi32>,
        %eq3A_1159 = vector.broadcast %broadcast_in_dim3A_1155 : vector<128x1xi32> to vector<128x10240xi32>
        %eq3A_1160 = arith.cmpi eq, %iota3A_30, %eq3A_1159 : vector<128x10240xi32>
        %broadcast_in_dim3A_1161 = vector.broadcast %cond3A : f32 to vector<128x10240xf32>
        %select_n3A_1162 = arith.select %eq3A_1160, %broadcast_in_dim3A_1161, %select_n3A_1145 : vector<128x10240xi1>, vector<128x10240xf32>
        %reduce_min3A_1163 = arith.constant dense<0x7F800000> : vector<128xf32>
        %reduce_min3A_1164 = vector.multi_reduction <minimumf>, %select_n3A_1162, %reduce_min3A_1163 [1] : vector<128x10240xf32> to vector<128xf32>
        %broadcast_in_dim3A_1165 = vector.shape_cast %reduce_min3A_1164 : vector<128xf32> to vector<128x1xf32>
        %eq3A_1166 = vector.broadcast %broadcast_in_dim3A_1165 : vector<128x1xf32> to vector<128x10240xf32>
        %eq3A_1167 = arith.cmpf oeq, %select_n3A_1162, %eq3A_1166 : vector<128x10240xf32>
        %broadcast_in_dim3A_1168 = vector.broadcast %cond3A_526 : i32 to vector<128x10240xi32>
        %select_n3A_1169 = arith.select %eq3A_1167, %iota3A_30, %broadcast_in_dim3A_1168 : vector<128x10240xi1>, vector<128x10240xi32>
        %reduce_min3A_1170 = arith.constant dense<2147483647> : vector<128xi32>
        %reduce_min3A_1171 = vector.multi_reduction <minsi>, %select_n3A_1169, %reduce_min3A_1170 [1] : vector<128x10240xi32> to vector<128xi32>
        %broadcast_in_dim3A_1172 = vector.shape_cast %reduce_min3A_1171 : vector<128xi32> to vector<128x1xi32>
        %swap3A_1173 = arith.constant 0 : index
        %swap3A_1174 = arith.constant 5 : index
        %swap3A_1175 = vector.load %arg4[%swap3A_1173, %swap3A_1174] : memref<128x16xi32, #tpu.memory_space<vmem>>, vector<128x1xi32>
        tpu.vector_store %arg4[%swap3A_1173, %swap3A_1174], %broadcast_in_dim3A_1172 {strides = array<i32>} : memref<128x16xi32, #tpu.memory_space<vmem>>, vector<128x1xi32>,
        %eq3A_1176 = vector.broadcast %broadcast_in_dim3A_1172 : vector<128x1xi32> to vector<128x10240xi32>
        %eq3A_1177 = arith.cmpi eq, %iota3A_30, %eq3A_1176 : vector<128x10240xi32>
        %broadcast_in_dim3A_1178 = vector.broadcast %cond3A : f32 to vector<128x10240xf32>
        %select_n3A_1179 = arith.select %eq3A_1177, %broadcast_in_dim3A_1178, %select_n3A_1162 : vector<128x10240xi1>, vector<128x10240xf32>
        %reduce_min3A_1180 = arith.constant dense<0x7F800000> : vector<128xf32>
        %reduce_min3A_1181 = vector.multi_reduction <minimumf>, %select_n3A_1179, %reduce_min3A_1180 [1] : vector<128x10240xf32> to vector<128xf32>
        %broadcast_in_dim3A_1182 = vector.shape_cast %reduce_min3A_1181 : vector<128xf32> to vector<128x1xf32>
        %eq3A_1183 = vector.broadcast %broadcast_in_dim3A_1182 : vector<128x1xf32> to vector<128x10240xf32>
        %eq3A_1184 = arith.cmpf oeq, %select_n3A_1179, %eq3A_1183 : vector<128x10240xf32>
        %broadcast_in_dim3A_1185 = vector.broadcast %cond3A_526 : i32 to vector<128x10240xi32>
        %select_n3A_1186 = arith.select %eq3A_1184, %iota3A_30, %broadcast_in_dim3A_1185 : vector<128x10240xi1>, vector<128x10240xi32>
        %reduce_min3A_1187 = arith.constant dense<2147483647> : vector<128xi32>
        %reduce_min3A_1188 = vector.multi_reduction <minsi>, %select_n3A_1186, %reduce_min3A_1187 [1] : vector<128x10240xi32> to vector<128xi32>
        %broadcast_in_dim3A_1189 = vector.shape_cast %reduce_min3A_1188 : vector<128xi32> to vector<128x1xi32>
        %swap3A_1190 = arith.constant 0 : index
        %swap3A_1191 = arith.constant 6 : index
        %swap3A_1192 = vector.load %arg4[%swap3A_1190, %swap3A_1191] : memref<128x16xi32, #tpu.memory_space<vmem>>, vector<128x1xi32>
        tpu.vector_store %arg4[%swap3A_1190, %swap3A_1191], %broadcast_in_dim3A_1189 {strides = array<i32>} : memref<128x16xi32, #tpu.memory_space<vmem>>, vector<128x1xi32>,
        %eq3A_1193 = vector.broadcast %broadcast_in_dim3A_1189 : vector<128x1xi32> to vector<128x10240xi32>
        %eq3A_1194 = arith.cmpi eq, %iota3A_30, %eq3A_1193 : vector<128x10240xi32>
        %broadcast_in_dim3A_1195 = vector.broadcast %cond3A : f32 to vector<128x10240xf32>
        %select_n3A_1196 = arith.select %eq3A_1194, %broadcast_in_dim3A_1195, %select_n3A_1179 : vector<128x10240xi1>, vector<128x10240xf32>
        %reduce_min3A_1197 = arith.constant dense<0x7F800000> : vector<128xf32>
        %reduce_min3A_1198 = vector.multi_reduction <minimumf>, %select_n3A_1196, %reduce_min3A_1197 [1] : vector<128x10240xf32> to vector<128xf32>
        %broadcast_in_dim3A_1199 = vector.shape_cast %reduce_min3A_1198 : vector<128xf32> to vector<128x1xf32>
        %eq3A_1200 = vector.broadcast %broadcast_in_dim3A_1199 : vector<128x1xf32> to vector<128x10240xf32>
        %eq3A_1201 = arith.cmpf oeq, %select_n3A_1196, %eq3A_1200 : vector<128x10240xf32>
        %broadcast_in_dim3A_1202 = vector.broadcast %cond3A_526 : i32 to vector<128x10240xi32>
        %select_n3A_1203 = arith.select %eq3A_1201, %iota3A_30, %broadcast_in_dim3A_1202 : vector<128x10240xi1>, vector<128x10240xi32>
        %reduce_min3A_1204 = arith.constant dense<2147483647> : vector<128xi32>
        %reduce_min3A_1205 = vector.multi_reduction <minsi>, %select_n3A_1203, %reduce_min3A_1204 [1] : vector<128x10240xi32> to vector<128xi32>
        %broadcast_in_dim3A_1206 = vector.shape_cast %reduce_min3A_1205 : vector<128xi32> to vector<128x1xi32>
        %swap3A_1207 = arith.constant 0 : index
        %swap3A_1208 = arith.constant 7 : index
        %swap3A_1209 = vector.load %arg4[%swap3A_1207, %swap3A_1208] : memref<128x16xi32, #tpu.memory_space<vmem>>, vector<128x1xi32>
        tpu.vector_store %arg4[%swap3A_1207, %swap3A_1208], %broadcast_in_dim3A_1206 {strides = array<i32>} : memref<128x16xi32, #tpu.memory_space<vmem>>, vector<128x1xi32>,
        %eq3A_1210 = vector.broadcast %broadcast_in_dim3A_1206 : vector<128x1xi32> to vector<128x10240xi32>
        %eq3A_1211 = arith.cmpi eq, %iota3A_30, %eq3A_1210 : vector<128x10240xi32>
        %broadcast_in_dim3A_1212 = vector.broadcast %cond3A : f32 to vector<128x10240xf32>
        %select_n3A_1213 = arith.select %eq3A_1211, %broadcast_in_dim3A_1212, %select_n3A_1196 : vector<128x10240xi1>, vector<128x10240xf32>
        %reduce_min3A_1214 = arith.constant dense<0x7F800000> : vector<128xf32>
        %reduce_min3A_1215 = vector.multi_reduction <minimumf>, %select_n3A_1213, %reduce_min3A_1214 [1] : vector<128x10240xf32> to vector<128xf32>
        %broadcast_in_dim3A_1216 = vector.shape_cast %reduce_min3A_1215 : vector<128xf32> to vector<128x1xf32>
        %eq3A_1217 = vector.broadcast %broadcast_in_dim3A_1216 : vector<128x1xf32> to vector<128x10240xf32>
        %eq3A_1218 = arith.cmpf oeq, %select_n3A_1213, %eq3A_1217 : vector<128x10240xf32>
        %broadcast_in_dim3A_1219 = vector.broadcast %cond3A_526 : i32 to vector<128x10240xi32>
        %select_n3A_1220 = arith.select %eq3A_1218, %iota3A_30, %broadcast_in_dim3A_1219 : vector<128x10240xi1>, vector<128x10240xi32>
        %reduce_min3A_1221 = arith.constant dense<2147483647> : vector<128xi32>
        %reduce_min3A_1222 = vector.multi_reduction <minsi>, %select_n3A_1220, %reduce_min3A_1221 [1] : vector<128x10240xi32> to vector<128xi32>
        %broadcast_in_dim3A_1223 = vector.shape_cast %reduce_min3A_1222 : vector<128xi32> to vector<128x1xi32>
        %swap3A_1224 = arith.constant 0 : index
        %swap3A_1225 = arith.constant 8 : index
        %swap3A_1226 = vector.load %arg4[%swap3A_1224, %swap3A_1225] : memref<128x16xi32, #tpu.memory_space<vmem>>, vector<128x1xi32>
        tpu.vector_store %arg4[%swap3A_1224, %swap3A_1225], %broadcast_in_dim3A_1223 {strides = array<i32>} : memref<128x16xi32, #tpu.memory_space<vmem>>, vector<128x1xi32>,
        %eq3A_1227 = vector.broadcast %broadcast_in_dim3A_1223 : vector<128x1xi32> to vector<128x10240xi32>
        %eq3A_1228 = arith.cmpi eq, %iota3A_30, %eq3A_1227 : vector<128x10240xi32>
        %broadcast_in_dim3A_1229 = vector.broadcast %cond3A : f32 to vector<128x10240xf32>
        %select_n3A_1230 = arith.select %eq3A_1228, %broadcast_in_dim3A_1229, %select_n3A_1213 : vector<128x10240xi1>, vector<128x10240xf32>
        %reduce_min3A_1231 = arith.constant dense<0x7F800000> : vector<128xf32>
        %reduce_min3A_1232 = vector.multi_reduction <minimumf>, %select_n3A_1230, %reduce_min3A_1231 [1] : vector<128x10240xf32> to vector<128xf32>
        %broadcast_in_dim3A_1233 = vector.shape_cast %reduce_min3A_1232 : vector<128xf32> to vector<128x1xf32>
        %eq3A_1234 = vector.broadcast %broadcast_in_dim3A_1233 : vector<128x1xf32> to vector<128x10240xf32>
        %eq3A_1235 = arith.cmpf oeq, %select_n3A_1230, %eq3A_1234 : vector<128x10240xf32>
        %broadcast_in_dim3A_1236 = vector.broadcast %cond3A_526 : i32 to vector<128x10240xi32>
        %select_n3A_1237 = arith.select %eq3A_1235, %iota3A_30, %broadcast_in_dim3A_1236 : vector<128x10240xi1>, vector<128x10240xi32>
        %reduce_min3A_1238 = arith.constant dense<2147483647> : vector<128xi32>
        %reduce_min3A_1239 = vector.multi_reduction <minsi>, %select_n3A_1237, %reduce_min3A_1238 [1] : vector<128x10240xi32> to vector<128xi32>
        %broadcast_in_dim3A_1240 = vector.shape_cast %reduce_min3A_1239 : vector<128xi32> to vector<128x1xi32>
        %swap3A_1241 = arith.constant 0 : index
        %swap3A_1242 = arith.constant 9 : index
        %swap3A_1243 = vector.load %arg4[%swap3A_1241, %swap3A_1242] : memref<128x16xi32, #tpu.memory_space<vmem>>, vector<128x1xi32>
        tpu.vector_store %arg4[%swap3A_1241, %swap3A_1242], %broadcast_in_dim3A_1240 {strides = array<i32>} : memref<128x16xi32, #tpu.memory_space<vmem>>, vector<128x1xi32>,
        %eq3A_1244 = vector.broadcast %broadcast_in_dim3A_1240 : vector<128x1xi32> to vector<128x10240xi32>
        %eq3A_1245 = arith.cmpi eq, %iota3A_30, %eq3A_1244 : vector<128x10240xi32>
        %broadcast_in_dim3A_1246 = vector.broadcast %cond3A : f32 to vector<128x10240xf32>
        %select_n3A_1247 = arith.select %eq3A_1245, %broadcast_in_dim3A_1246, %select_n3A_1230 : vector<128x10240xi1>, vector<128x10240xf32>
        %reduce_min3A_1248 = arith.constant dense<0x7F800000> : vector<128xf32>
        %reduce_min3A_1249 = vector.multi_reduction <minimumf>, %select_n3A_1247, %reduce_min3A_1248 [1] : vector<128x10240xf32> to vector<128xf32>
        %broadcast_in_dim3A_1250 = vector.shape_cast %reduce_min3A_1249 : vector<128xf32> to vector<128x1xf32>
        %eq3A_1251 = vector.broadcast %broadcast_in_dim3A_1250 : vector<128x1xf32> to vector<128x10240xf32>
        %eq3A_1252 = arith.cmpf oeq, %select_n3A_1247, %eq3A_1251 : vector<128x10240xf32>
        %broadcast_in_dim3A_1253 = vector.broadcast %cond3A_526 : i32 to vector<128x10240xi32>
        %select_n3A_1254 = arith.select %eq3A_1252, %iota3A_30, %broadcast_in_dim3A_1253 : vector<128x10240xi1>, vector<128x10240xi32>
        %reduce_min3A_1255 = arith.constant dense<2147483647> : vector<128xi32>
        %reduce_min3A_1256 = vector.multi_reduction <minsi>, %select_n3A_1254, %reduce_min3A_1255 [1] : vector<128x10240xi32> to vector<128xi32>
        %broadcast_in_dim3A_1257 = vector.shape_cast %reduce_min3A_1256 : vector<128xi32> to vector<128x1xi32>
        %swap3A_1258 = arith.constant 0 : index
        %swap3A_1259 = arith.constant 10 : index
        %swap3A_1260 = vector.load %arg4[%swap3A_1258, %swap3A_1259] : memref<128x16xi32, #tpu.memory_space<vmem>>, vector<128x1xi32>
        tpu.vector_store %arg4[%swap3A_1258, %swap3A_1259], %broadcast_in_dim3A_1257 {strides = array<i32>} : memref<128x16xi32, #tpu.memory_space<vmem>>, vector<128x1xi32>,
        %eq3A_1261 = vector.broadcast %broadcast_in_dim3A_1257 : vector<128x1xi32> to vector<128x10240xi32>
        %eq3A_1262 = arith.cmpi eq, %iota3A_30, %eq3A_1261 : vector<128x10240xi32>
        %broadcast_in_dim3A_1263 = vector.broadcast %cond3A : f32 to vector<128x10240xf32>
        %select_n3A_1264 = arith.select %eq3A_1262, %broadcast_in_dim3A_1263, %select_n3A_1247 : vector<128x10240xi1>, vector<128x10240xf32>
        %reduce_min3A_1265 = arith.constant dense<0x7F800000> : vector<128xf32>
        %reduce_min3A_1266 = vector.multi_reduction <minimumf>, %select_n3A_1264, %reduce_min3A_1265 [1] : vector<128x10240xf32> to vector<128xf32>
        %broadcast_in_dim3A_1267 = vector.shape_cast %reduce_min3A_1266 : vector<128xf32> to vector<128x1xf32>
        %eq3A_1268 = vector.broadcast %broadcast_in_dim3A_1267 : vector<128x1xf32> to vector<128x10240xf32>
        %eq3A_1269 = arith.cmpf oeq, %select_n3A_1264, %eq3A_1268 : vector<128x10240xf32>
        %broadcast_in_dim3A_1270 = vector.broadcast %cond3A_526 : i32 to vector<128x10240xi32>
        %select_n3A_1271 = arith.select %eq3A_1269, %iota3A_30, %broadcast_in_dim3A_1270 : vector<128x10240xi1>, vector<128x10240xi32>
        %reduce_min3A_1272 = arith.constant dense<2147483647> : vector<128xi32>
        %reduce_min3A_1273 = vector.multi_reduction <minsi>, %select_n3A_1271, %reduce_min3A_1272 [1] : vector<128x10240xi32> to vector<128xi32>
        %broadcast_in_dim3A_1274 = vector.shape_cast %reduce_min3A_1273 : vector<128xi32> to vector<128x1xi32>
        %swap3A_1275 = arith.constant 0 : index
        %swap3A_1276 = arith.constant 11 : index
        %swap3A_1277 = vector.load %arg4[%swap3A_1275, %swap3A_1276] : memref<128x16xi32, #tpu.memory_space<vmem>>, vector<128x1xi32>
        tpu.vector_store %arg4[%swap3A_1275, %swap3A_1276], %broadcast_in_dim3A_1274 {strides = array<i32>} : memref<128x16xi32, #tpu.memory_space<vmem>>, vector<128x1xi32>,
        %eq3A_1278 = vector.broadcast %broadcast_in_dim3A_1274 : vector<128x1xi32> to vector<128x10240xi32>
        %eq3A_1279 = arith.cmpi eq, %iota3A_30, %eq3A_1278 : vector<128x10240xi32>
        %broadcast_in_dim3A_1280 = vector.broadcast %cond3A : f32 to vector<128x10240xf32>
        %select_n3A_1281 = arith.select %eq3A_1279, %broadcast_in_dim3A_1280, %select_n3A_1264 : vector<128x10240xi1>, vector<128x10240xf32>
        %reduce_min3A_1282 = arith.constant dense<0x7F800000> : vector<128xf32>
        %reduce_min3A_1283 = vector.multi_reduction <minimumf>, %select_n3A_1281, %reduce_min3A_1282 [1] : vector<128x10240xf32> to vector<128xf32>
        %broadcast_in_dim3A_1284 = vector.shape_cast %reduce_min3A_1283 : vector<128xf32> to vector<128x1xf32>
        %eq3A_1285 = vector.broadcast %broadcast_in_dim3A_1284 : vector<128x1xf32> to vector<128x10240xf32>
        %eq3A_1286 = arith.cmpf oeq, %select_n3A_1281, %eq3A_1285 : vector<128x10240xf32>
        %broadcast_in_dim3A_1287 = vector.broadcast %cond3A_526 : i32 to vector<128x10240xi32>
        %select_n3A_1288 = arith.select %eq3A_1286, %iota3A_30, %broadcast_in_dim3A_1287 : vector<128x10240xi1>, vector<128x10240xi32>
        %reduce_min3A_1289 = arith.constant dense<2147483647> : vector<128xi32>
        %reduce_min3A_1290 = vector.multi_reduction <minsi>, %select_n3A_1288, %reduce_min3A_1289 [1] : vector<128x10240xi32> to vector<128xi32>
        %broadcast_in_dim3A_1291 = vector.shape_cast %reduce_min3A_1290 : vector<128xi32> to vector<128x1xi32>
        %swap3A_1292 = arith.constant 0 : index
        %swap3A_1293 = arith.constant 12 : index
        %swap3A_1294 = vector.load %arg4[%swap3A_1292, %swap3A_1293] : memref<128x16xi32, #tpu.memory_space<vmem>>, vector<128x1xi32>
        tpu.vector_store %arg4[%swap3A_1292, %swap3A_1293], %broadcast_in_dim3A_1291 {strides = array<i32>} : memref<128x16xi32, #tpu.memory_space<vmem>>, vector<128x1xi32>,
        %eq3A_1295 = vector.broadcast %broadcast_in_dim3A_1291 : vector<128x1xi32> to vector<128x10240xi32>
        %eq3A_1296 = arith.cmpi eq, %iota3A_30, %eq3A_1295 : vector<128x10240xi32>
        %broadcast_in_dim3A_1297 = vector.broadcast %cond3A : f32 to vector<128x10240xf32>
        %select_n3A_1298 = arith.select %eq3A_1296, %broadcast_in_dim3A_1297, %select_n3A_1281 : vector<128x10240xi1>, vector<128x10240xf32>
        %reduce_min3A_1299 = arith.constant dense<0x7F800000> : vector<128xf32>
        %reduce_min3A_1300 = vector.multi_reduction <minimumf>, %select_n3A_1298, %reduce_min3A_1299 [1] : vector<128x10240xf32> to vector<128xf32>
        %broadcast_in_dim3A_1301 = vector.shape_cast %reduce_min3A_1300 : vector<128xf32> to vector<128x1xf32>
        %eq3A_1302 = vector.broadcast %broadcast_in_dim3A_1301 : vector<128x1xf32> to vector<128x10240xf32>
        %eq3A_1303 = arith.cmpf oeq, %select_n3A_1298, %eq3A_1302 : vector<128x10240xf32>
        %broadcast_in_dim3A_1304 = vector.broadcast %cond3A_526 : i32 to vector<128x10240xi32>
        %select_n3A_1305 = arith.select %eq3A_1303, %iota3A_30, %broadcast_in_dim3A_1304 : vector<128x10240xi1>, vector<128x10240xi32>
        %reduce_min3A_1306 = arith.constant dense<2147483647> : vector<128xi32>
        %reduce_min3A_1307 = vector.multi_reduction <minsi>, %select_n3A_1305, %reduce_min3A_1306 [1] : vector<128x10240xi32> to vector<128xi32>
        %broadcast_in_dim3A_1308 = vector.shape_cast %reduce_min3A_1307 : vector<128xi32> to vector<128x1xi32>
        %swap3A_1309 = arith.constant 0 : index
        %swap3A_1310 = arith.constant 13 : index
        %swap3A_1311 = vector.load %arg4[%swap3A_1309, %swap3A_1310] : memref<128x16xi32, #tpu.memory_space<vmem>>, vector<128x1xi32>
        tpu.vector_store %arg4[%swap3A_1309, %swap3A_1310], %broadcast_in_dim3A_1308 {strides = array<i32>} : memref<128x16xi32, #tpu.memory_space<vmem>>, vector<128x1xi32>,
        %eq3A_1312 = vector.broadcast %broadcast_in_dim3A_1308 : vector<128x1xi32> to vector<128x10240xi32>
        %eq3A_1313 = arith.cmpi eq, %iota3A_30, %eq3A_1312 : vector<128x10240xi32>
        %broadcast_in_dim3A_1314 = vector.broadcast %cond3A : f32 to vector<128x10240xf32>
        %select_n3A_1315 = arith.select %eq3A_1313, %broadcast_in_dim3A_1314, %select_n3A_1298 : vector<128x10240xi1>, vector<128x10240xf32>
        %reduce_min3A_1316 = arith.constant dense<0x7F800000> : vector<128xf32>
        %reduce_min3A_1317 = vector.multi_reduction <minimumf>, %select_n3A_1315, %reduce_min3A_1316 [1] : vector<128x10240xf32> to vector<128xf32>
        %broadcast_in_dim3A_1318 = vector.shape_cast %reduce_min3A_1317 : vector<128xf32> to vector<128x1xf32>
        %eq3A_1319 = vector.broadcast %broadcast_in_dim3A_1318 : vector<128x1xf32> to vector<128x10240xf32>
        %eq3A_1320 = arith.cmpf oeq, %select_n3A_1315, %eq3A_1319 : vector<128x10240xf32>
        %broadcast_in_dim3A_1321 = vector.broadcast %cond3A_526 : i32 to vector<128x10240xi32>
        %select_n3A_1322 = arith.select %eq3A_1320, %iota3A_30, %broadcast_in_dim3A_1321 : vector<128x10240xi1>, vector<128x10240xi32>
        %reduce_min3A_1323 = arith.constant dense<2147483647> : vector<128xi32>
        %reduce_min3A_1324 = vector.multi_reduction <minsi>, %select_n3A_1322, %reduce_min3A_1323 [1] : vector<128x10240xi32> to vector<128xi32>
        %broadcast_in_dim3A_1325 = vector.shape_cast %reduce_min3A_1324 : vector<128xi32> to vector<128x1xi32>
        %swap3A_1326 = arith.constant 0 : index
        %swap3A_1327 = arith.constant 14 : index
        %swap3A_1328 = vector.load %arg4[%swap3A_1326, %swap3A_1327] : memref<128x16xi32, #tpu.memory_space<vmem>>, vector<128x1xi32>
        tpu.vector_store %arg4[%swap3A_1326, %swap3A_1327], %broadcast_in_dim3A_1325 {strides = array<i32>} : memref<128x16xi32, #tpu.memory_space<vmem>>, vector<128x1xi32>,
        %eq3A_1329 = vector.broadcast %broadcast_in_dim3A_1325 : vector<128x1xi32> to vector<128x10240xi32>
        %eq3A_1330 = arith.cmpi eq, %iota3A_30, %eq3A_1329 : vector<128x10240xi32>
        %broadcast_in_dim3A_1331 = vector.broadcast %cond3A : f32 to vector<128x10240xf32>
        %select_n3A_1332 = arith.select %eq3A_1330, %broadcast_in_dim3A_1331, %select_n3A_1315 : vector<128x10240xi1>, vector<128x10240xf32>
        %reduce_min3A_1333 = arith.constant dense<0x7F800000> : vector<128xf32>
        %reduce_min3A_1334 = vector.multi_reduction <minimumf>, %select_n3A_1332, %reduce_min3A_1333 [1] : vector<128x10240xf32> to vector<128xf32>
        %broadcast_in_dim3A_1335 = vector.shape_cast %reduce_min3A_1334 : vector<128xf32> to vector<128x1xf32>
        %eq3A_1336 = vector.broadcast %broadcast_in_dim3A_1335 : vector<128x1xf32> to vector<128x10240xf32>
        %eq3A_1337 = arith.cmpf oeq, %select_n3A_1332, %eq3A_1336 : vector<128x10240xf32>
        %broadcast_in_dim3A_1338 = vector.broadcast %cond3A_526 : i32 to vector<128x10240xi32>
        %select_n3A_1339 = arith.select %eq3A_1337, %iota3A_30, %broadcast_in_dim3A_1338 : vector<128x10240xi1>, vector<128x10240xi32>
        %reduce_min3A_1340 = arith.constant dense<2147483647> : vector<128xi32>
        %reduce_min3A_1341 = vector.multi_reduction <minsi>, %select_n3A_1339, %reduce_min3A_1340 [1] : vector<128x10240xi32> to vector<128xi32>
        %broadcast_in_dim3A_1342 = vector.shape_cast %reduce_min3A_1341 : vector<128xi32> to vector<128x1xi32>
        %swap3A_1343 = arith.constant 0 : index
        %swap3A_1344 = arith.constant 15 : index
        %swap3A_1345 = vector.load %arg4[%swap3A_1343, %swap3A_1344] : memref<128x16xi32, #tpu.memory_space<vmem>>, vector<128x1xi32>
        tpu.vector_store %arg4[%swap3A_1343, %swap3A_1344], %broadcast_in_dim3A_1342 {strides = array<i32>} : memref<128x16xi32, #tpu.memory_space<vmem>>, vector<128x1xi32>,
      } else {
      }
    } else {
    }
    return
  }
  func.func @transform_0(%arg0: i32) -> (i32, i32) {
    %c0_i32 = arith.constant 0 : i32
    %c0_i32_0 = arith.constant 0 : i32
    return %arg0, %c0_i32 : i32, i32
  }
  func.func @transform_1(%arg0: i32) -> (i32, i32) {
    %c0_i32 = arith.constant 0 : i32
    %c0_i32_0 = arith.constant 0 : i32
    %c0_i32_1 = arith.constant 0 : i32
    return %c0_i32, %c0_i32_0 : i32, i32
  }
  func.func @transform_2(%arg0: i32) -> (i32, i32) {
    %c0_i32 = arith.constant 0 : i32
    %c0_i32_0 = arith.constant 0 : i32
    %c0_i32_1 = arith.constant 0 : i32
    return %c0_i32, %c0_i32_0 : i32, i32
  }
  func.func @transform_3(%arg0: i32) -> (i32, i32) {
    %c0_i32 = arith.constant 0 : i32
    %c0_i32_0 = arith.constant 0 : i32
    return %arg0, %c0_i32 : i32, i32
  }
  func.func @transform_4(%arg0: i32) -> (i32, i32) {
    %c0_i32 = arith.constant 0 : i32
    %c0_i32_0 = arith.constant 0 : i32
    return %arg0, %c0_i32 : i32, i32
  }
}

module attributes {stable_mosaic.version = 14 : i64} {
  func.func @_conv1_body(%arg0: memref<640x64xf32, #tpu.memory_space<vmem>>, %arg1: memref<10240x128xf32, #tpu.memory_space<vmem>>, %arg2: memref<1x64xf32, #tpu.memory_space<vmem>>, %arg3: memref<64x64xf32, #tpu.memory_space<vmem>>, %arg4: memref<1x64xf32, #tpu.memory_space<vmem>>, %arg5: memref<128x128xf32, #tpu.memory_space<vmem>>, %arg6: memref<10240x128xf32, #tpu.memory_space<vmem>>, %arg7: memref<10240x128xf32, #tpu.memory_space<vmem>>) attributes {dimension_semantics = [], scalar_prefetch = 0 : i64, scratch_operands = 0 : i64, tpu.core_type = #tpu.core_type<tc>} {
    %get3A = arith.constant 0 : index
    %get3A_0 = arith.constant 0 : index
    %get3A_1 = vector.load %arg0[%get3A, %get3A_0] : memref<640x64xf32, #tpu.memory_space<vmem>>, vector<640x64xf32>
    %broadcast_in_dim3A = vector.shape_cast %get3A_1 : vector<640x64xf32> to vector<640x1x64xf32>
    %broadcast_in_dim3A_2 = vector.shape_cast %broadcast_in_dim3A : vector<640x1x64xf32> to vector<640x1x64xf32>
    %broadcast_in_dim3A_3 = vector.broadcast %broadcast_in_dim3A_2 : vector<640x1x64xf32> to vector<640x16x64xf32>
    %reshape3A = vector.shape_cast %broadcast_in_dim3A_3 : vector<640x16x64xf32> to vector<10240x64xf32>
    %get3A_4 = arith.constant 0 : index
    %get3A_5 = arith.constant 0 : index
    %get3A_6 = vector.load %arg1[%get3A_4, %get3A_5] : memref<10240x128xf32, #tpu.memory_space<vmem>>, vector<10240x64xf32>
    %add3A = arith.addf %reshape3A, %get3A_6 : vector<10240x64xf32>
    %get3A_7 = arith.constant 0 : index
    %get3A_8 = arith.constant 0 : index
    %get3A_9 = vector.load %arg2[%get3A_7, %get3A_8] : memref<1x64xf32, #tpu.memory_space<vmem>>, vector<1x64xf32>
    %add3A_10 = vector.broadcast %get3A_9 : vector<1x64xf32> to vector<10240x64xf32>
    %add3A_11 = arith.addf %add3A, %add3A_10 : vector<10240x64xf32>
    %max3A = arith.constant 0.000000e+00 : f32
    %max3A_12 = vector.broadcast %max3A : f32 to vector<10240x64xf32>
    %max3A_13 = arith.maximumf %add3A_11, %max3A_12 : vector<10240x64xf32>
    %get3A_14 = arith.constant 0 : index
    %get3A_15 = arith.constant 0 : index
    %get3A_16 = vector.load %arg3[%get3A_14, %get3A_15] : memref<64x64xf32, #tpu.memory_space<vmem>>, vector<64x64xf32>
    %dot_general3A = arith.constant dense<0.000000e+00> : vector<10240x64xf32>
    %dot_general3A_17 = tpu.matmul %max3A_13, %get3A_16, %dot_general3A {dimension_numbers = #tpu.dot_dimension_numbers<[1], [0], [0], [1], [0, 0, 1, 1], [], []>, transpose_lhs_hint = false} : vector<10240x64xf32>, vector<64x64xf32>, vector<10240x64xf32> -> vector<10240x64xf32>
    %get3A_18 = arith.constant 0 : index
    %get3A_19 = arith.constant 0 : index
    %get3A_20 = vector.load %arg4[%get3A_18, %get3A_19] : memref<1x64xf32, #tpu.memory_space<vmem>>, vector<1x64xf32>
    %add3A_21 = vector.broadcast %get3A_20 : vector<1x64xf32> to vector<10240x64xf32>
    %add3A_22 = arith.addf %dot_general3A_17, %add3A_21 : vector<10240x64xf32>
    %max3A_23 = arith.constant 0.000000e+00 : f32
    %max3A_24 = vector.broadcast %max3A_23 : f32 to vector<10240x64xf32>
    %max3A_25 = arith.maximumf %add3A_22, %max3A_24 : vector<10240x64xf32>
    %get3A_26 = arith.constant 0 : index
    %get3A_27 = arith.constant 0 : index
    %get3A_28 = vector.load %arg5[%get3A_26, %get3A_27] : memref<128x128xf32, #tpu.memory_space<vmem>>, vector<64x128xf32>
    %get3A_29 = arith.constant 64 : index
    %get3A_30 = arith.constant 0 : index
    %get3A_31 = vector.load %arg5[%get3A_29, %get3A_30] : memref<128x128xf32, #tpu.memory_space<vmem>>, vector<64x128xf32>
    %sub3A = arith.subf %get3A_28, %get3A_31 : vector<64x128xf32>
    %dot_general3A_32 = arith.constant dense<0.000000e+00> : vector<10240x128xf32>
    %dot_general3A_33 = tpu.matmul %max3A_25, %sub3A, %dot_general3A_32 {dimension_numbers = #tpu.dot_dimension_numbers<[1], [0], [0], [1], [0, 0, 1, 1], [], []>, transpose_lhs_hint = false} : vector<10240x64xf32>, vector<64x128xf32>, vector<10240x128xf32> -> vector<10240x128xf32>
    %swap3A = arith.constant 0 : index
    %swap3A_34 = arith.constant 0 : index
    %swap3A_35 = vector.load %arg6[%swap3A, %swap3A_34] : memref<10240x128xf32, #tpu.memory_space<vmem>>, vector<10240x128xf32>
    tpu.vector_store %arg6[%swap3A, %swap3A_34], %dot_general3A_33 {strides = array<i32>} : memref<10240x128xf32, #tpu.memory_space<vmem>>, vector<10240x128xf32>,
    %dot_general3A_36 = arith.constant dense<0.000000e+00> : vector<10240x128xf32>
    %dot_general3A_37 = tpu.matmul %max3A_25, %get3A_31, %dot_general3A_36 {dimension_numbers = #tpu.dot_dimension_numbers<[1], [0], [0], [1], [0, 0, 1, 1], [], []>, transpose_lhs_hint = false} : vector<10240x64xf32>, vector<64x128xf32>, vector<10240x128xf32> -> vector<10240x128xf32>
    %swap3A_38 = arith.constant 0 : index
    %swap3A_39 = arith.constant 0 : index
    %swap3A_40 = vector.load %arg7[%swap3A_38, %swap3A_39] : memref<10240x128xf32, #tpu.memory_space<vmem>>, vector<10240x128xf32>
    tpu.vector_store %arg7[%swap3A_38, %swap3A_39], %dot_general3A_37 {strides = array<i32>} : memref<10240x128xf32, #tpu.memory_space<vmem>>, vector<10240x128xf32>,
    return
  }
}

module attributes {stable_mosaic.version = 14 : i64} {
  func.func @_conv2_body(%arg0: i32, %arg1: memref<400x128xf32, #tpu.memory_space<vmem>>, %arg2: memref<6400x128xf32, #tpu.memory_space<vmem>>, %arg3: memref<1x128xf32, #tpu.memory_space<vmem>>, %arg4: memref<128x128xf32, #tpu.memory_space<vmem>>, %arg5: memref<1x128xf32, #tpu.memory_space<vmem>>, %arg6: memref<128x128xf32, #tpu.memory_space<vmem>>, %arg7: memref<1x128xf32, #tpu.memory_space<vmem>>, %arg8: memref<128x128xf32, #tpu.memory_space<vmem>>, %arg9: memref<1x128xf32, #tpu.memory_space<vmem>>, %arg10: memref<1x128xf32, #tpu.memory_space<vmem>>, %arg11: memref<8x128xf32, #tpu.memory_space<vmem>>) attributes {dimension_semantics = [#tpu.dimension_semantics<arbitrary>], iteration_bounds = array<i64: 25>, scalar_prefetch = 0 : i64, scratch_operands = 1 : i64, tpu.core_type = #tpu.core_type<tc>, window_params = [{transform_indices = @transform_0, window_bounds = array<i64: 400, 128>}, {transform_indices = @transform_1, window_bounds = array<i64: 6400, 128>}, {pipeline_mode = #tpu.pipeline_mode<synchronous>, transform_indices = @transform_2, window_bounds = array<i64: 1, 128>}, {pipeline_mode = #tpu.pipeline_mode<synchronous>, transform_indices = @transform_3, window_bounds = array<i64: 128, 128>}, {pipeline_mode = #tpu.pipeline_mode<synchronous>, transform_indices = @transform_4, window_bounds = array<i64: 1, 128>}, {pipeline_mode = #tpu.pipeline_mode<synchronous>, transform_indices = @transform_5, window_bounds = array<i64: 128, 128>}, {pipeline_mode = #tpu.pipeline_mode<synchronous>, transform_indices = @transform_6, window_bounds = array<i64: 1, 128>}, {pipeline_mode = #tpu.pipeline_mode<synchronous>, transform_indices = @transform_7, window_bounds = array<i64: 128, 128>}, {pipeline_mode = #tpu.pipeline_mode<synchronous>, transform_indices = @transform_8, window_bounds = array<i64: 1, 128>}, {pipeline_mode = #tpu.pipeline_mode<synchronous>, transform_indices = @transform_9, window_bounds = array<i64: 1, 128>}]} {
    %get3A = arith.constant 0 : index
    %get3A_0 = arith.constant 0 : index
    %get3A_1 = vector.load %arg1[%get3A, %get3A_0] : memref<400x128xf32, #tpu.memory_space<vmem>>, vector<400x128xf32>
    %broadcast_in_dim3A = vector.shape_cast %get3A_1 : vector<400x128xf32> to vector<400x1x128xf32>
    %broadcast_in_dim3A_2 = vector.shape_cast %broadcast_in_dim3A : vector<400x1x128xf32> to vector<400x1x128xf32>
    %broadcast_in_dim3A_3 = vector.broadcast %broadcast_in_dim3A_2 : vector<400x1x128xf32> to vector<400x16x128xf32>
    %reshape3A = vector.shape_cast %broadcast_in_dim3A_3 : vector<400x16x128xf32> to vector<6400x128xf32>
    %get3A_4 = arith.constant 0 : index
    %get3A_5 = arith.constant 0 : index
    %get3A_6 = vector.load %arg2[%get3A_4, %get3A_5] : memref<6400x128xf32, #tpu.memory_space<vmem>>, vector<6400x128xf32>
    %add3A = arith.addf %reshape3A, %get3A_6 : vector<6400x128xf32>
    %get3A_7 = arith.constant 0 : index
    %get3A_8 = arith.constant 0 : index
    %get3A_9 = vector.load %arg3[%get3A_7, %get3A_8] : memref<1x128xf32, #tpu.memory_space<vmem>>, vector<1x128xf32>
    %add3A_10 = vector.broadcast %get3A_9 : vector<1x128xf32> to vector<6400x128xf32>
    %add3A_11 = arith.addf %add3A, %add3A_10 : vector<6400x128xf32>
    %max3A = arith.constant 0.000000e+00 : f32
    %max3A_12 = vector.broadcast %max3A : f32 to vector<6400x128xf32>
    %max3A_13 = arith.maximumf %add3A_11, %max3A_12 : vector<6400x128xf32>
    %get3A_14 = arith.constant 0 : index
    %get3A_15 = arith.constant 0 : index
    %get3A_16 = vector.load %arg4[%get3A_14, %get3A_15] : memref<128x128xf32, #tpu.memory_space<vmem>>, vector<128x128xf32>
    %dot_general3A = arith.constant dense<0.000000e+00> : vector<6400x128xf32>
    %dot_general3A_17 = tpu.matmul %max3A_13, %get3A_16, %dot_general3A {dimension_numbers = #tpu.dot_dimension_numbers<[1], [0], [0], [1], [0, 0, 1, 1], [], []>, transpose_lhs_hint = false} : vector<6400x128xf32>, vector<128x128xf32>, vector<6400x128xf32> -> vector<6400x128xf32>
    %get3A_18 = arith.constant 0 : index
    %get3A_19 = arith.constant 0 : index
    %get3A_20 = vector.load %arg5[%get3A_18, %get3A_19] : memref<1x128xf32, #tpu.memory_space<vmem>>, vector<1x128xf32>
    %add3A_21 = vector.broadcast %get3A_20 : vector<1x128xf32> to vector<6400x128xf32>
    %add3A_22 = arith.addf %dot_general3A_17, %add3A_21 : vector<6400x128xf32>
    %max3A_23 = arith.constant 0.000000e+00 : f32
    %max3A_24 = vector.broadcast %max3A_23 : f32 to vector<6400x128xf32>
    %max3A_25 = arith.maximumf %add3A_22, %max3A_24 : vector<6400x128xf32>
    %reduce_max3A = arith.constant dense<0xFF800000> : vector<128xf32>
    %reduce_max3A_26 = vector.multi_reduction <maximumf>, %max3A_25, %reduce_max3A [0] : vector<6400x128xf32> to vector<128xf32>
    %broadcast_in_dim3A_27 = vector.shape_cast %reduce_max3A_26 : vector<128xf32> to vector<1x128xf32>
    %eq3A = arith.constant 0 : i32
    %eq3A_28 = arith.cmpi eq, %arg0, %eq3A : i32
    %convert_element_type3A = arith.extui %eq3A_28 : i1 to i32
    %cond3A = arith.constant 0 : i32
    %cond3A_29 = arith.cmpi ne, %convert_element_type3A, %cond3A : i32
    scf.if %cond3A_29 {
      %swap3A = arith.constant 0 : index
      %swap3A_39 = arith.constant 0 : index
      %swap3A_40 = vector.load %arg11[%swap3A, %swap3A_39] : memref<8x128xf32, #tpu.memory_space<vmem>>, vector<1x128xf32>
      tpu.vector_store %arg11[%swap3A, %swap3A_39], %broadcast_in_dim3A_27 {strides = array<i32>} : memref<8x128xf32, #tpu.memory_space<vmem>>, vector<1x128xf32>,
    } else {
    }
    %gt3A = arith.constant 0 : i32
    %gt3A_30 = arith.cmpi sgt, %arg0, %gt3A : i32
    %convert_element_type3A_31 = arith.extui %gt3A_30 : i1 to i32
    %cond3A_32 = arith.constant 0 : i32
    %cond3A_33 = arith.cmpi ne, %convert_element_type3A_31, %cond3A_32 : i32
    scf.if %cond3A_33 {
      %get3A_39 = arith.constant 0 : index
      %get3A_40 = arith.constant 0 : index
      %get3A_41 = vector.load %arg11[%get3A_39, %get3A_40] : memref<8x128xf32, #tpu.memory_space<vmem>>, vector<1x128xf32>
      %max3A_42 = arith.maximumf %get3A_41, %broadcast_in_dim3A_27 : vector<1x128xf32>
      %swap3A = arith.constant 0 : index
      %swap3A_43 = arith.constant 0 : index
      %swap3A_44 = vector.load %arg11[%swap3A, %swap3A_43] : memref<8x128xf32, #tpu.memory_space<vmem>>, vector<1x128xf32>
      tpu.vector_store %arg11[%swap3A, %swap3A_43], %max3A_42 {strides = array<i32>} : memref<8x128xf32, #tpu.memory_space<vmem>>, vector<1x128xf32>,
    } else {
    }
    %eq3A_34 = arith.constant 24 : i32
    %eq3A_35 = arith.cmpi eq, %arg0, %eq3A_34 : i32
    %convert_element_type3A_36 = arith.extui %eq3A_35 : i1 to i32
    %cond3A_37 = arith.constant 0 : i32
    %cond3A_38 = arith.cmpi ne, %convert_element_type3A_36, %cond3A_37 : i32
    scf.if %cond3A_38 {
      %get3A_39 = arith.constant 0 : index
      %get3A_40 = arith.constant 0 : index
      %get3A_41 = vector.load %arg11[%get3A_39, %get3A_40] : memref<8x128xf32, #tpu.memory_space<vmem>>, vector<1x128xf32>
      %get3A_42 = arith.constant 0 : index
      %get3A_43 = arith.constant 0 : index
      %get3A_44 = vector.load %arg6[%get3A_42, %get3A_43] : memref<128x128xf32, #tpu.memory_space<vmem>>, vector<128x128xf32>
      %dot_general3A_45 = arith.constant dense<0.000000e+00> : vector<1x128xf32>
      %dot_general3A_46 = tpu.matmul %get3A_41, %get3A_44, %dot_general3A_45 {dimension_numbers = #tpu.dot_dimension_numbers<[1], [0], [0], [1], [0, 0, 1, 1], [], []>, transpose_lhs_hint = false} : vector<1x128xf32>, vector<128x128xf32>, vector<1x128xf32> -> vector<1x128xf32>
      %get3A_47 = arith.constant 0 : index
      %get3A_48 = arith.constant 0 : index
      %get3A_49 = vector.load %arg7[%get3A_47, %get3A_48] : memref<1x128xf32, #tpu.memory_space<vmem>>, vector<1x128xf32>
      %add3A_50 = arith.addf %dot_general3A_46, %get3A_49 : vector<1x128xf32>
      %max3A_51 = arith.constant 0.000000e+00 : f32
      %max3A_52 = vector.broadcast %max3A_51 : f32 to vector<1x128xf32>
      %max3A_53 = arith.maximumf %add3A_50, %max3A_52 : vector<1x128xf32>
      %get3A_54 = arith.constant 0 : index
      %get3A_55 = arith.constant 0 : index
      %get3A_56 = vector.load %arg8[%get3A_54, %get3A_55] : memref<128x128xf32, #tpu.memory_space<vmem>>, vector<128x128xf32>
      %dot_general3A_57 = arith.constant dense<0.000000e+00> : vector<1x128xf32>
      %dot_general3A_58 = tpu.matmul %max3A_53, %get3A_56, %dot_general3A_57 {dimension_numbers = #tpu.dot_dimension_numbers<[1], [0], [0], [1], [0, 0, 1, 1], [], []>, transpose_lhs_hint = false} : vector<1x128xf32>, vector<128x128xf32>, vector<1x128xf32> -> vector<1x128xf32>
      %get3A_59 = arith.constant 0 : index
      %get3A_60 = arith.constant 0 : index
      %get3A_61 = vector.load %arg9[%get3A_59, %get3A_60] : memref<1x128xf32, #tpu.memory_space<vmem>>, vector<1x128xf32>
      %add3A_62 = arith.addf %dot_general3A_58, %get3A_61 : vector<1x128xf32>
      %swap3A = arith.constant 0 : index
      %swap3A_63 = arith.constant 0 : index
      %swap3A_64 = vector.load %arg10[%swap3A, %swap3A_63] : memref<1x128xf32, #tpu.memory_space<vmem>>, vector<1x128xf32>
      tpu.vector_store %arg10[%swap3A, %swap3A_63], %add3A_62 {strides = array<i32>} : memref<1x128xf32, #tpu.memory_space<vmem>>, vector<1x128xf32>,
    } else {
    }
    return
  }
  func.func @transform_0(%arg0: i32) -> (i32, i32) {
    %c0_i32 = arith.constant 0 : i32
    %c0_i32_0 = arith.constant 0 : i32
    return %arg0, %c0_i32 : i32, i32
  }
  func.func @transform_1(%arg0: i32) -> (i32, i32) {
    %c0_i32 = arith.constant 0 : i32
    %c0_i32_0 = arith.constant 0 : i32
    return %arg0, %c0_i32 : i32, i32
  }
  func.func @transform_2(%arg0: i32) -> (i32, i32) {
    %c0_i32 = arith.constant 0 : i32
    %c0_i32_0 = arith.constant 0 : i32
    %c0_i32_1 = arith.constant 0 : i32
    return %c0_i32, %c0_i32_0 : i32, i32
  }
  func.func @transform_3(%arg0: i32) -> (i32, i32) {
    %c0_i32 = arith.constant 0 : i32
    %c0_i32_0 = arith.constant 0 : i32
    %c0_i32_1 = arith.constant 0 : i32
    return %c0_i32, %c0_i32_0 : i32, i32
  }
  func.func @transform_4(%arg0: i32) -> (i32, i32) {
    %c0_i32 = arith.constant 0 : i32
    %c0_i32_0 = arith.constant 0 : i32
    %c0_i32_1 = arith.constant 0 : i32
    return %c0_i32, %c0_i32_0 : i32, i32
  }
  func.func @transform_5(%arg0: i32) -> (i32, i32) {
    %c0_i32 = arith.constant 0 : i32
    %c0_i32_0 = arith.constant 0 : i32
    %c0_i32_1 = arith.constant 0 : i32
    return %c0_i32, %c0_i32_0 : i32, i32
  }
  func.func @transform_6(%arg0: i32) -> (i32, i32) {
    %c0_i32 = arith.constant 0 : i32
    %c0_i32_0 = arith.constant 0 : i32
    %c0_i32_1 = arith.constant 0 : i32
    return %c0_i32, %c0_i32_0 : i32, i32
  }
  func.func @transform_7(%arg0: i32) -> (i32, i32) {
    %c0_i32 = arith.constant 0 : i32
    %c0_i32_0 = arith.constant 0 : i32
    %c0_i32_1 = arith.constant 0 : i32
    return %c0_i32, %c0_i32_0 : i32, i32
  }
  func.func @transform_8(%arg0: i32) -> (i32, i32) {
    %c0_i32 = arith.constant 0 : i32
    %c0_i32_0 = arith.constant 0 : i32
    %c0_i32_1 = arith.constant 0 : i32
    return %c0_i32, %c0_i32_0 : i32, i32
  }
  func.func @transform_9(%arg0: i32) -> (i32, i32) {
    %c0_i32 = arith.constant 0 : i32
    %c0_i32_0 = arith.constant 0 : i32
    %c0_i32_1 = arith.constant 0 : i32
    return %c0_i32, %c0_i32_0 : i32, i32
  }
}

</mosaic_0001>

<sc_bundles>
// kernel: kernel.10.cloned.1.call-start
scs
__scs_entry_jumppad:
0x0: {  	(pc) =	sbr.rel $0x88, $3  }
0x1: {  	(tag) =	ssettag $0x0;
	lr =	simm.s32 $0x1  }
0x2: {  	[smem:$0x3F94] =	sst lr;
	_ =	strace $0xD0000000  }
0x3: {  	_ = 	snop  }
0x4: {  	_ = 	snop  }
0x5: {  	_ = 	snop  }
0x6: {  	_ = 	snop  }
0x7: {  	_ = 	snop  }
__scs_overlays_trampoline_lowered:
0x8: {  	[smem:$0x3FA3] =	sst s0  }
0x9: {  	[smem:$0x3FA4] =	sst s1  }
0xa: {  	[smem:$0x3FA5] =	sst s2  }
0xb: {  	[smem:$0x3FA6] =	sst s3  }
0xc: {  	[smem:$0x3FA7] =	sst s4  }
0xd: {  	[smem:$0x3FA8] =	sst s5  }
0xe: {  	[smem:$0x3FA9] =	sst s6  }
0xf: {  	[smem:$0x3FAA] =	sst s7  }
0x10: {  	[smem:$0x3FAB] =	sst s8  }
0x11: {  	[smem:$0x3FAC] =	sst s9;
	s0 =	simm.s32 @!p0 $0x0  }
0x12: {  	s1 =	sld [smem:$0x3F92];
	s0 =	simm.s32 @p0 $0x1  }
0x13: {  	[smem:$0x3FAD] =	sst s0;
	s0 =	simm.s32 @!p1 $0x0  }
0x14: {  	s2 =	sld [smem:$0x3F91];
	s0 =	simm.s32 @p1 $0x1  }
0x15: {  	[smem:$0x3FAE] =	sst s0;
	s0 =	simm.s32 @!p2 $0x0  }
0x16: {  	s3 =	sld [smem:$0x3FDB];
	s0 =	simm.s32 @p2 $0x1  }
0x17: {  	s4 =	simm.s32 $0x1BF5;
	[smem:$0x3FB0] =	sst s0  }
0x18: {  	s0 =	sld [smem:$0x3F93];
	_ =	swait.ge [sflag:s4], $0x0  }
0x19: {  	s7 =	sld [smem:$0x3F94]  }
0x1a: {  	s8 =	sadd.s32 $0xFFFFE003, lr  }
0x1b: {  	s9 =	sadd.s32 $0xFFFFFEF7, lr;
	s5 =	simm.s32 $0xFFFFFFFF;
	p2 =	slt.u32 s8, $0xFFFFF086  }
0x1c: {  	p1 =	slt.u32 s9, $0xF7A;
	s5 =	simm.s32 @!p2 $0x0  }
0x1d: {  	s5 =	simm.s32 @p1 $0x1;
	p0 =	seq.s32 s7, s2  }
0x1e: {  	s7 =	smul.u32 @!p0 $0xF7A, s2;
	p2 =	seq.s32 @!p0 s5, $0x0  }
0x1f: {  	s9 =	smul.u32 $0xF7A, s1;
	s8 =	simm.s32 @!p0 $0x1BF5;
	p2 =	por !p2, p0  }
0x20: {  	[sflag:s8] =	ssyncset.s32 @!p0 $0xFFFFF086;
	s6 =	sadd.s32 @!p0 s3, s7;
	s7 =	simm.s32 @!p0 $0x108  }
0x21: {  	s3 =	sadd.s32 s3, s9;
	s6 =	sadd.s32 @!p0 $0x88, s6;
	s7 =	simm.s32 @p2 $0x1082  }
0x22: {  	[simem:s7], [sflag:s8] =	dma.local @!p0 [hbm:s6], $0xF7A  }
0x23: {  	s9 =	sor.u32 $0xD0000000, s2;
	s6 =	simm.s32 $0x108;
	_ =	swait.ge @!p0 [sflag:s8], $0x0  }
0x24: {  	s3 =	sadd.s32 $0x88, s3;
	s6 =	simm.s32 @!p1 $0x1082;
	[sflag:s4] =	ssyncset.s32 $0xFFFFF086  }
0x25: {  	[simem:s6], [sflag:s4] =	dma.local [hbm:s3], $0xF7A  }
0x26: {  	[smem:$0x3F94] =	sst s1;
	(tag) =	ssettag s2;
	_ =	strace s9  }
0x27: {  	s1 =	sld [smem:$0x3FA4]  }
0x28: {  	s2 =	sld [smem:$0x3FA5]  }
0x29: {  	s4 =	sld [smem:$0x3FA7]  }
0x2a: {  	p0 =	seq.s32 s5, $0x0;
	s5 =	sld [smem:$0x3FA8]  }
0x2b: {  	s6 =	sld [smem:$0x3FA9]  }
0x2c: {  	s7 =	sld [smem:$0x3FAA]  }
0x2d: {  	s3 =	simm.s32 $0x108;
	s8 =	sld [smem:$0x3FAB]  }
0x2e: {  	s3 =	simm.s32 @!p0 $0x1082;
	s9 =	sld [smem:$0x3FAC]  }
0x2f: {  	lr =	sadd.s32 s0, s3;
	s0 =	sld [smem:$0x3FA3]  }
0x30: {  	s3 =	sld [smem:$0x3FA6]  }
0x31: {  	[smem:$0x3FAF] =	sst s10  }
0x32: {  	s10 =	sld [smem:$0x3FAD];
	_ =	sdelay $0x3  }
0x33: {  	p0 =	seq.s32 s10, $0x1;
	s10 =	sld [smem:$0x3FAF];
	_ =	sdelay $0x3  }
0x34: {  	[smem:$0x3FAF] =	sst s10  }
0x35: {  	s10 =	sld [smem:$0x3FAE];
	_ =	sdelay $0x3  }
0x36: {  	p1 =	seq.s32 s10, $0x1;
	s10 =	sld [smem:$0x3FAF];
	_ =	sdelay $0x3  }
0x37: {  	[smem:$0x3FAF] =	sst s10  }
0x38: {  	s10 =	sld [smem:$0x3FB0]  }
0x39: {  	_ = 	snop;
	(pc) =	sbr.ind lr, $3  }
0x3a: {  	_ = 	snop  }
0x3b: {  	_ = 	snop  }
0x3c: {  	p2 =	seq.s32 s10, $0x1;
	s10 =	sld [smem:$0x3FAF]  }
0x3d: {  	_ =	shalt  }
0x3e: {  	_ =	shalt  }
0x3f: {  	_ =	shalt  }
0x40: {  	_ =	shalt  }
0x41: {  	_ =	shalt  }
0x42: {  	_ =	shalt  }
0x43: {  	_ =	shalt  }
0x44: {  	_ =	shalt  }
0x45: {  	_ =	shalt  }
0x46: {  	_ =	shalt  }
0x47: {  	_ =	shalt  }
0x48: {  	_ =	shalt  }
0x49: {  	_ =	shalt  }
0x4a: {  	_ =	shalt  }
0x4b: {  	_ =	shalt  }
0x4c: {  	_ =	shalt  }
0x4d: {  	_ =	shalt  }
0x4e: {  	_ =	shalt  }
0x4f: {  	_ =	shalt  }
0x50: {  	_ =	shalt  }
0x51: {  	_ =	shalt  }
0x52: {  	_ =	shalt  }
0x53: {  	_ =	shalt  }
0x54: {  	_ =	shalt  }
0x55: {  	_ =	shalt  }
0x56: {  	_ =	shalt  }
0x57: {  	_ =	shalt  }
0x58: {  	_ =	shalt  }
0x59: {  	_ =	shalt  }
0x5a: {  	_ =	shalt  }
0x5b: {  	_ =	shalt  }
0x5c: {  	_ =	shalt  }
0x5d: {  	_ =	shalt  }
0x5e: {  	_ =	shalt  }
0x5f: {  	_ =	shalt  }
0x60: {  	_ =	shalt  }
0x61: {  	_ =	shalt  }
0x62: {  	_ =	shalt  }
0x63: {  	_ =	shalt  }
0x64: {  	_ =	shalt  }
0x65: {  	_ =	shalt  }
0x66: {  	_ =	shalt  }
0x67: {  	_ =	shalt  }
0x68: {  	_ =	shalt  }
0x69: {  	_ =	shalt  }
0x6a: {  	_ =	shalt  }
0x6b: {  	_ =	shalt  }
0x6c: {  	_ =	shalt  }
0x6d: {  	_ =	shalt  }
0x6e: {  	_ =	shalt  }
0x6f: {  	_ =	shalt  }
0x70: {  	_ =	shalt  }
0x71: {  	_ =	shalt  }
0x72: {  	_ =	shalt  }
0x73: {  	_ =	shalt  }
0x74: {  	_ =	shalt  }
0x75: {  	_ =	shalt  }
0x76: {  	_ =	shalt  }
0x77: {  	_ =	shalt  }
0x78: {  	_ =	shalt  }
0x79: {  	_ =	shalt  }
0x7a: {  	_ =	shalt  }
0x7b: {  	_ =	shalt  }
0x7c: {  	_ =	shalt  }
0x7d: {  	_ =	shalt  }
0x7e: {  	_ =	shalt  }
0x7f: {  	_ =	shalt  }
0x80: {  	_ =	shalt  }
0x81: {  	_ =	shalt  }
0x82: {  	_ =	shalt  }
0x83: {  	_ =	shalt  }
0x84: {  	_ =	shalt  }
0x85: {  	_ =	shalt  }
0x86: {  	_ =	shalt  }
0x87: {  	_ =	shalt  }
.Lfunc_end0:
.L_simem_size_0:
called_computation.1_lowered:
.L_overlay_start_0:
0x88: {  	s2 =	sld [smem:$0x3FD9]  }
0x89: {  	s3 =	sld [smem:$0x3FFE];
	_ =	sdelay $0x1  }
0x8a: {  	s1 =	srdreg.scid  }
0x8b: {  	s0 =	sand.u32 $0x1, s1  }
0x8c: {  	s16 =	sshll.u32 s0, $0xA;
	s2 =	sadd.s32 s3, s2  }
0x8d: {  	s2 =	sadd.s32 s2, s16  }
0x8e: {  	[smem:$0x3FBB] =	sst s2  }
0x8f: {  	_ = 	snop  }
0x90: {  	(tm) =	ssettm $0x1  }
0x91: {  	s17 =	sld [smem:$0x3FFB];
	_ =	sdelay $0x3  }
0x92: {  	_ =	strace s17  }
0x93: {  	s2 =	sld [smem:$0x3FFC];
	_ =	sdelay $0x3  }
0x94: {  	_ =	strace s2  }
0x95: {  	s2 =	sld [smem:$0x3FFD];
	_ =	sdelay $0x3  }
0x96: {  	_ =	strace s2  }
0x97: {  	_ =	strace $0x8FFFFFFF  }
0x98: {  	s18 =	sld [smem:$0x3FDB];
	_ =	sdelay $0x1  }
0x99: {  	s19 =	simm.s32 $_scs_section_size  }
0x9a: {  	s4 =	simm.s32 $_size__tile_overlayer_lowered;
	s5 =	simm.s32 $_tile_overlayer_lowered  }
0x9b: {  	s22 =	simm.s32 $0x1BFF;
	s21 =	sshll.u32 s5, $0x1;
	s2 =	sadd.s32 s19, s18  }
0x9c: {  	s6 =	simm.s32 $0x0;
	s20 =	sshll.u32 s4, $0x1;
	s4 =	sadd.s32 s21, s2  }
0x9d: {  	[timem:s6], [sflag:s22] =	dma.local [hbm:s4], s20  }
0x9e: {  	_ =	swait.ge [sflag:s22], s20  }
0x9f: {  	s3 =	ssub.s32 $0x0, s20;
	[sflag:s22] =	ssyncset.done $0x0  }
0xa0: {  	[sflag:s22] =	ssyncadd.s32 s3;
	_ =	sdelay $0x1  }
0xa1: {  	s23 =	simm.s32 $0x1B8B  }
0xa2: {  	_ =	swait.ge [sflag:s23], $0x1  }
0xa3: {  	[sflag:s23] =	ssyncset.done $0x0  }
0xa4: {  	s25 =	simm.s32 $0x1B8E;
	s24 =	sld [smem:$0x3FFE];
	[sflag:s23] =	ssyncadd.s32 $0xFFFFFFFF  }
0xa5: {  	s26 =	simm.s32 $execute0_lowered;
	[smem:$0x3FD2] =	sst s25  }
0xa6: {  	s4 =	sshll.u32 s26, $0x1;
	_ =	strace $0x80000049;
	[dreg:$0x1] =	wrdreg $0xFFFFFFFF  }
0xa7: {  	s28 =	simm.s32 $_size_execute0_lowered;
	s2 =	sadd.s32 s2, s4;
	[dreg:$0x0] =	wrdreg $0x0  }
0xa8: {  	s4 =	sshll.u32 s28, $0x1;
	[dreg:$0x2] =	wrdreg s2  }
0xa9: {  	[dreg:$0x3] =	wrdreg s4  }
0xaa: {  	[dreg:$0x4] =	wrdreg $0xC0  }
0xab: {  	_ =	task [dreg:s6], $0x5FFFF  }
0xac: {  	[dreg:$0x1] =	wrdreg $0xFFFFFFFF  }
0xad: {  	[dreg:$0x0] =	wrdreg $0x60  }
0xae: {  	[dreg:$0x2] =	wrdreg s24  }
0xaf: {  	[dreg:$0x3] =	wrdreg $0x9  }
0xb0: {  	_ =	task.clear_ibuf [dreg:s6], $0x4FFFF;
	_ =	strace $0x90000049  }
0xb1: {  	s29 =	simm.s32 $0x9;
	_ =	strace $0x8000004B  }
0xb2: {  	_ =	swait.ge [sflag:s29], $0x1  }
0xb3: {  	[sflag:s29] =	ssyncadd.s32 $0xFFFFFFFF  }
0xb4: {  	_ =	strace $0x9000004B  }
0xb5: {  	_ =	sfence  }
0xb6: {  	s30 =	sld [smem:$0x0];
	_ =	sdelay $0x2  }
0xb7: {  	s31 =	sshll.u32 s1, $0xD;
	s1 =	sshrl.u32 s1, $0x2  }
0xb8: {  	s3 =	sand.u32 $0x4000, s31;
	s1 =	sadd.s32 s1, s30  }
0xb9: {  	s0 =	sor.u32 s3, s0;
	s1 =	sshll.u32 s1, $0x11  }
0xba: {  	s0 =	sor.u32 s1, s0  }
0xbb: {  	s0 =	sadd.s32 $0x8F2B, s0  }
0xbc: {  	[sflag:s0] =	ssyncadd.remote.s32 $0x1  }
0xbd: {  	_ =	sfence.sel $0xFFFF  }
0xbe: {  	[dreg:$0x0] =	wrdreg $0xFFFFFFFF;
	(pc) =	sbr.abs _section_cstart, $3  }
0xbf: {  	[dreg:$0x1] =	wrdreg $0xFFFFFFFF  }
0xc0: {  	_ =	task.clear_ibuf [dreg:s6], $0x2FFFF;
	_ =	strace $0x9FFFFFFF  }
0xc1: {  	(tm) =	ssettm $0x7FFFFFFF  }
tec
execute0_lowered:
.L_overlay_start_1:
0x0: {  	(tag) =	ssettag $0x1  }
0x1: {  	s1 =	srdreg.scid  }
0x2: {  	s0 =	stileid.u32;
	s4 =	rddreg [dreg:$0x0]  }
0x3: {  	s2 =	simm.s32 $0x0;
	s14 =	simm.s32 $0x1400;
	s15 =	simm.s32 $0x2800  }
0x4: {  	s16 =	simm.s32 $0x50;
	s17 =	simm.s32 $0x3C00;
	s18 =	simm.s32 $0x78  }
0x5: {  	s19 =	simm.s32 $0x5000;
	s20 =	simm.s32 $0xA0;
	s21 =	simm.s32 $0x6400  }
0x6: {  	s22 =	simm.s32 $0x1;
	s23 =	simm.s32 $0x2;
	s24 =	simm.s32 $0x3  }
0x7: {  	s25 =	simm.s32 $0x4;
	s28 =	simm.s32 $0x0;
	s6 =	sand.u32 $0x1, s1  }
0x8: {  	s26 =	sshll.u32 s0, $0x1;
	[smem:$0x7FF] =	sst s2;
	s30 =	smul.u32 $0x27100, s0  }
0x9: {  	s9 =	sadd.s32 $0x58000, s4;
	s3 =	sor.u32 s6, s26;
	s12 =	smul.u32 $0x13880, s6  }
0xa: {  	_ =	strace $0x8000004A;
	s8 =	ssub.s32 $0x2, s6;
	s5 =	smul.u32 $0x1388, s3  }
0xb: {  	s26 =	simm.s32 $0x5;
	s7 =	smul.u32 $0x9C400, s3;
	s29 =	sshrl.u32 s8, $0x1  }
0xc: {  	s3 =	sadd.s32 $0x2A00, s4;
	s13 =	sadd.s32 s30, s9;
	s10 =	ssub.s32 s8, s29  }
0xd: {  	s31 =	sadd.s32 s12, s13;
	s12 =	simm.s32 $0x6;
	s5 =	sshrl.u32 s5, $0x3  }
0xe: {  	s13 =	simm.s32 $0x28;
	s7 =	sshrl.u32 s7, $0x3;
	s5 =	sadd.s32 s5, s4  }
0xf: {  	s10 =	smax.u32 s10, $0x1;
	s11 =	sadd.s32 s9, s7;
	s4 =	sadd.s32 $0x53000, s5  }
0x10: {  	s5 =	sadd.s32 $0x12C00, s11;
	s6 =	sadd.s32 $0x12E80, s11;
	s7 =	sadd.s32 $0x13100, s11  }
0x11: {  	s8 =	sadd.s32 $0x13380, s11;
	s9 =	sadd.s32 $0x13600, s11;
	s11 =	sadd.s32 $0xA00, s31  }
.LBB2_1:
0x12: {  	[tilespmem:s2], [sflag:$0x6] =	stream.linear.gather [hbm4b:s4+s2], $0x1388, $0x38;
	[tilespmem:$0x7800] =	vst v63  }
0x13: {  	_ =	swait.ge [sflag:s12], $0x1388  }
0x14: {  	[sflag:s12] =	ssyncset.done $0x0  }
0x15: {  	[sflag:s12] =	ssyncadd.s32 $0xFFFFEC78  }
0x16: {  	[tilespmem:s14], [sflag:$0x1] =	stream.indirect.gather [hbm4b:s3+s13], $0x80, s2, s13, $0xb8;
	[tilespmem:$0x7800] =	vst v63  }
0x17: {  	_ = 	snop  }
0x18: {  	[tilespmem:s15], [sflag:$0x2] =	stream.indirect.gather [hbm4b:s3+s13], $0x80, s13, s13, $0xb8;
	[tilespmem:$0x7800] =	vst v63  }
0x19: {  	_ = 	snop  }
0x1a: {  	[tilespmem:s17], [sflag:$0x3] =	stream.indirect.gather [hbm4b:s3+s13], $0x80, s16, s13, $0xb8;
	[tilespmem:$0x7800] =	vst v63  }
0x1b: {  	_ = 	snop  }
0x1c: {  	[tilespmem:s19], [sflag:$0x4] =	stream.indirect.gather [hbm4b:s3+s13], $0x80, s18, s13, $0xb8;
	[tilespmem:$0x7800] =	vst v63  }
0x1d: {  	_ = 	snop  }
0x1e: {  	[tilespmem:s21], [sflag:$0x5] =	stream.indirect.gather [hbm4b:s3+s13], $0x80, s20, s13, $0xb8;
	[tilespmem:$0x7800] =	vst v63  }
0x1f: {  	_ =	swait.ge [sflag:s22], $0x1400  }
0x20: {  	[sflag:s22] =	ssyncset.done $0x0  }
0x21: {  	s29 =	sadd.s32 $0xFFFFF600, s11;
	[sflag:s22] =	ssyncadd.s32 $0xFFFFEC00  }
0x22: {  	[hbm4b:s29+s2] =	stream.linear.scatter [tilespmem:s14], [sflag:$0x6], $0x1400, $0x38;
	[tilespmem:$0x7800] =	vst v63  }
0x23: {  	_ =	swait.ge [sflag:s12], $0x1400  }
0x24: {  	[sflag:s12] =	ssyncset.done $0x0  }
0x25: {  	s29 =	simm.s32 $0xC8;
	[sflag:s12] =	ssyncadd.s32 $0xFFFFEC00  }
0x26: {  	[tilespmem:s14], [sflag:$0x1] =	stream.indirect.gather [hbm4b:s3+s13], $0x80, s29, s13, $0xb8;
	[tilespmem:$0x7800] =	vst v63  }
0x27: {  	_ =	swait.ge [sflag:s23], $0x1400  }
0x28: {  	[sflag:s23] =	ssyncset.done $0x0  }
0x29: {  	s29 =	sadd.s32 $0xFFFFF880, s11;
	[sflag:s23] =	ssyncadd.s32 $0xFFFFEC00  }
0x2a: {  	[hbm4b:s29+s2] =	stream.linear.scatter [tilespmem:s15], [sflag:$0x6], $0x1400, $0x38;
	[tilespmem:$0x7800] =	vst v63  }
0x2b: {  	_ =	swait.ge [sflag:s12], $0x1400  }
0x2c: {  	[sflag:s12] =	ssyncset.done $0x0  }
0x2d: {  	s29 =	simm.s32 $0xF0;
	[sflag:s12] =	ssyncadd.s32 $0xFFFFEC00  }
0x2e: {  	[tilespmem:s15], [sflag:$0x2] =	stream.indirect.gather [hbm4b:s3+s13], $0x80, s29, s13, $0xb8;
	[tilespmem:$0x7800] =	vst v63  }
0x2f: {  	_ =	swait.ge [sflag:s24], $0x1400  }
0x30: {  	[sflag:s24] =	ssyncset.done $0x0  }
0x31: {  	s29 =	sadd.s32 $0xFFFFFB00, s11;
	[sflag:s24] =	ssyncadd.s32 $0xFFFFEC00  }
0x32: {  	[hbm4b:s29+s2] =	stream.linear.scatter [tilespmem:s17], [sflag:$0x6], $0x1400, $0x38;
	[tilespmem:$0x7800] =	vst v63  }
0x33: {  	_ =	swait.ge [sflag:s12], $0x1400  }
0x34: {  	[sflag:s12] =	ssyncset.done $0x0  }
0x35: {  	s29 =	simm.s32 $0x118;
	[sflag:s12] =	ssyncadd.s32 $0xFFFFEC00  }
0x36: {  	[tilespmem:s17], [sflag:$0x3] =	stream.indirect.gather [hbm4b:s3+s13], $0x80, s29, s13, $0xb8;
	[tilespmem:$0x7800] =	vst v63  }
0x37: {  	_ =	swait.ge [sflag:s25], $0x1400  }
0x38: {  	[sflag:s25] =	ssyncset.done $0x0  }
0x39: {  	s29 =	sadd.s32 $0xFFFFFD80, s11;
	[sflag:s25] =	ssyncadd.s32 $0xFFFFEC00  }
0x3a: {  	[hbm4b:s29+s2] =	stream.linear.scatter [tilespmem:s19], [sflag:$0x6], $0x1400, $0x38;
	[tilespmem:$0x7800] =	vst v63  }
0x3b: {  	_ =	swait.ge [sflag:s12], $0x1400  }
0x3c: {  	[sflag:s12] =	ssyncset.done $0x0  }
0x3d: {  	s29 =	simm.s32 $0x140;
	[sflag:s12] =	ssyncadd.s32 $0xFFFFEC00  }
0x3e: {  	[tilespmem:s19], [sflag:$0x4] =	stream.indirect.gather [hbm4b:s3+s13], $0x80, s29, s13, $0xb8;
	[tilespmem:$0x7800] =	vst v63  }
0x3f: {  	_ =	swait.ge [sflag:s26], $0x1400  }
0x40: {  	[sflag:s26] =	ssyncset.done $0x0  }
0x41: {  	[sflag:s26] =	ssyncadd.s32 $0xFFFFEC00  }
0x42: {  	[hbm4b:s11+s2] =	stream.linear.scatter [tilespmem:s21], [sflag:$0x6], $0x1400, $0x38;
	[tilespmem:$0x7800] =	vst v63  }
0x43: {  	_ =	swait.ge [sflag:s12], $0x1400  }
0x44: {  	s31 =	simm.s32 $0x168;
	[sflag:s12] =	ssyncset.done $0x0  }
0x45: {  	s30 =	sadd.s32 $0xC80, s11;
	s29 =	simm.s32 $0x320;
	[sflag:s12] =	ssyncadd.s32 $0xFFFFEC00  }
.LBB2_2:
0x46: {  	[tilespmem:s21], [sflag:$0x5] =	stream.indirect.gather [hbm4b:s3+s13], $0x80, s31, s13, $0xb8;
	[tilespmem:$0x7800] =	vst v63  }
0x47: {  	s31 =	smov.u32 s29  }
0x48: {  	p0 =	sne.s32 s29, $0x47E0;
	s29 =	sadd.s32 $0x320, s29;
	_ =	swait.ge [sflag:s22], $0x1400  }
0x49: {  	[sflag:s22] =	ssyncset.done $0x0  }
0x4a: {  	s1 =	sadd.s32 $0xFFFFF600, s30;
	[sflag:s22] =	ssyncadd.s32 $0xFFFFEC00  }
0x4b: {  	[hbm4b:s1+s2] =	stream.linear.scatter [tilespmem:s14], [sflag:$0x6], $0x1400, $0x38;
	[tilespmem:$0x7800] =	vst v63  }
0x4c: {  	_ =	swait.ge [sflag:s12], $0x1400  }
0x4d: {  	s31 =	sshra.s32 s31, $0x2;
	[sflag:s12] =	ssyncset.done $0x0  }
0x4e: {  	s1 =	sadd.s32 $0xC8, s31;
	[sflag:s12] =	ssyncadd.s32 $0xFFFFEC00  }
0x4f: {  	[tilespmem:s14], [sflag:$0x1] =	stream.indirect.gather [hbm4b:s3+s13], $0x80, s1, s13, $0xb8;
	[tilespmem:$0x7800] =	vst v63  }
0x50: {  	_ =	swait.ge [sflag:s23], $0x1400  }
0x51: {  	[sflag:s23] =	ssyncset.done $0x0  }
0x52: {  	s1 =	sadd.s32 $0xFFFFF880, s30;
	[sflag:s23] =	ssyncadd.s32 $0xFFFFEC00  }
0x53: {  	[hbm4b:s1+s2] =	stream.linear.scatter [tilespmem:s15], [sflag:$0x6], $0x1400, $0x38;
	[tilespmem:$0x7800] =	vst v63  }
0x54: {  	_ =	swait.ge [sflag:s12], $0x1400  }
0x55: {  	[sflag:s12] =	ssyncset.done $0x0  }
0x56: {  	s1 =	sadd.s32 $0xF0, s31;
	[sflag:s12] =	ssyncadd.s32 $0xFFFFEC00  }
0x57: {  	[tilespmem:s15], [sflag:$0x2] =	stream.indirect.gather [hbm4b:s3+s13], $0x80, s1, s13, $0xb8;
	[tilespmem:$0x7800] =	vst v63  }
0x58: {  	_ =	swait.ge [sflag:s24], $0x1400  }
0x59: {  	[sflag:s24] =	ssyncset.done $0x0  }
0x5a: {  	s1 =	sadd.s32 $0xFFFFFB00, s30;
	[sflag:s24] =	ssyncadd.s32 $0xFFFFEC00  }
0x5b: {  	[hbm4b:s1+s2] =	stream.linear.scatter [tilespmem:s17], [sflag:$0x6], $0x1400, $0x38;
	[tilespmem:$0x7800] =	vst v63  }
0x5c: {  	_ =	swait.ge [sflag:s12], $0x1400  }
0x5d: {  	[sflag:s12] =	ssyncset.done $0x0  }
0x5e: {  	s1 =	sadd.s32 $0x118, s31;
	[sflag:s12] =	ssyncadd.s32 $0xFFFFEC00  }
0x5f: {  	[tilespmem:s17], [sflag:$0x3] =	stream.indirect.gather [hbm4b:s3+s13], $0x80, s1, s13, $0xb8;
	[tilespmem:$0x7800] =	vst v63  }
0x60: {  	_ =	swait.ge [sflag:s25], $0x1400  }
0x61: {  	[sflag:s25] =	ssyncset.done $0x0  }
0x62: {  	s1 =	sadd.s32 $0xFFFFFD80, s30;
	[sflag:s25] =	ssyncadd.s32 $0xFFFFEC00  }
0x63: {  	[hbm4b:s1+s2] =	stream.linear.scatter [tilespmem:s19], [sflag:$0x6], $0x1400, $0x38;
	[tilespmem:$0x7800] =	vst v63  }
0x64: {  	_ =	swait.ge [sflag:s12], $0x1400  }
0x65: {  	[sflag:s12] =	ssyncset.done $0x0  }
0x66: {  	s1 =	sadd.s32 $0x140, s31;
	[sflag:s12] =	ssyncadd.s32 $0xFFFFEC00  }
0x67: {  	[tilespmem:s19], [sflag:$0x4] =	stream.indirect.gather [hbm4b:s3+s13], $0x80, s1, s13, $0xb8;
	[tilespmem:$0x7800] =	vst v63  }
0x68: {  	_ =	swait.ge [sflag:s26], $0x1400  }
0x69: {  	[sflag:s26] =	ssyncset.done $0x0  }
.Ltmp0:
0x6a: {  	[sflag:s26] =	ssyncadd.s32 $0xFFFFEC00;
	(pc) =	sbr.rel @p0 .LBB2_2-.Ltmp0, $4  }
0x6b: {  	[hbm4b:s30+s2] =	stream.linear.scatter [tilespmem:s21], [sflag:$0x6], $0x1400, $0x38;
	[tilespmem:$0x7800] =	vst v63  }
0x6c: {  	_ =	swait.ge [sflag:s12], $0x1400  }
0x6d: {  	[sflag:s12] =	ssyncset.done $0x0  }
0x6e: {  	s31 =	sadd.s32 $0x168, s31;
	s30 =	sadd.s32 $0xC80, s30;
	[sflag:s12] =	ssyncadd.s32 $0xFFFFEC00  }
0x6f: {  	[tilespmem:s21], [sflag:$0x5] =	stream.indirect.gather [hbm4b:s3+s13], $0x80, s31, s13, $0xb8;
	[tilespmem:$0x7800] =	vst v63  }
0x70: {  	_ =	swait.ge [sflag:s22], $0x1400  }
0x71: {  	[sflag:s22] =	ssyncset.done $0x0  }
0x72: {  	[sflag:s22] =	ssyncadd.s32 $0xFFFFEC00  }
0x73: {  	[hbm4b:s5+s2] =	stream.linear.scatter [tilespmem:s14], [sflag:$0x6], $0x1400, $0x38;
	[tilespmem:$0x7800] =	vst v63  }
0x74: {  	_ =	swait.ge [sflag:s12], $0x1400  }
0x75: {  	[sflag:s12] =	ssyncset.done $0x0  }
0x76: {  	[sflag:s12] =	ssyncadd.s32 $0xFFFFEC00  }
0x77: {  	_ =	swait.ge [sflag:s23], $0x1400  }
0x78: {  	[sflag:s23] =	ssyncset.done $0x0  }
0x79: {  	[sflag:s23] =	ssyncadd.s32 $0xFFFFEC00  }
0x7a: {  	[hbm4b:s6+s2] =	stream.linear.scatter [tilespmem:s15], [sflag:$0x6], $0x1400, $0x38;
	[tilespmem:$0x7800] =	vst v63  }
0x7b: {  	_ =	swait.ge [sflag:s12], $0x1400  }
0x7c: {  	[sflag:s12] =	ssyncset.done $0x0  }
0x7d: {  	[sflag:s12] =	ssyncadd.s32 $0xFFFFEC00  }
0x7e: {  	_ =	swait.ge [sflag:s24], $0x1400  }
0x7f: {  	[sflag:s24] =	ssyncset.done $0x0  }
0x80: {  	[sflag:s24] =	ssyncadd.s32 $0xFFFFEC00  }
0x81: {  	[hbm4b:s7+s2] =	stream.linear.scatter [tilespmem:s17], [sflag:$0x6], $0x1400, $0x38;
	[tilespmem:$0x7800] =	vst v63  }
0x82: {  	_ =	swait.ge [sflag:s12], $0x1400  }
0x83: {  	[sflag:s12] =	ssyncset.done $0x0  }
0x84: {  	[sflag:s12] =	ssyncadd.s32 $0xFFFFEC00  }
0x85: {  	_ =	swait.ge [sflag:s25], $0x1400  }
0x86: {  	[sflag:s25] =	ssyncset.done $0x0  }
0x87: {  	[sflag:s25] =	ssyncadd.s32 $0xFFFFEC00  }
0x88: {  	[hbm4b:s8+s2] =	stream.linear.scatter [tilespmem:s19], [sflag:$0x6], $0x1400, $0x38;
	[tilespmem:$0x7800] =	vst v63  }
0x89: {  	_ =	swait.ge [sflag:s12], $0x1400  }
0x8a: {  	[sflag:s12] =	ssyncset.done $0x0  }
0x8b: {  	[sflag:s12] =	ssyncadd.s32 $0xFFFFEC00  }
0x8c: {  	s28 =	sadd.s32 $0x1, s28;
	_ =	swait.ge [sflag:s26], $0x1400  }
0x8d: {  	p0 =	sne.s32 s28, s10;
	[sflag:s26] =	ssyncset.done $0x0  }
.Ltmp1:
0x8e: {  	[sflag:s26] =	ssyncadd.s32 $0xFFFFEC00;
	(pc) =	sbr.rel @p0 .LBB2_1-.Ltmp1, $4  }
0x8f: {  	[hbm4b:s9+s2] =	stream.linear.scatter [tilespmem:s21], [sflag:$0x6], $0x1400, $0x38;
	[tilespmem:$0x7800] =	vst v63  }
0x90: {  	_ =	swait.ge [sflag:s12], $0x1400  }
0x91: {  	[sflag:s12] =	ssyncset.done $0x0  }
0x92: {  	[sflag:s12] =	ssyncadd.s32 $0xFFFFEC00  }
0x93: {  	_ =	sfence.sel $0x180000  }
0x94: {  	[bflag:$0x0] =	sbarrier.arrive $0xFFFF  }
0x95: {  	_ =	strace $0x9000004A  }
0x96: {  	[bflag:$0x2] =	sbarrier.arrive $0xFFFF  }
0x97: {  	p0 =	sne.s32 s0, $0x0;
	s0 =	rddreg [dreg:$0x1]  }
0x98: {  	s0 =	sadd.s32 @!p0 $0x100000, s0  }
0x99: {  	[sflag:s0] =	ssyncadd.tile.s32 @!p0 $0x1;
	_ =	shalt  }
.Lfunc_end2:
_tile_overlayer_lowered:
.L_overlay_start_2:
0x9a: {  	(tag) =	ssettag $0x2  }
0x9b: {  	s0 =	rddreg [dreg:$0x0];
	s2 =	stileid.u32  }
0x9c: {  	s1 =	rddreg [dreg:$0x1];
	p0 =	sne.s32 s2, $0x0  }
0x9d: {  	s3 =	rddreg [dreg:$0x2];
	[bflag:$0x3] =	sbarrier.arrive $0xFFFF;
	s2 =	simm.s32 @!p0 $0x1C06  }
0x9e: {  	[timem:s3], [sflag:s2] =	dma.local @!p0 [hbm:s0], s1  }
0x9f: {  	s0 =	simm.s32 @!p0 $0x6  }
0xa0: {  	_ =	swait.ge @!p0 [sflag:s0], s1  }
0xa1: {  	s1 =	ssub.s32 @!p0 $0x0, s1;
	[sflag:s0] =	ssyncset.done @!p0 $0x0  }
0xa2: {  	[sflag:s0] =	ssyncadd.s32 @!p0 s1  }
0xa3: {  	[bflag:$0x3] =	sbarrier.arrive $0xFFFF  }
0xa4: {  	_ =	shalt  }

// kernel: kernel.7.cloned.1.call-start
scs
__scs_entry_jumppad:
0x0: {  	(pc) =	sbr.rel $0x88, $3  }
0x1: {  	(tag) =	ssettag $0x0;
	lr =	simm.s32 $0x1  }
0x2: {  	[smem:$0x3F94] =	sst lr;
	_ =	strace $0xD0000000  }
0x3: {  	_ = 	snop  }
0x4: {  	_ = 	snop  }
0x5: {  	_ = 	snop  }
0x6: {  	_ = 	snop  }
0x7: {  	_ = 	snop  }
__scs_overlays_trampoline_lowered:
0x8: {  	[smem:$0x3FA3] =	sst s0  }
0x9: {  	[smem:$0x3FA4] =	sst s1  }
0xa: {  	[smem:$0x3FA5] =	sst s2  }
0xb: {  	[smem:$0x3FA6] =	sst s3  }
0xc: {  	[smem:$0x3FA7] =	sst s4  }
0xd: {  	[smem:$0x3FA8] =	sst s5  }
0xe: {  	[smem:$0x3FA9] =	sst s6  }
0xf: {  	[smem:$0x3FAA] =	sst s7  }
0x10: {  	[smem:$0x3FAB] =	sst s8  }
0x11: {  	[smem:$0x3FAC] =	sst s9;
	s0 =	simm.s32 @!p0 $0x0  }
0x12: {  	s1 =	sld [smem:$0x3F92];
	s0 =	simm.s32 @p0 $0x1  }
0x13: {  	[smem:$0x3FAD] =	sst s0;
	s0 =	simm.s32 @!p1 $0x0  }
0x14: {  	s2 =	sld [smem:$0x3F91];
	s0 =	simm.s32 @p1 $0x1  }
0x15: {  	[smem:$0x3FAE] =	sst s0;
	s0 =	simm.s32 @!p2 $0x0  }
0x16: {  	s3 =	sld [smem:$0x3FDB];
	s0 =	simm.s32 @p2 $0x1  }
0x17: {  	s4 =	simm.s32 $0x1BF5;
	[smem:$0x3FB0] =	sst s0  }
0x18: {  	s0 =	sld [smem:$0x3F93];
	_ =	swait.ge [sflag:s4], $0x0  }
0x19: {  	s7 =	sld [smem:$0x3F94]  }
0x1a: {  	s8 =	sadd.s32 $0xFFFFE003, lr  }
0x1b: {  	s9 =	sadd.s32 $0xFFFFFEF7, lr;
	s5 =	simm.s32 $0xFFFFFFFF;
	p2 =	slt.u32 s8, $0xFFFFF086  }
0x1c: {  	p1 =	slt.u32 s9, $0xF7A;
	s5 =	simm.s32 @!p2 $0x0  }
0x1d: {  	s5 =	simm.s32 @p1 $0x1;
	p0 =	seq.s32 s7, s2  }
0x1e: {  	s7 =	smul.u32 @!p0 $0xF7A, s2;
	p2 =	seq.s32 @!p0 s5, $0x0  }
0x1f: {  	s9 =	smul.u32 $0xF7A, s1;
	s8 =	simm.s32 @!p0 $0x1BF5;
	p2 =	por !p2, p0  }
0x20: {  	[sflag:s8] =	ssyncset.s32 @!p0 $0xFFFFF086;
	s6 =	sadd.s32 @!p0 s3, s7;
	s7 =	simm.s32 @!p0 $0x108  }
0x21: {  	s3 =	sadd.s32 s3, s9;
	s6 =	sadd.s32 @!p0 $0x88, s6;
	s7 =	simm.s32 @p2 $0x1082  }
0x22: {  	[simem:s7], [sflag:s8] =	dma.local @!p0 [hbm:s6], $0xF7A  }
0x23: {  	s9 =	sor.u32 $0xD0000000, s2;
	s6 =	simm.s32 $0x108;
	_ =	swait.ge @!p0 [sflag:s8], $0x0  }
0x24: {  	s3 =	sadd.s32 $0x88, s3;
	s6 =	simm.s32 @!p1 $0x1082;
	[sflag:s4] =	ssyncset.s32 $0xFFFFF086  }
0x25: {  	[simem:s6], [sflag:s4] =	dma.local [hbm:s3], $0xF7A  }
0x26: {  	[smem:$0x3F94] =	sst s1;
	(tag) =	ssettag s2;
	_ =	strace s9  }
0x27: {  	s1 =	sld [smem:$0x3FA4]  }
0x28: {  	s2 =	sld [smem:$0x3FA5]  }
0x29: {  	s4 =	sld [smem:$0x3FA7]  }
0x2a: {  	p0 =	seq.s32 s5, $0x0;
	s5 =	sld [smem:$0x3FA8]  }
0x2b: {  	s6 =	sld [smem:$0x3FA9]  }
0x2c: {  	s7 =	sld [smem:$0x3FAA]  }
0x2d: {  	s3 =	simm.s32 $0x108;
	s8 =	sld [smem:$0x3FAB]  }
0x2e: {  	s3 =	simm.s32 @!p0 $0x1082;
	s9 =	sld [smem:$0x3FAC]  }
0x2f: {  	lr =	sadd.s32 s0, s3;
	s0 =	sld [smem:$0x3FA3]  }
0x30: {  	s3 =	sld [smem:$0x3FA6]  }
0x31: {  	[smem:$0x3FAF] =	sst s10  }
0x32: {  	s10 =	sld [smem:$0x3FAD];
	_ =	sdelay $0x3  }
0x33: {  	p0 =	seq.s32 s10, $0x1;
	s10 =	sld [smem:$0x3FAF];
	_ =	sdelay $0x3  }
0x34: {  	[smem:$0x3FAF] =	sst s10  }
0x35: {  	s10 =	sld [smem:$0x3FAE];
	_ =	sdelay $0x3  }
0x36: {  	p1 =	seq.s32 s10, $0x1;
	s10 =	sld [smem:$0x3FAF];
	_ =	sdelay $0x3  }
0x37: {  	[smem:$0x3FAF] =	sst s10  }
0x38: {  	s10 =	sld [smem:$0x3FB0]  }
0x39: {  	_ = 	snop;
	(pc) =	sbr.ind lr, $3  }
0x3a: {  	_ = 	snop  }
0x3b: {  	_ = 	snop  }
0x3c: {  	p2 =	seq.s32 s10, $0x1;
	s10 =	sld [smem:$0x3FAF]  }
0x3d: {  	_ =	shalt  }
0x3e: {  	_ =	shalt  }
0x3f: {  	_ =	shalt  }
0x40: {  	_ =	shalt  }
0x41: {  	_ =	shalt  }
0x42: {  	_ =	shalt  }
0x43: {  	_ =	shalt  }
0x44: {  	_ =	shalt  }
0x45: {  	_ =	shalt  }
0x46: {  	_ =	shalt  }
0x47: {  	_ =	shalt  }
0x48: {  	_ =	shalt  }
0x49: {  	_ =	shalt  }
0x4a: {  	_ =	shalt  }
0x4b: {  	_ =	shalt  }
0x4c: {  	_ =	shalt  }
0x4d: {  	_ =	shalt  }
0x4e: {  	_ =	shalt  }
0x4f: {  	_ =	shalt  }
0x50: {  	_ =	shalt  }
0x51: {  	_ =	shalt  }
0x52: {  	_ =	shalt  }
0x53: {  	_ =	shalt  }
0x54: {  	_ =	shalt  }
0x55: {  	_ =	shalt  }
0x56: {  	_ =	shalt  }
0x57: {  	_ =	shalt  }
0x58: {  	_ =	shalt  }
0x59: {  	_ =	shalt  }
0x5a: {  	_ =	shalt  }
0x5b: {  	_ =	shalt  }
0x5c: {  	_ =	shalt  }
0x5d: {  	_ =	shalt  }
0x5e: {  	_ =	shalt  }
0x5f: {  	_ =	shalt  }
0x60: {  	_ =	shalt  }
0x61: {  	_ =	shalt  }
0x62: {  	_ =	shalt  }
0x63: {  	_ =	shalt  }
0x64: {  	_ =	shalt  }
0x65: {  	_ =	shalt  }
0x66: {  	_ =	shalt  }
0x67: {  	_ =	shalt  }
0x68: {  	_ =	shalt  }
0x69: {  	_ =	shalt  }
0x6a: {  	_ =	shalt  }
0x6b: {  	_ =	shalt  }
0x6c: {  	_ =	shalt  }
0x6d: {  	_ =	shalt  }
0x6e: {  	_ =	shalt  }
0x6f: {  	_ =	shalt  }
0x70: {  	_ =	shalt  }
0x71: {  	_ =	shalt  }
0x72: {  	_ =	shalt  }
0x73: {  	_ =	shalt  }
0x74: {  	_ =	shalt  }
0x75: {  	_ =	shalt  }
0x76: {  	_ =	shalt  }
0x77: {  	_ =	shalt  }
0x78: {  	_ =	shalt  }
0x79: {  	_ =	shalt  }
0x7a: {  	_ =	shalt  }
0x7b: {  	_ =	shalt  }
0x7c: {  	_ =	shalt  }
0x7d: {  	_ =	shalt  }
0x7e: {  	_ =	shalt  }
0x7f: {  	_ =	shalt  }
0x80: {  	_ =	shalt  }
0x81: {  	_ =	shalt  }
0x82: {  	_ =	shalt  }
0x83: {  	_ =	shalt  }
0x84: {  	_ =	shalt  }
0x85: {  	_ =	shalt  }
0x86: {  	_ =	shalt  }
0x87: {  	_ =	shalt  }
.Lfunc_end0:
.L_simem_size_0:
called_computation_lowered:
.L_overlay_start_0:
0x88: {  	s2 =	sld [smem:$0x3FD9]  }
0x89: {  	s3 =	sld [smem:$0x3FFE];
	_ =	sdelay $0x1  }
0x8a: {  	s1 =	srdreg.scid  }
0x8b: {  	s0 =	sand.u32 $0x1, s1  }
0x8c: {  	s16 =	sshll.u32 s0, $0xA;
	s2 =	sadd.s32 s3, s2  }
0x8d: {  	s2 =	sadd.s32 s2, s16  }
0x8e: {  	[smem:$0x3FBB] =	sst s2  }
0x8f: {  	_ = 	snop  }
0x90: {  	(tm) =	ssettm $0x1  }
0x91: {  	s17 =	sld [smem:$0x3FFB];
	_ =	sdelay $0x3  }
0x92: {  	_ =	strace s17  }
0x93: {  	s2 =	sld [smem:$0x3FFC];
	_ =	sdelay $0x3  }
0x94: {  	_ =	strace s2  }
0x95: {  	s2 =	sld [smem:$0x3FFD];
	_ =	sdelay $0x3  }
0x96: {  	_ =	strace s2  }
0x97: {  	_ =	strace $0x8FFFFFFF  }
0x98: {  	s18 =	sld [smem:$0x3FDB];
	_ =	sdelay $0x1  }
0x99: {  	s19 =	simm.s32 $_scs_section_size  }
0x9a: {  	s4 =	simm.s32 $_size__tile_overlayer_lowered;
	s5 =	simm.s32 $_tile_overlayer_lowered  }
0x9b: {  	s22 =	simm.s32 $0x1BFF;
	s21 =	sshll.u32 s5, $0x1;
	s2 =	sadd.s32 s19, s18  }
0x9c: {  	s6 =	simm.s32 $0x0;
	s20 =	sshll.u32 s4, $0x1;
	s4 =	sadd.s32 s21, s2  }
0x9d: {  	[timem:s6], [sflag:s22] =	dma.local [hbm:s4], s20  }
0x9e: {  	_ =	swait.ge [sflag:s22], s20  }
0x9f: {  	s3 =	ssub.s32 $0x0, s20;
	[sflag:s22] =	ssyncset.done $0x0  }
0xa0: {  	[sflag:s22] =	ssyncadd.s32 s3;
	_ =	sdelay $0x1  }
0xa1: {  	s23 =	simm.s32 $0x1B8B  }
0xa2: {  	_ =	swait.ge [sflag:s23], $0x1  }
0xa3: {  	[sflag:s23] =	ssyncset.done $0x0  }
0xa4: {  	s25 =	simm.s32 $0x1B8E;
	s24 =	sld [smem:$0x3FFE];
	[sflag:s23] =	ssyncadd.s32 $0xFFFFFFFF  }
0xa5: {  	s26 =	simm.s32 $execute0_lowered;
	[smem:$0x3FD2] =	sst s25  }
0xa6: {  	s4 =	sshll.u32 s26, $0x1;
	_ =	strace $0x80000046;
	[dreg:$0x1] =	wrdreg $0xFFFFFFFF  }
0xa7: {  	s28 =	simm.s32 $_size_execute0_lowered;
	s2 =	sadd.s32 s2, s4;
	[dreg:$0x0] =	wrdreg $0x0  }
0xa8: {  	s4 =	sshll.u32 s28, $0x1;
	[dreg:$0x2] =	wrdreg s2  }
0xa9: {  	[dreg:$0x3] =	wrdreg s4  }
0xaa: {  	[dreg:$0x4] =	wrdreg $0xC0  }
0xab: {  	_ =	task [dreg:s6], $0x5FFFF  }
0xac: {  	[dreg:$0x1] =	wrdreg $0xFFFFFFFF  }
0xad: {  	[dreg:$0x0] =	wrdreg $0x60  }
0xae: {  	[dreg:$0x2] =	wrdreg s24  }
0xaf: {  	[dreg:$0x3] =	wrdreg $0x9  }
0xb0: {  	_ =	task.clear_ibuf [dreg:s6], $0x4FFFF;
	_ =	strace $0x90000046  }
0xb1: {  	s29 =	simm.s32 $0x9;
	_ =	strace $0x80000048  }
0xb2: {  	_ =	swait.ge [sflag:s29], $0x1  }
0xb3: {  	[sflag:s29] =	ssyncadd.s32 $0xFFFFFFFF  }
0xb4: {  	_ =	strace $0x90000048  }
0xb5: {  	_ =	sfence  }
0xb6: {  	s30 =	sld [smem:$0x0];
	_ =	sdelay $0x2  }
0xb7: {  	s31 =	sshll.u32 s1, $0xD;
	s1 =	sshrl.u32 s1, $0x2  }
0xb8: {  	s3 =	sand.u32 $0x4000, s31;
	s1 =	sadd.s32 s1, s30  }
0xb9: {  	s0 =	sor.u32 s3, s0;
	s1 =	sshll.u32 s1, $0x11  }
0xba: {  	s0 =	sor.u32 s1, s0  }
0xbb: {  	s0 =	sadd.s32 $0x8F2B, s0  }
0xbc: {  	[sflag:s0] =	ssyncadd.remote.s32 $0x1  }
0xbd: {  	_ =	sfence.sel $0xFFFF  }
0xbe: {  	[dreg:$0x0] =	wrdreg $0xFFFFFFFF;
	(pc) =	sbr.abs _section_cstart, $3  }
0xbf: {  	[dreg:$0x1] =	wrdreg $0xFFFFFFFF  }
0xc0: {  	_ =	task.clear_ibuf [dreg:s6], $0x2FFFF;
	_ =	strace $0x9FFFFFFF  }
0xc1: {  	(tm) =	ssettm $0x7FFFFFFF  }
tec
execute0_lowered:
.L_overlay_start_1:
0x0: {  	(tag) =	ssettag $0x1  }
0x1: {  	s0 =	srdreg.scid;
	s1 =	stileid.u32  }
0x2: {  	s3 =	rddreg [dreg:$0x0];
	s2 =	simm.s32 $0x0;
	s20 =	simm.s32 $0x180  }
0x3: {  	s18 =	simm.s32 $0x1580;
	s15 =	simm.s32 $0x2980;
	s13 =	simm.s32 $0x3D80  }
0x4: {  	s10 =	simm.s32 $0x5180;
	s28 =	simm.s32 $0xC8;
	s8 =	simm.s32 $0x6580  }
0x5: {  	s29 =	simm.s32 $0xF0;
	s7 =	simm.s32 $0x7980;
	s31 =	simm.s32 $0x118  }
0x6: {  	s30 =	simm.s32 $0x1;
	p0 =	por $0x0, $0x0;
	s19 =	simm.s32 $0x4  }
0x7: {  	s17 =	simm.s32 $0x5;
	s0 =	sand.u32 $0x1, s0;
	s1 =	sshll.u32 s1, $0x1  }
0x8: {  	s14 =	simm.s32 $0x6;
	s12 =	simm.s32 $0x7;
	s1 =	sor.u32 s0, s1  }
0x9: {  	s9 =	simm.s32 $0x8;
	[smem:$0x7FF] =	sst s2;
	s4 =	smul.u32 $0x28, s1  }
0xa: {  	s6 =	sadd.s32 $0x2B000, s3;
	s0 =	ssub.s32 $0x2, s0;
	s5 =	smul.u32 $0x1400, s1  }
0xb: {  	s16 =	sadd.s32 $0x2A00, s3;
	s1 =	smul.u32 $0xA000, s1;
	s25 =	sshrl.u32 s0, $0x1  }
0xc: {  	_ =	strace $0x80000047;
	s0 =	ssub.s32 s0, s25;
	s25 =	simm.s32 $0x78  }
0xd: {  	s4 =	sadd.s32 s4, s3;
	s11 =	sadd.s32 s6, s5;
	s1 =	sshrl.u32 s1, $0x3  }
0xe: {  	s0 =	smax.u32 s0, $0x1;
	s3 =	simm.s32 $0x9;
	s4 =	sadd.s32 $0x2AA00, s4  }
0xf: {  	s21 =	sadd.s32 $0x280, s11;
	s1 =	sadd.s32 s6, s1;
	[dreg:$0x2] =	wrdreg s4  }
0x10: {  	s6 =	simm.s32 $0x8D80;
	p1 =	sne.s32 s0, $0x1;
	[dreg:$0x3] =	wrdreg s21  }
0x11: {  	s22 =	sadd.s32 $0x500, s1;
	s23 =	sadd.s32 $0x780, s1;
	s24 =	sadd.s32 $0xA00, s1  }
.Ltmp0:
0x12: {  	s26 =	sadd.s32 $0xC80, s1;
	[dreg:$0x4] =	wrdreg s22;
	(pc) =	sbr.rel @!p1 .LBB2_3-.Ltmp0, $4  }
0x13: {  	s5 =	sadd.s32 $0xF00, s1;
	s4 =	sadd.s32 $0x1180, s1;
	[dreg:$0x5] =	wrdreg s23  }
0x14: {  	s21 =	simm.s32 $0x28;
	s1 =	sadd.s32 $0xFFFFFFFF, s0;
	[dreg:$0x6] =	wrdreg s24  }
0x15: {  	[dreg:$0x7] =	wrdreg s26;
	s24 =	simm.s32 $0x50;
	s26 =	simm.s32 $0xA0  }
0x16: {  	s23 =	simm.s32 $0x2;
	s22 =	simm.s32 $0x3;
	s0 =	rddreg [dreg:$0x2]  }
0x17: {  	[tilespmem:s2], [sflag:$0x9] =	stream.linear.gather [hbm4b:s0+s2], $0x140, $0x38;
	[tilespmem:$0xA180] =	vst v63  }
0x18: {  	_ =	swait.ge [sflag:s3], $0x140  }
0x19: {  	[sflag:s3] =	ssyncset.done $0x0  }
0x1a: {  	[sflag:s3] =	ssyncadd.s32 $0xFFFFFEC0  }
0x1b: {  	[tilespmem:s20], [sflag:$0x1] =	stream.indirect.gather [hbm4b:s16+s21], $0x80, s2, s21, $0xb8;
	[tilespmem:$0xA180] =	vst v63  }
0x1c: {  	_ = 	snop  }
0x1d: {  	[tilespmem:s18], [sflag:$0x2] =	stream.indirect.gather [hbm4b:s16+s21], $0x80, s21, s21, $0xb8;
	[tilespmem:$0xA180] =	vst v63  }
0x1e: {  	_ = 	snop  }
0x1f: {  	[tilespmem:s15], [sflag:$0x3] =	stream.indirect.gather [hbm4b:s16+s21], $0x80, s24, s21, $0xb8;
	[tilespmem:$0xA180] =	vst v63  }
0x20: {  	_ = 	snop  }
0x21: {  	[tilespmem:s13], [sflag:$0x4] =	stream.indirect.gather [hbm4b:s16+s21], $0x80, s25, s21, $0xb8;
	[tilespmem:$0xA180] =	vst v63  }
0x22: {  	_ = 	snop  }
0x23: {  	[tilespmem:s10], [sflag:$0x5] =	stream.indirect.gather [hbm4b:s16+s21], $0x80, s26, s21, $0xb8;
	[tilespmem:$0xA180] =	vst v63  }
0x24: {  	_ = 	snop  }
0x25: {  	[tilespmem:s8], [sflag:$0x6] =	stream.indirect.gather [hbm4b:s16+s21], $0x80, s28, s21, $0xb8;
	[tilespmem:$0xA180] =	vst v63  }
0x26: {  	_ = 	snop  }
0x27: {  	[tilespmem:s7], [sflag:$0x7] =	stream.indirect.gather [hbm4b:s16+s21], $0x80, s29, s21, $0xb8;
	[tilespmem:$0xA180] =	vst v63  }
0x28: {  	_ = 	snop  }
0x29: {  	[tilespmem:s6], [sflag:$0x8] =	stream.indirect.gather [hbm4b:s16+s21], $0x80, s31, s21, $0xb8;
	[tilespmem:$0xA180] =	vst v63  }
0x2a: {  	_ =	swait.ge [sflag:s30], $0x1400  }
0x2b: {  	[sflag:s30] =	ssyncset.done $0x0  }
0x2c: {  	[sflag:s30] =	ssyncadd.s32 $0xFFFFEC00  }
0x2d: {  	[hbm4b:s11+s2] =	stream.linear.scatter [tilespmem:s20], [sflag:$0x9], $0x1400, $0x38;
	[tilespmem:$0xA180] =	vst v63  }
0x2e: {  	_ =	swait.ge [sflag:s3], $0x1400  }
0x2f: {  	[sflag:s3] =	ssyncset.done $0x0  }
0x30: {  	[sflag:s3] =	ssyncadd.s32 $0xFFFFEC00  }
0x31: {  	_ =	swait.ge [sflag:s23], $0x1400  }
0x32: {  	[sflag:s23] =	ssyncset.done $0x0  }
0x33: {  	s0 =	rddreg [dreg:$0x3];
	[sflag:s23] =	ssyncadd.s32 $0xFFFFEC00  }
0x34: {  	[hbm4b:s0+s2] =	stream.linear.scatter [tilespmem:s18], [sflag:$0x9], $0x1400, $0x38;
	[tilespmem:$0xA180] =	vst v63  }
0x35: {  	_ =	swait.ge [sflag:s3], $0x1400  }
0x36: {  	[sflag:s3] =	ssyncset.done $0x0  }
0x37: {  	[sflag:s3] =	ssyncadd.s32 $0xFFFFEC00  }
0x38: {  	_ =	swait.ge [sflag:s22], $0x1400  }
0x39: {  	[sflag:s22] =	ssyncset.done $0x0  }
0x3a: {  	s0 =	rddreg [dreg:$0x4];
	[sflag:s22] =	ssyncadd.s32 $0xFFFFEC00  }
0x3b: {  	[hbm4b:s0+s2] =	stream.linear.scatter [tilespmem:s15], [sflag:$0x9], $0x1400, $0x38;
	[tilespmem:$0xA180] =	vst v63  }
0x3c: {  	_ =	swait.ge [sflag:s3], $0x1400  }
0x3d: {  	[sflag:s3] =	ssyncset.done $0x0  }
0x3e: {  	[sflag:s3] =	ssyncadd.s32 $0xFFFFEC00  }
0x3f: {  	_ =	swait.ge [sflag:s19], $0x1400  }
0x40: {  	[sflag:s19] =	ssyncset.done $0x0  }
0x41: {  	s0 =	rddreg [dreg:$0x5];
	[sflag:s19] =	ssyncadd.s32 $0xFFFFEC00  }
0x42: {  	[hbm4b:s0+s2] =	stream.linear.scatter [tilespmem:s13], [sflag:$0x9], $0x1400, $0x38;
	[tilespmem:$0xA180] =	vst v63  }
0x43: {  	_ =	swait.ge [sflag:s3], $0x1400  }
0x44: {  	[sflag:s3] =	ssyncset.done $0x0  }
0x45: {  	[sflag:s3] =	ssyncadd.s32 $0xFFFFEC00  }
0x46: {  	_ =	swait.ge [sflag:s17], $0x1400  }
0x47: {  	[sflag:s17] =	ssyncset.done $0x0  }
0x48: {  	s0 =	rddreg [dreg:$0x6];
	[sflag:s17] =	ssyncadd.s32 $0xFFFFEC00  }
0x49: {  	[hbm4b:s0+s2] =	stream.linear.scatter [tilespmem:s10], [sflag:$0x9], $0x1400, $0x38;
	[tilespmem:$0xA180] =	vst v63  }
0x4a: {  	_ =	swait.ge [sflag:s3], $0x1400  }
0x4b: {  	[sflag:s3] =	ssyncset.done $0x0  }
0x4c: {  	[sflag:s3] =	ssyncadd.s32 $0xFFFFEC00  }
0x4d: {  	_ =	swait.ge [sflag:s14], $0x1400  }
0x4e: {  	[sflag:s14] =	ssyncset.done $0x0  }
0x4f: {  	s0 =	rddreg [dreg:$0x7];
	[sflag:s14] =	ssyncadd.s32 $0xFFFFEC00  }
0x50: {  	[hbm4b:s0+s2] =	stream.linear.scatter [tilespmem:s8], [sflag:$0x9], $0x1400, $0x38;
	[tilespmem:$0xA180] =	vst v63  }
0x51: {  	_ =	swait.ge [sflag:s3], $0x1400  }
0x52: {  	[sflag:s3] =	ssyncset.done $0x0  }
0x53: {  	[sflag:s3] =	ssyncadd.s32 $0xFFFFEC00  }
0x54: {  	_ =	swait.ge [sflag:s12], $0x1400  }
0x55: {  	[sflag:s12] =	ssyncset.done $0x0  }
0x56: {  	[sflag:s12] =	ssyncadd.s32 $0xFFFFEC00  }
0x57: {  	[hbm4b:s5+s2] =	stream.linear.scatter [tilespmem:s7], [sflag:$0x9], $0x1400, $0x38;
	[tilespmem:$0xA180] =	vst v63  }
0x58: {  	_ =	swait.ge [sflag:s3], $0x1400  }
0x59: {  	[sflag:s3] =	ssyncset.done $0x0  }
0x5a: {  	[sflag:s3] =	ssyncadd.s32 $0xFFFFEC00  }
0x5b: {  	p1 =	sne.s32 s1, $0x1;
	_ =	swait.ge [sflag:s9], $0x1400  }
.Ltmp1:
0x5c: {  	[sflag:s9] =	ssyncset.done $0x0;
	(pc) =	sbr.rel @!p1 .LBB2_3-.Ltmp1, $4  }
0x5d: {  	[sflag:s9] =	ssyncadd.s32 $0xFFFFEC00  }
0x5e: {  	[hbm4b:s4+s2] =	stream.linear.scatter [tilespmem:s6], [sflag:$0x9], $0x1400, $0x38;
	[tilespmem:$0xA180] =	vst v63  }
0x5f: {  	s1 =	sadd.s32 $0xFFFFFFFF, s1;
	_ =	swait.ge [sflag:s3], $0x1400  }
0x60: {  	p0 =	por $0x1, $0x1;
	s0 =	rddreg [dreg:$0x2];
	[sflag:s3] =	ssyncset.done $0x0  }
.LBB2_2:
0x61: {  	[sflag:s3] =	ssyncadd.s32 $0xFFFFEC00  }
0x62: {  	[tilespmem:s2], [sflag:$0x9] =	stream.linear.gather [hbm4b:s0+s2], $0x140, $0x38;
	[tilespmem:$0xA180] =	vst v63  }
0x63: {  	_ =	swait.ge [sflag:s3], $0x140  }
0x64: {  	[sflag:s3] =	ssyncset.done $0x0  }
0x65: {  	[sflag:s3] =	ssyncadd.s32 $0xFFFFFEC0  }
0x66: {  	[tilespmem:s20], [sflag:$0x1] =	stream.indirect.gather [hbm4b:s16+s21], $0x80, s2, s21, $0xb8;
	[tilespmem:$0xA180] =	vst v63  }
0x67: {  	_ = 	snop  }
0x68: {  	[tilespmem:s18], [sflag:$0x2] =	stream.indirect.gather [hbm4b:s16+s21], $0x80, s21, s21, $0xb8;
	[tilespmem:$0xA180] =	vst v63  }
0x69: {  	_ = 	snop  }
0x6a: {  	[tilespmem:s15], [sflag:$0x3] =	stream.indirect.gather [hbm4b:s16+s21], $0x80, s24, s21, $0xb8;
	[tilespmem:$0xA180] =	vst v63  }
0x6b: {  	_ = 	snop  }
0x6c: {  	[tilespmem:s13], [sflag:$0x4] =	stream.indirect.gather [hbm4b:s16+s21], $0x80, s25, s21, $0xb8;
	[tilespmem:$0xA180] =	vst v63  }
0x6d: {  	_ = 	snop  }
0x6e: {  	[tilespmem:s10], [sflag:$0x5] =	stream.indirect.gather [hbm4b:s16+s21], $0x80, s26, s21, $0xb8;
	[tilespmem:$0xA180] =	vst v63  }
0x6f: {  	_ = 	snop  }
0x70: {  	[tilespmem:s8], [sflag:$0x6] =	stream.indirect.gather [hbm4b:s16+s21], $0x80, s28, s21, $0xb8;
	[tilespmem:$0xA180] =	vst v63  }
0x71: {  	_ = 	snop  }
0x72: {  	[tilespmem:s7], [sflag:$0x7] =	stream.indirect.gather [hbm4b:s16+s21], $0x80, s29, s21, $0xb8;
	[tilespmem:$0xA180] =	vst v63  }
0x73: {  	_ = 	snop  }
0x74: {  	[tilespmem:s6], [sflag:$0x8] =	stream.indirect.gather [hbm4b:s16+s21], $0x80, s31, s21, $0xb8;
	[tilespmem:$0xA180] =	vst v63  }
0x75: {  	_ =	swait.ge [sflag:s30], $0x1400  }
0x76: {  	[sflag:s30] =	ssyncset.done $0x0  }
0x77: {  	[sflag:s30] =	ssyncadd.s32 $0xFFFFEC00  }
0x78: {  	[hbm4b:s11+s2] =	stream.linear.scatter [tilespmem:s20], [sflag:$0x9], $0x1400, $0x38;
	[tilespmem:$0xA180] =	vst v63  }
0x79: {  	_ =	swait.ge [sflag:s3], $0x1400  }
0x7a: {  	[sflag:s3] =	ssyncset.done $0x0  }
0x7b: {  	[sflag:s3] =	ssyncadd.s32 $0xFFFFEC00  }
0x7c: {  	_ =	swait.ge [sflag:s23], $0x1400  }
0x7d: {  	[sflag:s23] =	ssyncset.done $0x0  }
0x7e: {  	s0 =	rddreg [dreg:$0x3];
	[sflag:s23] =	ssyncadd.s32 $0xFFFFEC00  }
0x7f: {  	[hbm4b:s0+s2] =	stream.linear.scatter [tilespmem:s18], [sflag:$0x9], $0x1400, $0x38;
	[tilespmem:$0xA180] =	vst v63  }
0x80: {  	_ =	swait.ge [sflag:s3], $0x1400  }
0x81: {  	[sflag:s3] =	ssyncset.done $0x0  }
0x82: {  	[sflag:s3] =	ssyncadd.s32 $0xFFFFEC00  }
0x83: {  	_ =	swait.ge [sflag:s22], $0x1400  }
0x84: {  	[sflag:s22] =	ssyncset.done $0x0  }
0x85: {  	s0 =	rddreg [dreg:$0x4];
	[sflag:s22] =	ssyncadd.s32 $0xFFFFEC00  }
0x86: {  	[hbm4b:s0+s2] =	stream.linear.scatter [tilespmem:s15], [sflag:$0x9], $0x1400, $0x38;
	[tilespmem:$0xA180] =	vst v63  }
0x87: {  	_ =	swait.ge [sflag:s3], $0x1400  }
0x88: {  	[sflag:s3] =	ssyncset.done $0x0  }
0x89: {  	[sflag:s3] =	ssyncadd.s32 $0xFFFFEC00  }
0x8a: {  	_ =	swait.ge [sflag:s19], $0x1400  }
0x8b: {  	[sflag:s19] =	ssyncset.done $0x0  }
0x8c: {  	s0 =	rddreg [dreg:$0x5];
	[sflag:s19] =	ssyncadd.s32 $0xFFFFEC00  }
0x8d: {  	[hbm4b:s0+s2] =	stream.linear.scatter [tilespmem:s13], [sflag:$0x9], $0x1400, $0x38;
	[tilespmem:$0xA180] =	vst v63  }
0x8e: {  	_ =	swait.ge [sflag:s3], $0x1400  }
0x8f: {  	[sflag:s3] =	ssyncset.done $0x0  }
0x90: {  	[sflag:s3] =	ssyncadd.s32 $0xFFFFEC00  }
0x91: {  	_ =	swait.ge [sflag:s17], $0x1400  }
0x92: {  	[sflag:s17] =	ssyncset.done $0x0  }
0x93: {  	s0 =	rddreg [dreg:$0x6];
	[sflag:s17] =	ssyncadd.s32 $0xFFFFEC00  }
0x94: {  	[hbm4b:s0+s2] =	stream.linear.scatter [tilespmem:s10], [sflag:$0x9], $0x1400, $0x38;
	[tilespmem:$0xA180] =	vst v63  }
0x95: {  	_ =	swait.ge [sflag:s3], $0x1400  }
0x96: {  	[sflag:s3] =	ssyncset.done $0x0  }
0x97: {  	[sflag:s3] =	ssyncadd.s32 $0xFFFFEC00  }
0x98: {  	_ =	swait.ge [sflag:s14], $0x1400  }
0x99: {  	[sflag:s14] =	ssyncset.done $0x0  }
0x9a: {  	s0 =	rddreg [dreg:$0x7];
	[sflag:s14] =	ssyncadd.s32 $0xFFFFEC00  }
0x9b: {  	[hbm4b:s0+s2] =	stream.linear.scatter [tilespmem:s8], [sflag:$0x9], $0x1400, $0x38;
	[tilespmem:$0xA180] =	vst v63  }
0x9c: {  	_ =	swait.ge [sflag:s3], $0x1400  }
0x9d: {  	[sflag:s3] =	ssyncset.done $0x0  }
0x9e: {  	[sflag:s3] =	ssyncadd.s32 $0xFFFFEC00  }
0x9f: {  	_ =	swait.ge [sflag:s12], $0x1400  }
0xa0: {  	[sflag:s12] =	ssyncset.done $0x0  }
0xa1: {  	[sflag:s12] =	ssyncadd.s32 $0xFFFFEC00  }
0xa2: {  	[hbm4b:s5+s2] =	stream.linear.scatter [tilespmem:s7], [sflag:$0x9], $0x1400, $0x38;
	[tilespmem:$0xA180] =	vst v63  }
0xa3: {  	_ =	swait.ge [sflag:s3], $0x1400  }
0xa4: {  	[sflag:s3] =	ssyncset.done $0x0  }
0xa5: {  	[sflag:s3] =	ssyncadd.s32 $0xFFFFEC00  }
0xa6: {  	p1 =	sne.s32 s1, $0x1;
	_ =	swait.ge [sflag:s9], $0x1400  }
.Ltmp2:
0xa7: {  	[sflag:s9] =	ssyncset.done $0x0;
	(pc) =	sbr.rel @p1 .LBB2_2-.Ltmp2, $4  }
0xa8: {  	[sflag:s9] =	ssyncadd.s32 $0xFFFFEC00  }
0xa9: {  	[hbm4b:s4+s2] =	stream.linear.scatter [tilespmem:s6], [sflag:$0x9], $0x1400, $0x38;
	[tilespmem:$0xA180] =	vst v63  }
0xaa: {  	_ =	swait.ge [sflag:s3], $0x1400  }
0xab: {  	s1 =	sadd.s32 $0xFFFFFFFF, s1;
	s0 =	rddreg [dreg:$0x2];
	[sflag:s3] =	ssyncset.done $0x0  }
.LBB2_3:
0xac: {  	[sflag:s3] =	ssyncadd.s32 @p0 $0xFFFFEC00  }
0xad: {  	[tilespmem:s2], [sflag:$0x9] =	stream.linear.gather [hbm4b:s0+s2], $0x140, $0x38;
	[tilespmem:$0xA180] =	vst v63  }
0xae: {  	_ =	swait.ge [sflag:s3], $0x140  }
0xaf: {  	[sflag:s3] =	ssyncset.done $0x0  }
0xb0: {  	[sflag:s3] =	ssyncadd.s32 $0xFFFFFEC0  }
0xb1: {  	[tilespmem:s20], [sflag:$0x1] =	stream.indirect.gather [hbm4b:s16+s21], $0x80, s2, s21, $0xb8;
	[tilespmem:$0xA180] =	vst v63  }
0xb2: {  	_ = 	snop  }
0xb3: {  	[tilespmem:s18], [sflag:$0x2] =	stream.indirect.gather [hbm4b:s16+s21], $0x80, s21, s21, $0xb8;
	[tilespmem:$0xA180] =	vst v63  }
0xb4: {  	_ = 	snop  }
0xb5: {  	[tilespmem:s15], [sflag:$0x3] =	stream.indirect.gather [hbm4b:s16+s21], $0x80, s24, s21, $0xb8;
	[tilespmem:$0xA180] =	vst v63  }
0xb6: {  	_ = 	snop  }
0xb7: {  	[tilespmem:s13], [sflag:$0x4] =	stream.indirect.gather [hbm4b:s16+s21], $0x80, s25, s21, $0xb8;
	[tilespmem:$0xA180] =	vst v63  }
0xb8: {  	_ = 	snop  }
0xb9: {  	[tilespmem:s10], [sflag:$0x5] =	stream.indirect.gather [hbm4b:s16+s21], $0x80, s26, s21, $0xb8;
	[tilespmem:$0xA180] =	vst v63  }
0xba: {  	_ = 	snop  }
0xbb: {  	[tilespmem:s8], [sflag:$0x6] =	stream.indirect.gather [hbm4b:s16+s21], $0x80, s28, s21, $0xb8;
	[tilespmem:$0xA180] =	vst v63  }
0xbc: {  	_ = 	snop  }
0xbd: {  	[tilespmem:s7], [sflag:$0x7] =	stream.indirect.gather [hbm4b:s16+s21], $0x80, s29, s21, $0xb8;
	[tilespmem:$0xA180] =	vst v63  }
0xbe: {  	_ = 	snop  }
0xbf: {  	[tilespmem:s6], [sflag:$0x8] =	stream.indirect.gather [hbm4b:s16+s21], $0x80, s31, s21, $0xb8;
	[tilespmem:$0xA180] =	vst v63  }
0xc0: {  	_ =	swait.ge [sflag:s30], $0x1400  }
0xc1: {  	[sflag:s30] =	ssyncset.done $0x0  }
0xc2: {  	[sflag:s30] =	ssyncadd.s32 $0xFFFFEC00  }
0xc3: {  	[hbm4b:s11+s2] =	stream.linear.scatter [tilespmem:s20], [sflag:$0x9], $0x1400, $0x38;
	[tilespmem:$0xA180] =	vst v63  }
0xc4: {  	_ =	swait.ge [sflag:s3], $0x1400  }
0xc5: {  	[sflag:s3] =	ssyncset.done $0x0  }
0xc6: {  	[sflag:s3] =	ssyncadd.s32 $0xFFFFEC00  }
0xc7: {  	_ =	swait.ge [sflag:s23], $0x1400  }
0xc8: {  	[sflag:s23] =	ssyncset.done $0x0  }
0xc9: {  	s25 =	rddreg [dreg:$0x3];
	[sflag:s23] =	ssyncadd.s32 $0xFFFFEC00  }
0xca: {  	[hbm4b:s25+s2] =	stream.linear.scatter [tilespmem:s18], [sflag:$0x9], $0x1400, $0x38;
	[tilespmem:$0xA180] =	vst v63  }
0xcb: {  	_ =	swait.ge [sflag:s3], $0x1400  }
0xcc: {  	[sflag:s3] =	ssyncset.done $0x0  }
0xcd: {  	[sflag:s3] =	ssyncadd.s32 $0xFFFFEC00  }
0xce: {  	_ =	swait.ge [sflag:s22], $0x1400  }
0xcf: {  	[sflag:s22] =	ssyncset.done $0x0  }
0xd0: {  	s26 =	rddreg [dreg:$0x4];
	[sflag:s22] =	ssyncadd.s32 $0xFFFFEC00  }
0xd1: {  	[hbm4b:s26+s2] =	stream.linear.scatter [tilespmem:s15], [sflag:$0x9], $0x1400, $0x38;
	[tilespmem:$0xA180] =	vst v63  }
0xd2: {  	_ =	swait.ge [sflag:s3], $0x1400  }
0xd3: {  	[sflag:s3] =	ssyncset.done $0x0  }
0xd4: {  	[sflag:s3] =	ssyncadd.s32 $0xFFFFEC00  }
0xd5: {  	_ =	swait.ge [sflag:s19], $0x1400  }
0xd6: {  	[sflag:s19] =	ssyncset.done $0x0  }
0xd7: {  	s28 =	rddreg [dreg:$0x5];
	[sflag:s19] =	ssyncadd.s32 $0xFFFFEC00  }
0xd8: {  	[hbm4b:s28+s2] =	stream.linear.scatter [tilespmem:s13], [sflag:$0x9], $0x1400, $0x38;
	[tilespmem:$0xA180] =	vst v63  }
0xd9: {  	_ =	swait.ge [sflag:s3], $0x1400  }
0xda: {  	[sflag:s3] =	ssyncset.done $0x0  }
0xdb: {  	[sflag:s3] =	ssyncadd.s32 $0xFFFFEC00  }
0xdc: {  	_ =	swait.ge [sflag:s17], $0x1400  }
0xdd: {  	[sflag:s17] =	ssyncset.done $0x0  }
0xde: {  	s29 =	rddreg [dreg:$0x6];
	[sflag:s17] =	ssyncadd.s32 $0xFFFFEC00  }
0xdf: {  	[hbm4b:s29+s2] =	stream.linear.scatter [tilespmem:s10], [sflag:$0x9], $0x1400, $0x38;
	[tilespmem:$0xA180] =	vst v63  }
0xe0: {  	_ =	swait.ge [sflag:s3], $0x1400  }
0xe1: {  	[sflag:s3] =	ssyncset.done $0x0  }
0xe2: {  	[sflag:s3] =	ssyncadd.s32 $0xFFFFEC00  }
0xe3: {  	_ =	swait.ge [sflag:s14], $0x1400  }
0xe4: {  	[sflag:s14] =	ssyncset.done $0x0  }
0xe5: {  	s30 =	rddreg [dreg:$0x7];
	[sflag:s14] =	ssyncadd.s32 $0xFFFFEC00  }
0xe6: {  	[hbm4b:s30+s2] =	stream.linear.scatter [tilespmem:s8], [sflag:$0x9], $0x1400, $0x38;
	[tilespmem:$0xA180] =	vst v63  }
0xe7: {  	_ =	swait.ge [sflag:s3], $0x1400  }
0xe8: {  	[sflag:s3] =	ssyncset.done $0x0  }
0xe9: {  	[sflag:s3] =	ssyncadd.s32 $0xFFFFEC00  }
0xea: {  	_ =	swait.ge [sflag:s12], $0x1400  }
0xeb: {  	[sflag:s12] =	ssyncset.done $0x0  }
0xec: {  	[sflag:s12] =	ssyncadd.s32 $0xFFFFEC00  }
0xed: {  	[hbm4b:s5+s2] =	stream.linear.scatter [tilespmem:s7], [sflag:$0x9], $0x1400, $0x38;
	[tilespmem:$0xA180] =	vst v63  }
0xee: {  	_ =	swait.ge [sflag:s3], $0x1400  }
0xef: {  	[sflag:s3] =	ssyncset.done $0x0  }
0xf0: {  	[sflag:s3] =	ssyncadd.s32 $0xFFFFEC00  }
0xf1: {  	_ =	swait.ge [sflag:s9], $0x1400  }
0xf2: {  	[sflag:s9] =	ssyncset.done $0x0  }
0xf3: {  	[sflag:s9] =	ssyncadd.s32 $0xFFFFEC00  }
0xf4: {  	[hbm4b:s4+s2] =	stream.linear.scatter [tilespmem:s6], [sflag:$0x9], $0x1400, $0x38;
	[tilespmem:$0xA180] =	vst v63  }
0xf5: {  	_ =	swait.ge [sflag:s3], $0x1400  }
0xf6: {  	[sflag:s3] =	ssyncset.done $0x0  }
0xf7: {  	[sflag:s3] =	ssyncadd.s32 $0xFFFFEC00  }
0xf8: {  	_ =	sfence.sel $0x180000  }
0xf9: {  	[bflag:$0x0] =	sbarrier.arrive $0xFFFF  }
0xfa: {  	_ =	strace $0x90000047  }
0xfb: {  	s31 =	stileid.u32;
	[bflag:$0x2] =	sbarrier.arrive $0xFFFF  }
0xfc: {  	p0 =	sne.s32 s31, $0x0;
	s0 =	rddreg [dreg:$0x1]  }
0xfd: {  	s0 =	sadd.s32 @!p0 $0x100000, s0  }
0xfe: {  	[sflag:s0] =	ssyncadd.tile.s32 @!p0 $0x1;
	_ =	shalt  }
.Lfunc_end2:
_tile_overlayer_lowered:
.L_overlay_start_2:
0xff: {  	(tag) =	ssettag $0x2  }
0x100: {  	s0 =	rddreg [dreg:$0x0];
	s2 =	stileid.u32  }
0x101: {  	s1 =	rddreg [dreg:$0x1];
	p0 =	sne.s32 s2, $0x0  }
0x102: {  	s3 =	rddreg [dreg:$0x2];
	[bflag:$0x3] =	sbarrier.arrive $0xFFFF;
	s2 =	simm.s32 @!p0 $0x1C09  }
0x103: {  	[timem:s3], [sflag:s2] =	dma.local @!p0 [hbm:s0], s1  }
0x104: {  	s0 =	simm.s32 @!p0 $0x9  }
0x105: {  	_ =	swait.ge @!p0 [sflag:s0], s1  }
0x106: {  	s1 =	ssub.s32 @!p0 $0x0, s1;
	[sflag:s0] =	ssyncset.done @!p0 $0x0  }
0x107: {  	[sflag:s0] =	ssyncadd.s32 @!p0 s1  }
0x108: {  	[bflag:$0x3] =	sbarrier.arrive $0xFFFF  }
0x109: {  	_ =	shalt  }

</sc_bundles>
